<compile_context>
chip_gen: v7x
topology: tpu7x:2x2x1
jax: 0.10.2.dev20260603
libtpu: 0.0.44.dev20260713+nightly
codegen_flags: <defaults>
</compile_context>

<pallas_src>
import functools

import jax
import jax.numpy as jnp
from jax import lax
from jax.experimental import pallas as pl
from jax.experimental.pallas import tpu as pltpu
from jax.experimental.pallas import tpu_sc as plsc

N = 10000
D = 256
E = 160000
HALF = 128
NH = 2
NC = 2
NS = 16
LANES = 16
ROWS_PAD = 10240
CHUNK = 128
FEAT_CHUNKS = 80
ITERS = FEAT_CHUNKS // 2
ITERS_ALLOC = ITERS + 2
DEG_CHUNKS = 40
E_PAD = NS * FEAT_CHUNKS * CHUNK
RB = 1000

_MESH = plsc.VectorSubcoreMesh(core_axis_name="c", subcore_axis_name="s")



def _sc_degree(dst_deg):

    @functools.partial(
        pl.kernel,
        out_type=jax.ShapeDtypeStruct((NC * ROWS_PAD,), jnp.float32),
        mesh=_MESH,
        scratch_types=[
            pltpu.VMEM((DEG_CHUNKS, CHUNK), jnp.int32),
            pltpu.VMEM((CHUNK,), jnp.float32),
            pltpu.VMEM((640,), jnp.float32),
            pltpu.VMEM_SHARED((ROWS_PAD,), jnp.float32),
        ],
    )
    def k(idx_hbm, out_hbm, idx_v, ones_v, zero_v, acc_sh):
        c = lax.axis_index("c")
        s = lax.axis_index("s")
        wid = c * NS + s
        pltpu.sync_copy(idx_hbm.at[wid], idx_v)

        @pl.loop(0, CHUNK, step=LANES)
        def _(i):
            ones_v[pl.ds(i, LANES)] = jnp.ones((LANES,), jnp.float32)

        @pl.loop(0, 640, step=LANES)
        def _(i):
            zero_v[pl.ds(i, LANES)] = jnp.zeros((LANES,), jnp.float32)

        pltpu.sync_copy(zero_v, acc_sh.at[pl.ds(s * 640, 640)])
        plsc.subcore_barrier()

        @pl.loop(0, DEG_CHUNKS)
        def _(j):
            pltpu.sync_copy(ones_v, acc_sh.at[idx_v.at[j]], add=True)

        plsc.subcore_barrier()
        pltpu.sync_copy(acc_sh.at[pl.ds(s * 640, 640)],
                        out_hbm.at[pl.ds(wid * 640, 640)])

    return k(dst_deg)


def _sc_aggregate(y_cat, idx_all):

    @functools.partial(
        pl.kernel,
        out_type=jax.ShapeDtypeStruct((NH, N, HALF), jnp.float32),
        mesh=_MESH,
        scratch_types=[
            pltpu.VMEM((4, CHUNK), jnp.int32),
            pltpu.VMEM((4, CHUNK), jnp.int32),
            pltpu.VMEM((CHUNK, HALF), jnp.float32),
            pltpu.VMEM((CHUNK, HALF), jnp.float32),
            pltpu.VMEM_SHARED((ROWS_PAD, HALF), jnp.float32),
            pltpu.SemaphoreType.DMA,
            pltpu.SemaphoreType.DMA,
            pltpu.SemaphoreType.DMA,
            pltpu.SemaphoreType.DMA,
            pltpu.SemaphoreType.DMA,
            pltpu.SemaphoreType.DMA,
        ],
    )
    def k(y_hbm, idx_hbm, out_hbm,
          idx0, idx1, buf_a, buf_b, acc_sh, sem_a, sem_b, sem_i0, sem_i1,
          sem_sa, sem_sb):
        c = lax.axis_index("c")
        s = lax.axis_index("s")
        base = s * ITERS_ALLOC

        @pl.loop(0, CHUNK)
        def _(r):
            @pl.loop(0, HALF, step=LANES)
            def _(i2):
                buf_a[r, pl.ds(i2, LANES)] = jnp.zeros((LANES,), jnp.float32)

        @pl.loop(0, 5)
        def _(i):
            pltpu.sync_copy(buf_a, acc_sh.at[pl.ds(s * 640 + i * CHUNK, CHUNK)])

        plsc.subcore_barrier()

        def pipeline(y_view):
            pltpu.sync_copy(idx_hbm.at[base], idx0)
            pltpu.async_copy(idx_hbm.at[base + 1], idx1, sem_i1)
            pltpu.async_copy(y_view.at[idx0.at[0]], buf_a, sem_a)
            pltpu.async_copy(y_view.at[idx0.at[1]], buf_b, sem_b)

            @pl.loop(0, ITERS, step=2)
            def _(jj):
                pltpu.make_async_copy(y_view.at[idx0.at[0]], buf_a, sem_a).wait()
                pltpu.async_copy(buf_a, acc_sh.at[idx0.at[2]], sem_sa, add=True)
                pltpu.make_async_copy(y_view.at[idx0.at[1]], buf_b, sem_b).wait()
                pltpu.async_copy(buf_b, acc_sh.at[idx0.at[3]], sem_sb, add=True)
                pltpu.make_async_copy(idx_hbm.at[base], idx1, sem_i1).wait()
                pltpu.make_async_copy(buf_a, acc_sh.at[idx0.at[2]], sem_sa).wait()
                pltpu.async_copy(y_view.at[idx1.at[0]], buf_a, sem_a)
                pltpu.make_async_copy(buf_b, acc_sh.at[idx0.at[3]], sem_sb).wait()
                pltpu.async_copy(y_view.at[idx1.at[1]], buf_b, sem_b)
                pltpu.async_copy(idx_hbm.at[base + jj + 2], idx0, sem_i0)
                pltpu.make_async_copy(y_view.at[idx1.at[0]], buf_a, sem_a).wait()
                pltpu.async_copy(buf_a, acc_sh.at[idx1.at[2]], sem_sa, add=True)
                pltpu.make_async_copy(y_view.at[idx1.at[1]], buf_b, sem_b).wait()
                pltpu.async_copy(buf_b, acc_sh.at[idx1.at[3]], sem_sb, add=True)
                pltpu.make_async_copy(idx_hbm.at[base], idx0, sem_i0).wait()
                pltpu.make_async_copy(buf_a, acc_sh.at[idx1.at[2]], sem_sa).wait()
                pltpu.async_copy(y_view.at[idx0.at[0]], buf_a, sem_a)
                pltpu.make_async_copy(buf_b, acc_sh.at[idx1.at[3]], sem_sb).wait()
                pltpu.async_copy(y_view.at[idx0.at[1]], buf_b, sem_b)
                pltpu.async_copy(idx_hbm.at[base + jj + 3], idx1, sem_i1)

            pltpu.make_async_copy(y_view.at[idx0.at[0]], buf_a, sem_a).wait()
            pltpu.make_async_copy(y_view.at[idx0.at[1]], buf_b, sem_b).wait()
            pltpu.make_async_copy(idx_hbm.at[base], idx1, sem_i1).wait()

        @pl.when(c == 0)
        def _():
            pipeline(y_hbm.at[0])

        @pl.when(c == 1)
        def _():
            pipeline(y_hbm.at[1])

        plsc.subcore_barrier()

        def writeout(o_view):
            pltpu.sync_copy(acc_sh.at[pl.ds(s * 624, 624)],
                            o_view.at[pl.ds(s * 624, 624)])

            @pl.when(s == NS - 1)
            def _():
                pltpu.sync_copy(acc_sh.at[pl.ds(NS * 624, N - NS * 624)],
                                o_view.at[pl.ds(NS * 624, N - NS * 624)])

        @pl.when(c == 0)
        def _():
            writeout(out_hbm.at[0])

        @pl.when(c == 1)
        def _():
            writeout(out_hbm.at[1])

    return k(y_cat, idx_all)



def _dot3(a, b, dn):
    return lax.dot_general(a, b, dn, preferred_element_type=jnp.float32)


_DN_TT = (((1,), (1,)), ((), ()))
_DN_TN = (((1,), (0,)), ((), ()))


def _dis_kernel(p):

    def body(p_ref, o_ref):
        o_ref[...] = lax.rsqrt(p_ref[0] + p_ref[1] + 1.0)

    return pl.pallas_call(
        body,
        out_shape=jax.ShapeDtypeStruct((ROWS_PAD // CHUNK, CHUNK), jnp.float32),
    )(p)


def _mm0_scale(x, w0, b0, w, dis):

    def body(x_ref, w0_ref, b0_ref, w_ref, dis_ref, o_ref):
        h = _dot3(x_ref[...], w0_ref[...], _DN_TT)
        h = jnp.maximum(h + b0_ref[...], 0.0)
        z = _dot3(h, w_ref[...], _DN_TT)
        z = z * dis_ref[...]
        for q in range(NH):
            o_ref[q] = z[:, q * HALF:(q + 1) * HALF]

    return pl.pallas_call(
        body,
        grid=(N // RB,),
        in_specs=[
            pl.BlockSpec((RB, D), lambda i: (i, 0)),
            pl.BlockSpec((D, D), lambda i: (0, 0)),
            pl.BlockSpec((1, D), lambda i: (0, 0)),
            pl.BlockSpec((D, D), lambda i: (0, 0)),
            pl.BlockSpec((RB, 1), lambda i: (i, 0)),
        ],
        out_specs=pl.BlockSpec((NH, RB, HALF), lambda i: (0, i, 0)),
        out_shape=jax.ShapeDtypeStruct((NH, N, HALF), jnp.float32),
    )(x, w0, b0, w, dis)


def _comb_mm(acc, y, dis, b, w):

    def body(a_ref, y_ref, dis_ref, b_ref, w_ref, o_ref):
        dis_v = dis_ref[...]
        w_v = w_ref[...]
        z = None
        for q in range(NH):
            h_q = jnp.maximum(dis_v * (a_ref[q] + y_ref[q]) + b_ref[q], 0.0)
            t = _dot3(h_q, w_v[:, q * HALF:(q + 1) * HALF], _DN_TT)
            z = t if z is None else z + t
        z = z * dis_v
        for q in range(NH):
            o_ref[q] = z[:, q * HALF:(q + 1) * HALF]

    return pl.pallas_call(
        body,
        grid=(N // RB,),
        in_specs=[
            pl.BlockSpec((NH, RB, HALF), lambda i: (0, i, 0)),
            pl.BlockSpec((NH, RB, HALF), lambda i: (0, i, 0)),
            pl.BlockSpec((RB, 1), lambda i: (i, 0)),
            pl.BlockSpec((NH, 1, HALF), lambda i: (0, 0, 0)),
            pl.BlockSpec((D, D), lambda i: (0, 0)),
        ],
        out_specs=pl.BlockSpec((NH, RB, HALF), lambda i: (0, i, 0)),
        out_shape=jax.ShapeDtypeStruct((NH, N, HALF), jnp.float32),
    )(acc, y, dis, b, w)


def _final(acc, y, dis, b, w1, b1):

    def body(a_ref, y_ref, dis_ref, b_ref, w_ref, b1_ref, o_ref):
        dis_v = dis_ref[...]
        z = None
        for q in range(NH):
            h_q = jnp.maximum(dis_v * (a_ref[q] + y_ref[q]) + b_ref[q], 0.0)
            t = _dot3(h_q, w_ref[q], _DN_TN)
            z = t if z is None else z + t
        o_ref[...] = z + b1_ref[0, 0]

    return pl.pallas_call(
        body,
        grid=(N // RB,),
        in_specs=[
            pl.BlockSpec((NH, RB, HALF), lambda i: (0, i, 0)),
            pl.BlockSpec((NH, RB, HALF), lambda i: (0, i, 0)),
            pl.BlockSpec((RB, 1), lambda i: (i, 0)),
            pl.BlockSpec((NH, 1, HALF), lambda i: (0, 0, 0)),
            pl.BlockSpec((NH, HALF, 1), lambda i: (0, 0, 0)),
            pl.BlockSpec((1, 1), lambda i: (0, 0)),
        ],
        out_specs=pl.BlockSpec((RB, 1), lambda i: (i, 0)),
        out_shape=jax.ShapeDtypeStruct((N, 1), jnp.float32),
    )(acc, y, dis, b, w1, b1)



def kernel(x, edge_index, W0, b0, Wc1, bc1, Wc2, bc2, W1, b1):
    x = x.astype(jnp.float32)
    src = edge_index[0].astype(jnp.int32)
    dst = edge_index[1].astype(jnp.int32)

    pad = E_PAD - E
    ar = jnp.arange(pad, dtype=jnp.int32)
    srcp = jnp.concatenate([src, (ar * 97) % N])
    dstp = jnp.concatenate([dst, N + (ar % (ROWS_PAD - N))])

    src_t = srcp.reshape(NS, ITERS, 2, CHUNK)
    dst_t = dstp.reshape(NS, ITERS, 2, CHUNK)
    main = jnp.concatenate([src_t, dst_t], axis=2)
    ex_ar = jnp.arange(NS * 2 * 2 * CHUNK, dtype=jnp.int32)
    over_src = ((ex_ar * 31) % N).reshape(NS, 2, 2, CHUNK)
    over_dst = (N + (ex_ar % (ROWS_PAD - N))).reshape(NS, 2, 2, CHUNK)
    over = jnp.concatenate([over_src, over_dst], axis=2)
    idx_all = jnp.concatenate([main, over], axis=1
                              ).reshape(NS * ITERS_ALLOC, 4, CHUNK)
    dst_deg = dstp.reshape(NC * NS, DEG_CHUNKS, CHUNK)

    degp = _sc_degree(dst_deg)
    dis = _dis_kernel(degp.reshape(NC, ROWS_PAD // CHUNK, CHUNK))
    dis = dis.reshape(ROWS_PAD)[:N].reshape(N, 1)

    y1 = _mm0_scale(x, W0, b0.reshape(1, D), Wc1, dis)
    acc1 = _sc_aggregate(y1, idx_all)
    y2 = _comb_mm(acc1, y1, dis, bc1.reshape(NH, 1, HALF), Wc2)
    acc2 = _sc_aggregate(y2, idx_all)
    out = _final(acc2, y2, dis, bc2.reshape(NH, 1, HALF),
                 W1.reshape(NH, HALF, 1), b1.reshape(1, 1))
    return out

# --- scband reference (transcript-rebuilt; emitter-appended) ---
"""Pipeline reference for scband-gcn-16716012716349 (READ-ONLY COPY).

The authoritative reference and input builder live on the scoring server;
editing this copy changes nothing except your own understanding.
"""

import jax, jax.numpy as jnp
import numpy as np

N_NODES = 10000
N_EDGES = 160000
D = 256


def setup_inputs(seed: int = 0) -> dict:
    key = jax.random.key(seed)
    ks = jax.random.split(key, 12)
    x = jax.random.normal(ks[0], (N_NODES, D), dtype=jnp.float32)
    edge_index = jax.random.randint(ks[1], (2, N_EDGES), 0, N_NODES, dtype=jnp.int64)
    W0 = jax.random.normal(ks[2], (D, D), dtype=jnp.float32) * 0.05
    b0 = jax.random.normal(ks[3], (D,), dtype=jnp.float32) * 0.05
    Wc1 = jax.random.normal(ks[4], (D, D), dtype=jnp.float32) * 0.05
    bc1 = jax.random.normal(ks[5], (D,), dtype=jnp.float32) * 0.05
    Wc2 = jax.random.normal(ks[6], (D, D), dtype=jnp.float32) * 0.05
    bc2 = jax.random.normal(ks[7], (D,), dtype=jnp.float32) * 0.05
    W1 = jax.random.normal(ks[8], (1, D), dtype=jnp.float32) * 0.05
    b1 = jax.random.normal(ks[9], (1,), dtype=jnp.float32) * 0.05
    return {"x": x, "edge_index": edge_index, "W0": W0, "b0": b0,
            "Wc1": Wc1, "bc1": bc1, "Wc2": Wc2, "bc2": bc2,
            "W1": W1, "b1": b1}


def gcn_conv(x, src, dst, W, b, n_nodes):
    # PyG GCNConv: add self loops, symmetric normalization, linear (no bias in lin), then bias
    loop = jnp.arange(n_nodes, dtype=src.dtype)
    s = jnp.concatenate([src, loop])
    d = jnp.concatenate([dst, loop])
    ew = jnp.ones(s.shape[0], dtype=x.dtype)
    deg = jax.ops.segment_sum(ew, d, num_segments=n_nodes)
    dis = jnp.where(deg > 0, jax.lax.rsqrt(jnp.maximum(deg, 1e-12)), 0.0)
    norm = dis[s] * ew * dis[d]
    xw = x @ W.T
    msg = xw[s] * norm[:, None]
    out = jax.ops.segment_sum(msg, d, num_segments=n_nodes)
    return out + b


def reference(x, edge_index, W0, b0, Wc1, bc1, Wc2, bc2, W1, b1):
    # dropout p=0.0 in eval mode -> identity
    src, dst = edge_index[0], edge_index[1]
    h = jax.nn.relu(x @ W0.T + b0)
    h = jax.nn.relu(gcn_conv(h, src, dst, Wc1, bc1, N_NODES))
    h = jax.nn.relu(gcn_conv(h, src, dst, Wc2, bc2, N_NODES))
    out = h @ W1.T + b1
    return out

if __name__ == "__main__":
    import jax
    _d = setup_inputs()
    print(jax.jit(kernel)(*tuple(_d.values())))

</pallas_src>

<mosaic_0001>
#map = affine_map<(d0, d1) -> (0, 0, 0)>
module attributes {stable_mosaic.version = 14 : i64} {
  func.func @k(%arg0: i32, %arg1: i32, %arg2: memref<2x10000x128xf32, #tpu.memory_space<hbm>>, %arg3: memref<672x4x128xi32, #tpu.memory_space<hbm>>, %arg4: memref<2x10000x128xf32, #tpu.memory_space<hbm>>, %arg5: memref<4x128xi32, #tpu.memory_space<vmem>>, %arg6: memref<4x128xi32, #tpu.memory_space<vmem>>, %arg7: memref<128x128xf32, #tpu.memory_space<vmem>>, %arg8: memref<128x128xf32, #tpu.memory_space<vmem>>, %arg9: memref<10240x128xf32, #tpu.memory_space<vmem_shared>>, %arg10: memref<!tpu.dma_semaphore, #tpu.memory_space<semaphore_mem>>, %arg11: memref<!tpu.dma_semaphore, #tpu.memory_space<semaphore_mem>>, %arg12: memref<!tpu.dma_semaphore, #tpu.memory_space<semaphore_mem>>, %arg13: memref<!tpu.dma_semaphore, #tpu.memory_space<semaphore_mem>>, %arg14: memref<!tpu.dma_semaphore, #tpu.memory_space<semaphore_mem>>, %arg15: memref<!tpu.dma_semaphore, #tpu.memory_space<semaphore_mem>>) attributes {dimension_semantics = [#tpu.dimension_semantics<core_parallel>, #tpu.dimension_semantics<subcore_parallel>], iteration_bounds = array<i64: 2, 16>, scalar_prefetch = 0 : i64, scratch_operands = 11 : i64, tpu.core_type = #tpu.core_type<sc_vector_subcore>, window_params = [{transform_indices = #map}, {transform_indices = #map}, {transform_indices = #map}]} {
    %mul3A = arith.constant 42 : i32
    %mul3A_0 = arith.muli %arg1, %mul3A : i32
    %scan3A = arith.constant 0 : i32
    %scan3A_1 = arith.constant 128 : i32
    %scan3A_2 = arith.addi %scan3A, %scan3A_1 : i32
    %scan3A_3 = arith.constant 1 : i32
    scf.for %scan3A_28 = %scan3A to %scan3A_2 step %scan3A_3  : i32 {
      %mul3A_29 = arith.constant 1 : i32
      %mul3A_30 = arith.muli %scan3A_28, %mul3A_29 : i32
      %add3A = arith.constant 0 : i32
      %add3A_31 = arith.addi %add3A, %mul3A_30 : i32
      %scan3A_32 = arith.constant 0 : i32
      %scan3A_33 = arith.constant 8 : i32
      %scan3A_34 = arith.addi %scan3A_32, %scan3A_33 : i32
      %scan3A_35 = arith.constant 1 : i32
      scf.for %scan3A_37 = %scan3A_32 to %scan3A_34 step %scan3A_35  : i32 {
        %mul3A_38 = arith.constant 16 : i32
        %mul3A_39 = arith.muli %scan3A_37, %mul3A_38 : i32
        %add3A_40 = arith.constant 0 : i32
        %add3A_41 = arith.addi %add3A_40, %mul3A_39 : i32
        %broadcast_in_dim3A = arith.constant 0.000000e+00 : f32
        %broadcast_in_dim3A_42 = vector.broadcast %broadcast_in_dim3A : f32 to vector<16xf32>
        %swap3A = arith.index_cast %add3A_31 : i32 to index
        %swap3A_43 = arith.index_cast %add3A_41 : i32 to index
        %swap3A_44 = tpu.vector_load %arg7[%swap3A, %swap3A_43] {strides = array<i32>} : memref<128x128xf32, #tpu.memory_space<vmem>>, vector<1x16xf32>,
        %swap3A_45 = vector.shape_cast %swap3A_44 : vector<1x16xf32> to vector<16xf32>
        %swap3A_46 = vector.shape_cast %broadcast_in_dim3A_42 : vector<16xf32> to vector<1x16xf32>
        tpu.vector_store %arg7[%swap3A, %swap3A_43], %swap3A_46 {strides = array<i32>} : memref<128x128xf32, #tpu.memory_space<vmem>>, vector<1x16xf32>,
      }
      %scan3A_36 = arith.constant 8 : i32
    }
    %scan3A_4 = arith.constant 128 : i32
    %scan3A_5 = arith.constant 0 : i32
    %scan3A_6 = arith.constant 5 : i32
    %scan3A_7 = arith.addi %scan3A_5, %scan3A_6 : i32
    %scan3A_8 = arith.constant 1 : i32
    scf.for %scan3A_28 = %scan3A_5 to %scan3A_7 step %scan3A_8  : i32 {
      %mul3A_29 = arith.constant 1 : i32
      %mul3A_30 = arith.muli %scan3A_28, %mul3A_29 : i32
      %add3A = arith.constant 0 : i32
      %add3A_31 = arith.addi %add3A, %mul3A_30 : i32
      %mul3A_32 = arith.constant 640 : i32
      %mul3A_33 = arith.muli %arg1, %mul3A_32 : i32
      %mul3A_34 = arith.constant 128 : i32
      %mul3A_35 = arith.muli %add3A_31, %mul3A_34 : i32
      %add3A_36 = arith.addi %mul3A_33, %mul3A_35 : i32
      "tpu.region"() ({
        %run_scoped3A = tpu.sem_alloc : memref<!tpu.dma_semaphore, #tpu.memory_space<semaphore_mem>>
        %dma_start3A = arith.constant 0 : i32
        %dma_start3A_37 = tpu.memref_slice %arg9[%add3A_36, %dma_start3A] : memref<10240x128xf32, #tpu.memory_space<vmem_shared>> -> memref<128x128xf32, #tpu.memory_space<vmem_shared>>
        %dma_start3A_38 = arith.constant 0 : i32
        %dma_start3A_39 = tpu.memref_slice %arg9[%add3A_36, %dma_start3A_38] : memref<10240x128xf32, #tpu.memory_space<vmem_shared>> -> memref<128x128xf32, #tpu.memory_space<vmem_shared>>
        tpu.enqueue_dma source(%arg7 : memref<128x128xf32, #tpu.memory_space<vmem>>) target(%dma_start3A_39 : memref<128x128xf32, #tpu.memory_space<vmem_shared>>) target_semaphore(%run_scoped3A : memref<!tpu.dma_semaphore, #tpu.memory_space<semaphore_mem>>)
        %dma_wait3A = arith.constant 0 : i32
        %dma_wait3A_40 = tpu.memref_slice %arg9[%add3A_36, %dma_wait3A] : memref<10240x128xf32, #tpu.memory_space<vmem_shared>> -> memref<128x128xf32, #tpu.memory_space<vmem_shared>>
        %dma_wait3A_41 = arith.constant 0 : i32
        %dma_wait3A_42 = tpu.memref_slice %arg9[%add3A_36, %dma_wait3A_41] : memref<10240x128xf32, #tpu.memory_space<vmem_shared>> -> memref<128x128xf32, #tpu.memory_space<vmem_shared>>
        tpu.wait_dma2 semaphore(%run_scoped3A : memref<!tpu.dma_semaphore, #tpu.memory_space<semaphore_mem>>) src(%arg7 : memref<128x128xf32, #tpu.memory_space<vmem>>) dst(%dma_wait3A_42 : memref<128x128xf32, #tpu.memory_space<vmem_shared>>)
        tpu.yield
      }) : () -> ()
    }
    %scan3A_9 = arith.constant 5 : i32
    %barrier3A = arith.constant 0 : index
    tpu.barrier barrier_id(%barrier3A)
    %eq3A = arith.constant 0 : i32
    %eq3A_10 = arith.cmpi eq, %arg0, %eq3A : i32
    %convert_element_type3A = arith.extui %eq3A_10 : i1 to i32
    %cond3A = arith.constant 0 : i32
    %cond3A_11 = arith.cmpi ne, %convert_element_type3A, %cond3A : i32
    scf.if %cond3A_11 {
      "tpu.region"() ({
        %run_scoped3A = tpu.sem_alloc : memref<!tpu.dma_semaphore, #tpu.memory_space<semaphore_mem>>
        %dma_start3A_97 = arith.constant 0 : i32
        %dma_start3A_98 = arith.constant 0 : i32
        %dma_start3A_99 = tpu.memref_slice %arg3[%mul3A_0, %dma_start3A_97, %dma_start3A_98] : memref<672x4x128xi32, #tpu.memory_space<hbm>> -> memref<1x4x128xi32, #tpu.memory_space<hbm>>
        %dma_start3A_100 = tpu.memref_squeeze %dma_start3A_99 : memref<1x4x128xi32, #tpu.memory_space<hbm>> -> memref<4x128xi32, #tpu.memory_space<hbm>>
        %dma_start3A_101 = arith.constant 0 : i32
        %dma_start3A_102 = arith.constant 0 : i32
        %dma_start3A_103 = tpu.memref_slice %arg3[%mul3A_0, %dma_start3A_101, %dma_start3A_102] : memref<672x4x128xi32, #tpu.memory_space<hbm>> -> memref<1x4x128xi32, #tpu.memory_space<hbm>>
        %dma_start3A_104 = tpu.memref_squeeze %dma_start3A_103 : memref<1x4x128xi32, #tpu.memory_space<hbm>> -> memref<4x128xi32, #tpu.memory_space<hbm>>
        tpu.enqueue_dma source(%dma_start3A_104 : memref<4x128xi32, #tpu.memory_space<hbm>>) target(%arg5 : memref<4x128xi32, #tpu.memory_space<vmem>>) target_semaphore(%run_scoped3A : memref<!tpu.dma_semaphore, #tpu.memory_space<semaphore_mem>>)
        %dma_wait3A_105 = arith.constant 0 : i32
        %dma_wait3A_106 = arith.constant 0 : i32
        %dma_wait3A_107 = tpu.memref_slice %arg3[%mul3A_0, %dma_wait3A_105, %dma_wait3A_106] : memref<672x4x128xi32, #tpu.memory_space<hbm>> -> memref<1x4x128xi32, #tpu.memory_space<hbm>>
        %dma_wait3A_108 = tpu.memref_squeeze %dma_wait3A_107 : memref<1x4x128xi32, #tpu.memory_space<hbm>> -> memref<4x128xi32, #tpu.memory_space<hbm>>
        %dma_wait3A_109 = arith.constant 0 : i32
        %dma_wait3A_110 = arith.constant 0 : i32
        %dma_wait3A_111 = tpu.memref_slice %arg3[%mul3A_0, %dma_wait3A_109, %dma_wait3A_110] : memref<672x4x128xi32, #tpu.memory_space<hbm>> -> memref<1x4x128xi32, #tpu.memory_space<hbm>>
        %dma_wait3A_112 = tpu.memref_squeeze %dma_wait3A_111 : memref<1x4x128xi32, #tpu.memory_space<hbm>> -> memref<4x128xi32, #tpu.memory_space<hbm>>
        tpu.wait_dma2 semaphore(%run_scoped3A : memref<!tpu.dma_semaphore, #tpu.memory_space<semaphore_mem>>) src(%dma_wait3A_112 : memref<4x128xi32, #tpu.memory_space<hbm>>) dst(%arg5 : memref<4x128xi32, #tpu.memory_space<vmem>>)
        tpu.yield
      }) : () -> ()
      %add3A = arith.constant 1 : i32
      %add3A_28 = arith.addi %mul3A_0, %add3A : i32
      %dma_start3A = arith.constant 0 : i32
      %dma_start3A_29 = arith.constant 0 : i32
      %dma_start3A_30 = tpu.memref_slice %arg3[%add3A_28, %dma_start3A, %dma_start3A_29] : memref<672x4x128xi32, #tpu.memory_space<hbm>> -> memref<1x4x128xi32, #tpu.memory_space<hbm>>
      %dma_start3A_31 = tpu.memref_squeeze %dma_start3A_30 : memref<1x4x128xi32, #tpu.memory_space<hbm>> -> memref<4x128xi32, #tpu.memory_space<hbm>>
      %dma_start3A_32 = arith.constant 0 : i32
      %dma_start3A_33 = arith.constant 0 : i32
      %dma_start3A_34 = tpu.memref_slice %arg3[%add3A_28, %dma_start3A_32, %dma_start3A_33] : memref<672x4x128xi32, #tpu.memory_space<hbm>> -> memref<1x4x128xi32, #tpu.memory_space<hbm>>
      %dma_start3A_35 = tpu.memref_squeeze %dma_start3A_34 : memref<1x4x128xi32, #tpu.memory_space<hbm>> -> memref<4x128xi32, #tpu.memory_space<hbm>>
      tpu.enqueue_dma source(%dma_start3A_35 : memref<4x128xi32, #tpu.memory_space<hbm>>) target(%arg6 : memref<4x128xi32, #tpu.memory_space<vmem>>) target_semaphore(%arg13 : memref<!tpu.dma_semaphore, #tpu.memory_space<semaphore_mem>>)
      %dma_start3A_36 = arith.constant 0 : i32
      %dma_start3A_37 = arith.constant 0 : i32
      %dma_start3A_38 = arith.constant 0 : i32
      %dma_start3A_39 = tpu.memref_slice %arg5[%dma_start3A_37, %dma_start3A_38] : memref<4x128xi32, #tpu.memory_space<vmem>> -> memref<1x128xi32, #tpu.memory_space<vmem>>
      %dma_start3A_40 = tpu.memref_squeeze %dma_start3A_39 : memref<1x128xi32, #tpu.memory_space<vmem>> -> memref<128xi32, #tpu.memory_space<vmem>>
      %dma_start3A_41 = arith.constant 0 : i32
      %dma_start3A_42 = arith.constant 0 : i32
      %dma_start3A_43 = tpu.memref_slice %arg2[%dma_start3A_36, %dma_start3A_41, %dma_start3A_42] : memref<2x10000x128xf32, #tpu.memory_space<hbm>> -> memref<1x10000x128xf32, #tpu.memory_space<hbm>>
      %dma_start3A_44 = tpu.memref_squeeze %dma_start3A_43 : memref<1x10000x128xf32, #tpu.memory_space<hbm>> -> memref<10000x128xf32, #tpu.memory_space<hbm>>
      %dma_start3A_45 = arith.constant 0 : i32
      %dma_start3A_46 = arith.constant 0 : i32
      %dma_start3A_47 = tpu.memref_slice %dma_start3A_44[%dma_start3A_45, %dma_start3A_46] : memref<10000x128xf32, #tpu.memory_space<hbm>> -> memref<10000x128xf32, #tpu.memory_space<hbm>>
      tpu.enqueue_indirect_dma source(%dma_start3A_47 : memref<10000x128xf32, #tpu.memory_space<hbm>>) target(%arg7 : memref<128x128xf32, #tpu.memory_space<vmem>>) offsets(%dma_start3A_40 : memref<128xi32, #tpu.memory_space<vmem>>) semaphore(%arg10 : memref<!tpu.dma_semaphore, #tpu.memory_space<semaphore_mem>>)
      %dma_start3A_48 = arith.constant 0 : i32
      %dma_start3A_49 = arith.constant 1 : i32
      %dma_start3A_50 = arith.constant 0 : i32
      %dma_start3A_51 = tpu.memref_slice %arg5[%dma_start3A_49, %dma_start3A_50] : memref<4x128xi32, #tpu.memory_space<vmem>> -> memref<1x128xi32, #tpu.memory_space<vmem>>
      %dma_start3A_52 = tpu.memref_squeeze %dma_start3A_51 : memref<1x128xi32, #tpu.memory_space<vmem>> -> memref<128xi32, #tpu.memory_space<vmem>>
      %dma_start3A_53 = arith.constant 0 : i32
      %dma_start3A_54 = arith.constant 0 : i32
      %dma_start3A_55 = tpu.memref_slice %arg2[%dma_start3A_48, %dma_start3A_53, %dma_start3A_54] : memref<2x10000x128xf32, #tpu.memory_space<hbm>> -> memref<1x10000x128xf32, #tpu.memory_space<hbm>>
      %dma_start3A_56 = tpu.memref_squeeze %dma_start3A_55 : memref<1x10000x128xf32, #tpu.memory_space<hbm>> -> memref<10000x128xf32, #tpu.memory_space<hbm>>
      %dma_start3A_57 = arith.constant 0 : i32
      %dma_start3A_58 = arith.constant 0 : i32
      %dma_start3A_59 = tpu.memref_slice %dma_start3A_56[%dma_start3A_57, %dma_start3A_58] : memref<10000x128xf32, #tpu.memory_space<hbm>> -> memref<10000x128xf32, #tpu.memory_space<hbm>>
      tpu.enqueue_indirect_dma source(%dma_start3A_59 : memref<10000x128xf32, #tpu.memory_space<hbm>>) target(%arg8 : memref<128x128xf32, #tpu.memory_space<vmem>>) offsets(%dma_start3A_52 : memref<128xi32, #tpu.memory_space<vmem>>) semaphore(%arg11 : memref<!tpu.dma_semaphore, #tpu.memory_space<semaphore_mem>>)
      %scan3A_60 = arith.constant 0 : i32
      %scan3A_61 = arith.constant 0 : i32
      %scan3A_62 = arith.constant 20 : i32
      %scan3A_63 = arith.addi %scan3A_61, %scan3A_62 : i32
      %scan3A_64 = arith.constant 1 : i32
      scf.for %scan3A_97 = %scan3A_61 to %scan3A_63 step %scan3A_64  : i32 {
        %mul3A_98 = arith.constant 2 : i32
        %mul3A_99 = arith.muli %scan3A_97, %mul3A_98 : i32
        %add3A_100 = arith.constant 0 : i32
        %add3A_101 = arith.addi %add3A_100, %mul3A_99 : i32
        %dma_wait3A_102 = arith.constant 0 : i32
        %dma_wait3A_103 = arith.constant 0 : i32
        %dma_wait3A_104 = tpu.memref_slice %arg5[%dma_wait3A_102, %dma_wait3A_103] : memref<4x128xi32, #tpu.memory_space<vmem>> -> memref<1x128xi32, #tpu.memory_space<vmem>>
        %dma_wait3A_105 = tpu.memref_squeeze %dma_wait3A_104 : memref<1x128xi32, #tpu.memory_space<vmem>> -> memref<128xi32, #tpu.memory_space<vmem>>
        %dma_wait3A_106 = arith.constant 0 : i32
        %dma_wait3A_107 = arith.constant 0 : i32
        %dma_wait3A_108 = tpu.memref_slice %arg2[%scan3A_60, %dma_wait3A_106, %dma_wait3A_107] : memref<2x10000x128xf32, #tpu.memory_space<hbm>> -> memref<1x10000x128xf32, #tpu.memory_space<hbm>>
        %dma_wait3A_109 = tpu.memref_squeeze %dma_wait3A_108 : memref<1x10000x128xf32, #tpu.memory_space<hbm>> -> memref<10000x128xf32, #tpu.memory_space<hbm>>
        %dma_wait3A_110 = arith.constant 0 : i32
        %dma_wait3A_111 = arith.constant 0 : i32
        %dma_wait3A_112 = tpu.memref_slice %dma_wait3A_109[%dma_wait3A_110, %dma_wait3A_111] : memref<10000x128xf32, #tpu.memory_space<hbm>> -> memref<10000x128xf32, #tpu.memory_space<hbm>>
        tpu.wait_indirect_dma semaphore(%arg10 : memref<!tpu.dma_semaphore, #tpu.memory_space<semaphore_mem>>) src(%dma_wait3A_112 : memref<10000x128xf32, #tpu.memory_space<hbm>>) dst(%arg7 : memref<128x128xf32, #tpu.memory_space<vmem>>)
        %dma_start3A_113 = arith.constant 2 : i32
        %dma_start3A_114 = arith.constant 0 : i32
        %dma_start3A_115 = tpu.memref_slice %arg5[%dma_start3A_113, %dma_start3A_114] : memref<4x128xi32, #tpu.memory_space<vmem>> -> memref<1x128xi32, #tpu.memory_space<vmem>>
        %dma_start3A_116 = tpu.memref_squeeze %dma_start3A_115 : memref<1x128xi32, #tpu.memory_space<vmem>> -> memref<128xi32, #tpu.memory_space<vmem>>
        %dma_start3A_117 = arith.constant 0 : i32
        %dma_start3A_118 = arith.constant 0 : i32
        %dma_start3A_119 = tpu.memref_slice %arg9[%dma_start3A_117, %dma_start3A_118] : memref<10240x128xf32, #tpu.memory_space<vmem_shared>> -> memref<10240x128xf32, #tpu.memory_space<vmem_shared>>
        tpu.enqueue_indirect_dma source(%arg7 : memref<128x128xf32, #tpu.memory_space<vmem>>) target(%dma_start3A_119 : memref<10240x128xf32, #tpu.memory_space<vmem_shared>>) offsets(%dma_start3A_116 : memref<128xi32, #tpu.memory_space<vmem>>) semaphore(%arg14 : memref<!tpu.dma_semaphore, #tpu.memory_space<semaphore_mem>>) {add = true}
        %dma_wait3A_120 = arith.constant 1 : i32
        %dma_wait3A_121 = arith.constant 0 : i32
        %dma_wait3A_122 = tpu.memref_slice %arg5[%dma_wait3A_120, %dma_wait3A_121] : memref<4x128xi32, #tpu.memory_space<vmem>> -> memref<1x128xi32, #tpu.memory_space<vmem>>
        %dma_wait3A_123 = tpu.memref_squeeze %dma_wait3A_122 : memref<1x128xi32, #tpu.memory_space<vmem>> -> memref<128xi32, #tpu.memory_space<vmem>>
        %dma_wait3A_124 = arith.constant 0 : i32
        %dma_wait3A_125 = arith.constant 0 : i32
        %dma_wait3A_126 = tpu.memref_slice %arg2[%scan3A_60, %dma_wait3A_124, %dma_wait3A_125] : memref<2x10000x128xf32, #tpu.memory_space<hbm>> -> memref<1x10000x128xf32, #tpu.memory_space<hbm>>
        %dma_wait3A_127 = tpu.memref_squeeze %dma_wait3A_126 : memref<1x10000x128xf32, #tpu.memory_space<hbm>> -> memref<10000x128xf32, #tpu.memory_space<hbm>>
        %dma_wait3A_128 = arith.constant 0 : i32
        %dma_wait3A_129 = arith.constant 0 : i32
        %dma_wait3A_130 = tpu.memref_slice %dma_wait3A_127[%dma_wait3A_128, %dma_wait3A_129] : memref<10000x128xf32, #tpu.memory_space<hbm>> -> memref<10000x128xf32, #tpu.memory_space<hbm>>
        tpu.wait_indirect_dma semaphore(%arg11 : memref<!tpu.dma_semaphore, #tpu.memory_space<semaphore_mem>>) src(%dma_wait3A_130 : memref<10000x128xf32, #tpu.memory_space<hbm>>) dst(%arg8 : memref<128x128xf32, #tpu.memory_space<vmem>>)
        %dma_start3A_131 = arith.constant 3 : i32
        %dma_start3A_132 = arith.constant 0 : i32
        %dma_start3A_133 = tpu.memref_slice %arg5[%dma_start3A_131, %dma_start3A_132] : memref<4x128xi32, #tpu.memory_space<vmem>> -> memref<1x128xi32, #tpu.memory_space<vmem>>
        %dma_start3A_134 = tpu.memref_squeeze %dma_start3A_133 : memref<1x128xi32, #tpu.memory_space<vmem>> -> memref<128xi32, #tpu.memory_space<vmem>>
        %dma_start3A_135 = arith.constant 0 : i32
        %dma_start3A_136 = arith.constant 0 : i32
        %dma_start3A_137 = tpu.memref_slice %arg9[%dma_start3A_135, %dma_start3A_136] : memref<10240x128xf32, #tpu.memory_space<vmem_shared>> -> memref<10240x128xf32, #tpu.memory_space<vmem_shared>>
        tpu.enqueue_indirect_dma source(%arg8 : memref<128x128xf32, #tpu.memory_space<vmem>>) target(%dma_start3A_137 : memref<10240x128xf32, #tpu.memory_space<vmem_shared>>) offsets(%dma_start3A_134 : memref<128xi32, #tpu.memory_space<vmem>>) semaphore(%arg15 : memref<!tpu.dma_semaphore, #tpu.memory_space<semaphore_mem>>) {add = true}
        %dma_wait3A_138 = arith.constant 0 : i32
        %dma_wait3A_139 = arith.constant 0 : i32
        %dma_wait3A_140 = tpu.memref_slice %arg3[%mul3A_0, %dma_wait3A_138, %dma_wait3A_139] : memref<672x4x128xi32, #tpu.memory_space<hbm>> -> memref<1x4x128xi32, #tpu.memory_space<hbm>>
        %dma_wait3A_141 = tpu.memref_squeeze %dma_wait3A_140 : memref<1x4x128xi32, #tpu.memory_space<hbm>> -> memref<4x128xi32, #tpu.memory_space<hbm>>
        %dma_wait3A_142 = arith.constant 0 : i32
        %dma_wait3A_143 = arith.constant 0 : i32
        %dma_wait3A_144 = tpu.memref_slice %arg3[%mul3A_0, %dma_wait3A_142, %dma_wait3A_143] : memref<672x4x128xi32, #tpu.memory_space<hbm>> -> memref<1x4x128xi32, #tpu.memory_space<hbm>>
        %dma_wait3A_145 = tpu.memref_squeeze %dma_wait3A_144 : memref<1x4x128xi32, #tpu.memory_space<hbm>> -> memref<4x128xi32, #tpu.memory_space<hbm>>
        tpu.wait_dma2 semaphore(%arg13 : memref<!tpu.dma_semaphore, #tpu.memory_space<semaphore_mem>>) src(%dma_wait3A_145 : memref<4x128xi32, #tpu.memory_space<hbm>>) dst(%arg6 : memref<4x128xi32, #tpu.memory_space<vmem>>)
        %dma_wait3A_146 = arith.constant 2 : i32
        %dma_wait3A_147 = arith.constant 0 : i32
        %dma_wait3A_148 = tpu.memref_slice %arg5[%dma_wait3A_146, %dma_wait3A_147] : memref<4x128xi32, #tpu.memory_space<vmem>> -> memref<1x128xi32, #tpu.memory_space<vmem>>
        %dma_wait3A_149 = tpu.memref_squeeze %dma_wait3A_148 : memref<1x128xi32, #tpu.memory_space<vmem>> -> memref<128xi32, #tpu.memory_space<vmem>>
        %dma_wait3A_150 = arith.constant 0 : i32
        %dma_wait3A_151 = arith.constant 0 : i32
        %dma_wait3A_152 = tpu.memref_slice %arg9[%dma_wait3A_150, %dma_wait3A_151] : memref<10240x128xf32, #tpu.memory_space<vmem_shared>> -> memref<10240x128xf32, #tpu.memory_space<vmem_shared>>
        tpu.wait_indirect_dma semaphore(%arg14 : memref<!tpu.dma_semaphore, #tpu.memory_space<semaphore_mem>>) src(%arg7 : memref<128x128xf32, #tpu.memory_space<vmem>>) dst(%dma_wait3A_152 : memref<10240x128xf32, #tpu.memory_space<vmem_shared>>)
        %dma_start3A_153 = arith.constant 0 : i32
        %dma_start3A_154 = arith.constant 0 : i32
        %dma_start3A_155 = tpu.memref_slice %arg6[%dma_start3A_153, %dma_start3A_154] : memref<4x128xi32, #tpu.memory_space<vmem>> -> memref<1x128xi32, #tpu.memory_space<vmem>>
        %dma_start3A_156 = tpu.memref_squeeze %dma_start3A_155 : memref<1x128xi32, #tpu.memory_space<vmem>> -> memref<128xi32, #tpu.memory_space<vmem>>
        %dma_start3A_157 = arith.constant 0 : i32
        %dma_start3A_158 = arith.constant 0 : i32
        %dma_start3A_159 = tpu.memref_slice %arg2[%scan3A_60, %dma_start3A_157, %dma_start3A_158] : memref<2x10000x128xf32, #tpu.memory_space<hbm>> -> memref<1x10000x128xf32, #tpu.memory_space<hbm>>
        %dma_start3A_160 = tpu.memref_squeeze %dma_start3A_159 : memref<1x10000x128xf32, #tpu.memory_space<hbm>> -> memref<10000x128xf32, #tpu.memory_space<hbm>>
        %dma_start3A_161 = arith.constant 0 : i32
        %dma_start3A_162 = arith.constant 0 : i32
        %dma_start3A_163 = tpu.memref_slice %dma_start3A_160[%dma_start3A_161, %dma_start3A_162] : memref<10000x128xf32, #tpu.memory_space<hbm>> -> memref<10000x128xf32, #tpu.memory_space<hbm>>
        tpu.enqueue_indirect_dma source(%dma_start3A_163 : memref<10000x128xf32, #tpu.memory_space<hbm>>) target(%arg7 : memref<128x128xf32, #tpu.memory_space<vmem>>) offsets(%dma_start3A_156 : memref<128xi32, #tpu.memory_space<vmem>>) semaphore(%arg10 : memref<!tpu.dma_semaphore, #tpu.memory_space<semaphore_mem>>)
        %dma_wait3A_164 = arith.constant 3 : i32
        %dma_wait3A_165 = arith.constant 0 : i32
        %dma_wait3A_166 = tpu.memref_slice %arg5[%dma_wait3A_164, %dma_wait3A_165] : memref<4x128xi32, #tpu.memory_space<vmem>> -> memref<1x128xi32, #tpu.memory_space<vmem>>
        %dma_wait3A_167 = tpu.memref_squeeze %dma_wait3A_166 : memref<1x128xi32, #tpu.memory_space<vmem>> -> memref<128xi32, #tpu.memory_space<vmem>>
        %dma_wait3A_168 = arith.constant 0 : i32
        %dma_wait3A_169 = arith.constant 0 : i32
        %dma_wait3A_170 = tpu.memref_slice %arg9[%dma_wait3A_168, %dma_wait3A_169] : memref<10240x128xf32, #tpu.memory_space<vmem_shared>> -> memref<10240x128xf32, #tpu.memory_space<vmem_shared>>
        tpu.wait_indirect_dma semaphore(%arg15 : memref<!tpu.dma_semaphore, #tpu.memory_space<semaphore_mem>>) src(%arg8 : memref<128x128xf32, #tpu.memory_space<vmem>>) dst(%dma_wait3A_170 : memref<10240x128xf32, #tpu.memory_space<vmem_shared>>)
        %dma_start3A_171 = arith.constant 1 : i32
        %dma_start3A_172 = arith.constant 0 : i32
        %dma_start3A_173 = tpu.memref_slice %arg6[%dma_start3A_171, %dma_start3A_172] : memref<4x128xi32, #tpu.memory_space<vmem>> -> memref<1x128xi32, #tpu.memory_space<vmem>>
        %dma_start3A_174 = tpu.memref_squeeze %dma_start3A_173 : memref<1x128xi32, #tpu.memory_space<vmem>> -> memref<128xi32, #tpu.memory_space<vmem>>
        %dma_start3A_175 = arith.constant 0 : i32
        %dma_start3A_176 = arith.constant 0 : i32
        %dma_start3A_177 = tpu.memref_slice %arg2[%scan3A_60, %dma_start3A_175, %dma_start3A_176] : memref<2x10000x128xf32, #tpu.memory_space<hbm>> -> memref<1x10000x128xf32, #tpu.memory_space<hbm>>
        %dma_start3A_178 = tpu.memref_squeeze %dma_start3A_177 : memref<1x10000x128xf32, #tpu.memory_space<hbm>> -> memref<10000x128xf32, #tpu.memory_space<hbm>>
        %dma_start3A_179 = arith.constant 0 : i32
        %dma_start3A_180 = arith.constant 0 : i32
        %dma_start3A_181 = tpu.memref_slice %dma_start3A_178[%dma_start3A_179, %dma_start3A_180] : memref<10000x128xf32, #tpu.memory_space<hbm>> -> memref<10000x128xf32, #tpu.memory_space<hbm>>
        tpu.enqueue_indirect_dma source(%dma_start3A_181 : memref<10000x128xf32, #tpu.memory_space<hbm>>) target(%arg8 : memref<128x128xf32, #tpu.memory_space<vmem>>) offsets(%dma_start3A_174 : memref<128xi32, #tpu.memory_space<vmem>>) semaphore(%arg11 : memref<!tpu.dma_semaphore, #tpu.memory_space<semaphore_mem>>)
        %add3A_182 = arith.addi %mul3A_0, %add3A_101 : i32
        %add3A_183 = arith.constant 2 : i32
        %add3A_184 = arith.addi %add3A_182, %add3A_183 : i32
        %dma_start3A_185 = arith.constant 0 : i32
        %dma_start3A_186 = arith.constant 0 : i32
        %dma_start3A_187 = tpu.memref_slice %arg3[%add3A_184, %dma_start3A_185, %dma_start3A_186] : memref<672x4x128xi32, #tpu.memory_space<hbm>> -> memref<1x4x128xi32, #tpu.memory_space<hbm>>
        %dma_start3A_188 = tpu.memref_squeeze %dma_start3A_187 : memref<1x4x128xi32, #tpu.memory_space<hbm>> -> memref<4x128xi32, #tpu.memory_space<hbm>>
        %dma_start3A_189 = arith.constant 0 : i32
        %dma_start3A_190 = arith.constant 0 : i32
        %dma_start3A_191 = tpu.memref_slice %arg3[%add3A_184, %dma_start3A_189, %dma_start3A_190] : memref<672x4x128xi32, #tpu.memory_space<hbm>> -> memref<1x4x128xi32, #tpu.memory_space<hbm>>
        %dma_start3A_192 = tpu.memref_squeeze %dma_start3A_191 : memref<1x4x128xi32, #tpu.memory_space<hbm>> -> memref<4x128xi32, #tpu.memory_space<hbm>>
        tpu.enqueue_dma source(%dma_start3A_192 : memref<4x128xi32, #tpu.memory_space<hbm>>) target(%arg5 : memref<4x128xi32, #tpu.memory_space<vmem>>) target_semaphore(%arg12 : memref<!tpu.dma_semaphore, #tpu.memory_space<semaphore_mem>>)
        %dma_wait3A_193 = arith.constant 0 : i32
        %dma_wait3A_194 = arith.constant 0 : i32
        %dma_wait3A_195 = tpu.memref_slice %arg6[%dma_wait3A_193, %dma_wait3A_194] : memref<4x128xi32, #tpu.memory_space<vmem>> -> memref<1x128xi32, #tpu.memory_space<vmem>>
        %dma_wait3A_196 = tpu.memref_squeeze %dma_wait3A_195 : memref<1x128xi32, #tpu.memory_space<vmem>> -> memref<128xi32, #tpu.memory_space<vmem>>
        %dma_wait3A_197 = arith.constant 0 : i32
        %dma_wait3A_198 = arith.constant 0 : i32
        %dma_wait3A_199 = tpu.memref_slice %arg2[%scan3A_60, %dma_wait3A_197, %dma_wait3A_198] : memref<2x10000x128xf32, #tpu.memory_space<hbm>> -> memref<1x10000x128xf32, #tpu.memory_space<hbm>>
        %dma_wait3A_200 = tpu.memref_squeeze %dma_wait3A_199 : memref<1x10000x128xf32, #tpu.memory_space<hbm>> -> memref<10000x128xf32, #tpu.memory_space<hbm>>
        %dma_wait3A_201 = arith.constant 0 : i32
        %dma_wait3A_202 = arith.constant 0 : i32
        %dma_wait3A_203 = tpu.memref_slice %dma_wait3A_200[%dma_wait3A_201, %dma_wait3A_202] : memref<10000x128xf32, #tpu.memory_space<hbm>> -> memref<10000x128xf32, #tpu.memory_space<hbm>>
        tpu.wait_indirect_dma semaphore(%arg10 : memref<!tpu.dma_semaphore, #tpu.memory_space<semaphore_mem>>) src(%dma_wait3A_203 : memref<10000x128xf32, #tpu.memory_space<hbm>>) dst(%arg7 : memref<128x128xf32, #tpu.memory_space<vmem>>)
        %dma_start3A_204 = arith.constant 2 : i32
        %dma_start3A_205 = arith.constant 0 : i32
        %dma_start3A_206 = tpu.memref_slice %arg6[%dma_start3A_204, %dma_start3A_205] : memref<4x128xi32, #tpu.memory_space<vmem>> -> memref<1x128xi32, #tpu.memory_space<vmem>>
        %dma_start3A_207 = tpu.memref_squeeze %dma_start3A_206 : memref<1x128xi32, #tpu.memory_space<vmem>> -> memref<128xi32, #tpu.memory_space<vmem>>
        %dma_start3A_208 = arith.constant 0 : i32
        %dma_start3A_209 = arith.constant 0 : i32
        %dma_start3A_210 = tpu.memref_slice %arg9[%dma_start3A_208, %dma_start3A_209] : memref<10240x128xf32, #tpu.memory_space<vmem_shared>> -> memref<10240x128xf32, #tpu.memory_space<vmem_shared>>
        tpu.enqueue_indirect_dma source(%arg7 : memref<128x128xf32, #tpu.memory_space<vmem>>) target(%dma_start3A_210 : memref<10240x128xf32, #tpu.memory_space<vmem_shared>>) offsets(%dma_start3A_207 : memref<128xi32, #tpu.memory_space<vmem>>) semaphore(%arg14 : memref<!tpu.dma_semaphore, #tpu.memory_space<semaphore_mem>>) {add = true}
        %dma_wait3A_211 = arith.constant 1 : i32
        %dma_wait3A_212 = arith.constant 0 : i32
        %dma_wait3A_213 = tpu.memref_slice %arg6[%dma_wait3A_211, %dma_wait3A_212] : memref<4x128xi32, #tpu.memory_space<vmem>> -> memref<1x128xi32, #tpu.memory_space<vmem>>
        %dma_wait3A_214 = tpu.memref_squeeze %dma_wait3A_213 : memref<1x128xi32, #tpu.memory_space<vmem>> -> memref<128xi32, #tpu.memory_space<vmem>>
        %dma_wait3A_215 = arith.constant 0 : i32
        %dma_wait3A_216 = arith.constant 0 : i32
        %dma_wait3A_217 = tpu.memref_slice %arg2[%scan3A_60, %dma_wait3A_215, %dma_wait3A_216] : memref<2x10000x128xf32, #tpu.memory_space<hbm>> -> memref<1x10000x128xf32, #tpu.memory_space<hbm>>
        %dma_wait3A_218 = tpu.memref_squeeze %dma_wait3A_217 : memref<1x10000x128xf32, #tpu.memory_space<hbm>> -> memref<10000x128xf32, #tpu.memory_space<hbm>>
        %dma_wait3A_219 = arith.constant 0 : i32
        %dma_wait3A_220 = arith.constant 0 : i32
        %dma_wait3A_221 = tpu.memref_slice %dma_wait3A_218[%dma_wait3A_219, %dma_wait3A_220] : memref<10000x128xf32, #tpu.memory_space<hbm>> -> memref<10000x128xf32, #tpu.memory_space<hbm>>
        tpu.wait_indirect_dma semaphore(%arg11 : memref<!tpu.dma_semaphore, #tpu.memory_space<semaphore_mem>>) src(%dma_wait3A_221 : memref<10000x128xf32, #tpu.memory_space<hbm>>) dst(%arg8 : memref<128x128xf32, #tpu.memory_space<vmem>>)
        %dma_start3A_222 = arith.constant 3 : i32
        %dma_start3A_223 = arith.constant 0 : i32
        %dma_start3A_224 = tpu.memref_slice %arg6[%dma_start3A_222, %dma_start3A_223] : memref<4x128xi32, #tpu.memory_space<vmem>> -> memref<1x128xi32, #tpu.memory_space<vmem>>
        %dma_start3A_225 = tpu.memref_squeeze %dma_start3A_224 : memref<1x128xi32, #tpu.memory_space<vmem>> -> memref<128xi32, #tpu.memory_space<vmem>>
        %dma_start3A_226 = arith.constant 0 : i32
        %dma_start3A_227 = arith.constant 0 : i32
        %dma_start3A_228 = tpu.memref_slice %arg9[%dma_start3A_226, %dma_start3A_227] : memref<10240x128xf32, #tpu.memory_space<vmem_shared>> -> memref<10240x128xf32, #tpu.memory_space<vmem_shared>>
        tpu.enqueue_indirect_dma source(%arg8 : memref<128x128xf32, #tpu.memory_space<vmem>>) target(%dma_start3A_228 : memref<10240x128xf32, #tpu.memory_space<vmem_shared>>) offsets(%dma_start3A_225 : memref<128xi32, #tpu.memory_space<vmem>>) semaphore(%arg15 : memref<!tpu.dma_semaphore, #tpu.memory_space<semaphore_mem>>) {add = true}
        %dma_wait3A_229 = arith.constant 0 : i32
        %dma_wait3A_230 = arith.constant 0 : i32
        %dma_wait3A_231 = tpu.memref_slice %arg3[%mul3A_0, %dma_wait3A_229, %dma_wait3A_230] : memref<672x4x128xi32, #tpu.memory_space<hbm>> -> memref<1x4x128xi32, #tpu.memory_space<hbm>>
        %dma_wait3A_232 = tpu.memref_squeeze %dma_wait3A_231 : memref<1x4x128xi32, #tpu.memory_space<hbm>> -> memref<4x128xi32, #tpu.memory_space<hbm>>
        %dma_wait3A_233 = arith.constant 0 : i32
        %dma_wait3A_234 = arith.constant 0 : i32
        %dma_wait3A_235 = tpu.memref_slice %arg3[%mul3A_0, %dma_wait3A_233, %dma_wait3A_234] : memref<672x4x128xi32, #tpu.memory_space<hbm>> -> memref<1x4x128xi32, #tpu.memory_space<hbm>>
        %dma_wait3A_236 = tpu.memref_squeeze %dma_wait3A_235 : memref<1x4x128xi32, #tpu.memory_space<hbm>> -> memref<4x128xi32, #tpu.memory_space<hbm>>
        tpu.wait_dma2 semaphore(%arg12 : memref<!tpu.dma_semaphore, #tpu.memory_space<semaphore_mem>>) src(%dma_wait3A_236 : memref<4x128xi32, #tpu.memory_space<hbm>>) dst(%arg5 : memref<4x128xi32, #tpu.memory_space<vmem>>)
        %dma_wait3A_237 = arith.constant 2 : i32
        %dma_wait3A_238 = arith.constant 0 : i32
        %dma_wait3A_239 = tpu.memref_slice %arg6[%dma_wait3A_237, %dma_wait3A_238] : memref<4x128xi32, #tpu.memory_space<vmem>> -> memref<1x128xi32, #tpu.memory_space<vmem>>
        %dma_wait3A_240 = tpu.memref_squeeze %dma_wait3A_239 : memref<1x128xi32, #tpu.memory_space<vmem>> -> memref<128xi32, #tpu.memory_space<vmem>>
        %dma_wait3A_241 = arith.constant 0 : i32
        %dma_wait3A_242 = arith.constant 0 : i32
        %dma_wait3A_243 = tpu.memref_slice %arg9[%dma_wait3A_241, %dma_wait3A_242] : memref<10240x128xf32, #tpu.memory_space<vmem_shared>> -> memref<10240x128xf32, #tpu.memory_space<vmem_shared>>
        tpu.wait_indirect_dma semaphore(%arg14 : memref<!tpu.dma_semaphore, #tpu.memory_space<semaphore_mem>>) src(%arg7 : memref<128x128xf32, #tpu.memory_space<vmem>>) dst(%dma_wait3A_243 : memref<10240x128xf32, #tpu.memory_space<vmem_shared>>)
        %dma_start3A_244 = arith.constant 0 : i32
        %dma_start3A_245 = arith.constant 0 : i32
        %dma_start3A_246 = tpu.memref_slice %arg5[%dma_start3A_244, %dma_start3A_245] : memref<4x128xi32, #tpu.memory_space<vmem>> -> memref<1x128xi32, #tpu.memory_space<vmem>>
        %dma_start3A_247 = tpu.memref_squeeze %dma_start3A_246 : memref<1x128xi32, #tpu.memory_space<vmem>> -> memref<128xi32, #tpu.memory_space<vmem>>
        %dma_start3A_248 = arith.constant 0 : i32
        %dma_start3A_249 = arith.constant 0 : i32
        %dma_start3A_250 = tpu.memref_slice %arg2[%scan3A_60, %dma_start3A_248, %dma_start3A_249] : memref<2x10000x128xf32, #tpu.memory_space<hbm>> -> memref<1x10000x128xf32, #tpu.memory_space<hbm>>
        %dma_start3A_251 = tpu.memref_squeeze %dma_start3A_250 : memref<1x10000x128xf32, #tpu.memory_space<hbm>> -> memref<10000x128xf32, #tpu.memory_space<hbm>>
        %dma_start3A_252 = arith.constant 0 : i32
        %dma_start3A_253 = arith.constant 0 : i32
        %dma_start3A_254 = tpu.memref_slice %dma_start3A_251[%dma_start3A_252, %dma_start3A_253] : memref<10000x128xf32, #tpu.memory_space<hbm>> -> memref<10000x128xf32, #tpu.memory_space<hbm>>
        tpu.enqueue_indirect_dma source(%dma_start3A_254 : memref<10000x128xf32, #tpu.memory_space<hbm>>) target(%arg7 : memref<128x128xf32, #tpu.memory_space<vmem>>) offsets(%dma_start3A_247 : memref<128xi32, #tpu.memory_space<vmem>>) semaphore(%arg10 : memref<!tpu.dma_semaphore, #tpu.memory_space<semaphore_mem>>)
        %dma_wait3A_255 = arith.constant 3 : i32
        %dma_wait3A_256 = arith.constant 0 : i32
        %dma_wait3A_257 = tpu.memref_slice %arg6[%dma_wait3A_255, %dma_wait3A_256] : memref<4x128xi32, #tpu.memory_space<vmem>> -> memref<1x128xi32, #tpu.memory_space<vmem>>
        %dma_wait3A_258 = tpu.memref_squeeze %dma_wait3A_257 : memref<1x128xi32, #tpu.memory_space<vmem>> -> memref<128xi32, #tpu.memory_space<vmem>>
        %dma_wait3A_259 = arith.constant 0 : i32
        %dma_wait3A_260 = arith.constant 0 : i32
        %dma_wait3A_261 = tpu.memref_slice %arg9[%dma_wait3A_259, %dma_wait3A_260] : memref<10240x128xf32, #tpu.memory_space<vmem_shared>> -> memref<10240x128xf32, #tpu.memory_space<vmem_shared>>
        tpu.wait_indirect_dma semaphore(%arg15 : memref<!tpu.dma_semaphore, #tpu.memory_space<semaphore_mem>>) src(%arg8 : memref<128x128xf32, #tpu.memory_space<vmem>>) dst(%dma_wait3A_261 : memref<10240x128xf32, #tpu.memory_space<vmem_shared>>)
        %dma_start3A_262 = arith.constant 1 : i32
        %dma_start3A_263 = arith.constant 0 : i32
        %dma_start3A_264 = tpu.memref_slice %arg5[%dma_start3A_262, %dma_start3A_263] : memref<4x128xi32, #tpu.memory_space<vmem>> -> memref<1x128xi32, #tpu.memory_space<vmem>>
        %dma_start3A_265 = tpu.memref_squeeze %dma_start3A_264 : memref<1x128xi32, #tpu.memory_space<vmem>> -> memref<128xi32, #tpu.memory_space<vmem>>
        %dma_start3A_266 = arith.constant 0 : i32
        %dma_start3A_267 = arith.constant 0 : i32
        %dma_start3A_268 = tpu.memref_slice %arg2[%scan3A_60, %dma_start3A_266, %dma_start3A_267] : memref<2x10000x128xf32, #tpu.memory_space<hbm>> -> memref<1x10000x128xf32, #tpu.memory_space<hbm>>
        %dma_start3A_269 = tpu.memref_squeeze %dma_start3A_268 : memref<1x10000x128xf32, #tpu.memory_space<hbm>> -> memref<10000x128xf32, #tpu.memory_space<hbm>>
        %dma_start3A_270 = arith.constant 0 : i32
        %dma_start3A_271 = arith.constant 0 : i32
        %dma_start3A_272 = tpu.memref_slice %dma_start3A_269[%dma_start3A_270, %dma_start3A_271] : memref<10000x128xf32, #tpu.memory_space<hbm>> -> memref<10000x128xf32, #tpu.memory_space<hbm>>
        tpu.enqueue_indirect_dma source(%dma_start3A_272 : memref<10000x128xf32, #tpu.memory_space<hbm>>) target(%arg8 : memref<128x128xf32, #tpu.memory_space<vmem>>) offsets(%dma_start3A_265 : memref<128xi32, #tpu.memory_space<vmem>>) semaphore(%arg11 : memref<!tpu.dma_semaphore, #tpu.memory_space<semaphore_mem>>)
        %add3A_273 = arith.addi %mul3A_0, %add3A_101 : i32
        %add3A_274 = arith.constant 3 : i32
        %add3A_275 = arith.addi %add3A_273, %add3A_274 : i32
        %dma_start3A_276 = arith.constant 0 : i32
        %dma_start3A_277 = arith.constant 0 : i32
        %dma_start3A_278 = tpu.memref_slice %arg3[%add3A_275, %dma_start3A_276, %dma_start3A_277] : memref<672x4x128xi32, #tpu.memory_space<hbm>> -> memref<1x4x128xi32, #tpu.memory_space<hbm>>
        %dma_start3A_279 = tpu.memref_squeeze %dma_start3A_278 : memref<1x4x128xi32, #tpu.memory_space<hbm>> -> memref<4x128xi32, #tpu.memory_space<hbm>>
        %dma_start3A_280 = arith.constant 0 : i32
        %dma_start3A_281 = arith.constant 0 : i32
        %dma_start3A_282 = tpu.memref_slice %arg3[%add3A_275, %dma_start3A_280, %dma_start3A_281] : memref<672x4x128xi32, #tpu.memory_space<hbm>> -> memref<1x4x128xi32, #tpu.memory_space<hbm>>
        %dma_start3A_283 = tpu.memref_squeeze %dma_start3A_282 : memref<1x4x128xi32, #tpu.memory_space<hbm>> -> memref<4x128xi32, #tpu.memory_space<hbm>>
        tpu.enqueue_dma source(%dma_start3A_283 : memref<4x128xi32, #tpu.memory_space<hbm>>) target(%arg6 : memref<4x128xi32, #tpu.memory_space<vmem>>) target_semaphore(%arg13 : memref<!tpu.dma_semaphore, #tpu.memory_space<semaphore_mem>>)
      }
      %scan3A_65 = arith.constant 20 : i32
      %dma_wait3A = arith.constant 0 : i32
      %dma_wait3A_66 = arith.constant 0 : i32
      %dma_wait3A_67 = arith.constant 0 : i32
      %dma_wait3A_68 = tpu.memref_slice %arg5[%dma_wait3A_66, %dma_wait3A_67] : memref<4x128xi32, #tpu.memory_space<vmem>> -> memref<1x128xi32, #tpu.memory_space<vmem>>
      %dma_wait3A_69 = tpu.memref_squeeze %dma_wait3A_68 : memref<1x128xi32, #tpu.memory_space<vmem>> -> memref<128xi32, #tpu.memory_space<vmem>>
      %dma_wait3A_70 = arith.constant 0 : i32
      %dma_wait3A_71 = arith.constant 0 : i32
      %dma_wait3A_72 = tpu.memref_slice %arg2[%dma_wait3A, %dma_wait3A_70, %dma_wait3A_71] : memref<2x10000x128xf32, #tpu.memory_space<hbm>> -> memref<1x10000x128xf32, #tpu.memory_space<hbm>>
      %dma_wait3A_73 = tpu.memref_squeeze %dma_wait3A_72 : memref<1x10000x128xf32, #tpu.memory_space<hbm>> -> memref<10000x128xf32, #tpu.memory_space<hbm>>
      %dma_wait3A_74 = arith.constant 0 : i32
      %dma_wait3A_75 = arith.constant 0 : i32
      %dma_wait3A_76 = tpu.memref_slice %dma_wait3A_73[%dma_wait3A_74, %dma_wait3A_75] : memref<10000x128xf32, #tpu.memory_space<hbm>> -> memref<10000x128xf32, #tpu.memory_space<hbm>>
      tpu.wait_indirect_dma semaphore(%arg10 : memref<!tpu.dma_semaphore, #tpu.memory_space<semaphore_mem>>) src(%dma_wait3A_76 : memref<10000x128xf32, #tpu.memory_space<hbm>>) dst(%arg7 : memref<128x128xf32, #tpu.memory_space<vmem>>)
      %dma_wait3A_77 = arith.constant 0 : i32
      %dma_wait3A_78 = arith.constant 1 : i32
      %dma_wait3A_79 = arith.constant 0 : i32
      %dma_wait3A_80 = tpu.memref_slice %arg5[%dma_wait3A_78, %dma_wait3A_79] : memref<4x128xi32, #tpu.memory_space<vmem>> -> memref<1x128xi32, #tpu.memory_space<vmem>>
      %dma_wait3A_81 = tpu.memref_squeeze %dma_wait3A_80 : memref<1x128xi32, #tpu.memory_space<vmem>> -> memref<128xi32, #tpu.memory_space<vmem>>
      %dma_wait3A_82 = arith.constant 0 : i32
      %dma_wait3A_83 = arith.constant 0 : i32
      %dma_wait3A_84 = tpu.memref_slice %arg2[%dma_wait3A_77, %dma_wait3A_82, %dma_wait3A_83] : memref<2x10000x128xf32, #tpu.memory_space<hbm>> -> memref<1x10000x128xf32, #tpu.memory_space<hbm>>
      %dma_wait3A_85 = tpu.memref_squeeze %dma_wait3A_84 : memref<1x10000x128xf32, #tpu.memory_space<hbm>> -> memref<10000x128xf32, #tpu.memory_space<hbm>>
      %dma_wait3A_86 = arith.constant 0 : i32
      %dma_wait3A_87 = arith.constant 0 : i32
      %dma_wait3A_88 = tpu.memref_slice %dma_wait3A_85[%dma_wait3A_86, %dma_wait3A_87] : memref<10000x128xf32, #tpu.memory_space<hbm>> -> memref<10000x128xf32, #tpu.memory_space<hbm>>
      tpu.wait_indirect_dma semaphore(%arg11 : memref<!tpu.dma_semaphore, #tpu.memory_space<semaphore_mem>>) src(%dma_wait3A_88 : memref<10000x128xf32, #tpu.memory_space<hbm>>) dst(%arg8 : memref<128x128xf32, #tpu.memory_space<vmem>>)
      %dma_wait3A_89 = arith.constant 0 : i32
      %dma_wait3A_90 = arith.constant 0 : i32
      %dma_wait3A_91 = tpu.memref_slice %arg3[%mul3A_0, %dma_wait3A_89, %dma_wait3A_90] : memref<672x4x128xi32, #tpu.memory_space<hbm>> -> memref<1x4x128xi32, #tpu.memory_space<hbm>>
      %dma_wait3A_92 = tpu.memref_squeeze %dma_wait3A_91 : memref<1x4x128xi32, #tpu.memory_space<hbm>> -> memref<4x128xi32, #tpu.memory_space<hbm>>
      %dma_wait3A_93 = arith.constant 0 : i32
      %dma_wait3A_94 = arith.constant 0 : i32
      %dma_wait3A_95 = tpu.memref_slice %arg3[%mul3A_0, %dma_wait3A_93, %dma_wait3A_94] : memref<672x4x128xi32, #tpu.memory_space<hbm>> -> memref<1x4x128xi32, #tpu.memory_space<hbm>>
      %dma_wait3A_96 = tpu.memref_squeeze %dma_wait3A_95 : memref<1x4x128xi32, #tpu.memory_space<hbm>> -> memref<4x128xi32, #tpu.memory_space<hbm>>
      tpu.wait_dma2 semaphore(%arg13 : memref<!tpu.dma_semaphore, #tpu.memory_space<semaphore_mem>>) src(%dma_wait3A_96 : memref<4x128xi32, #tpu.memory_space<hbm>>) dst(%arg6 : memref<4x128xi32, #tpu.memory_space<vmem>>)
    } else {
    }
    %eq3A_12 = arith.constant 1 : i32
    %eq3A_13 = arith.cmpi eq, %arg0, %eq3A_12 : i32
    %convert_element_type3A_14 = arith.extui %eq3A_13 : i1 to i32
    %cond3A_15 = arith.constant 0 : i32
    %cond3A_16 = arith.cmpi ne, %convert_element_type3A_14, %cond3A_15 : i32
    scf.if %cond3A_16 {
      "tpu.region"() ({
        %run_scoped3A = tpu.sem_alloc : memref<!tpu.dma_semaphore, #tpu.memory_space<semaphore_mem>>
        %dma_start3A_97 = arith.constant 0 : i32
        %dma_start3A_98 = arith.constant 0 : i32
        %dma_start3A_99 = tpu.memref_slice %arg3[%mul3A_0, %dma_start3A_97, %dma_start3A_98] : memref<672x4x128xi32, #tpu.memory_space<hbm>> -> memref<1x4x128xi32, #tpu.memory_space<hbm>>
        %dma_start3A_100 = tpu.memref_squeeze %dma_start3A_99 : memref<1x4x128xi32, #tpu.memory_space<hbm>> -> memref<4x128xi32, #tpu.memory_space<hbm>>
        %dma_start3A_101 = arith.constant 0 : i32
        %dma_start3A_102 = arith.constant 0 : i32
        %dma_start3A_103 = tpu.memref_slice %arg3[%mul3A_0, %dma_start3A_101, %dma_start3A_102] : memref<672x4x128xi32, #tpu.memory_space<hbm>> -> memref<1x4x128xi32, #tpu.memory_space<hbm>>
        %dma_start3A_104 = tpu.memref_squeeze %dma_start3A_103 : memref<1x4x128xi32, #tpu.memory_space<hbm>> -> memref<4x128xi32, #tpu.memory_space<hbm>>
        tpu.enqueue_dma source(%dma_start3A_104 : memref<4x128xi32, #tpu.memory_space<hbm>>) target(%arg5 : memref<4x128xi32, #tpu.memory_space<vmem>>) target_semaphore(%run_scoped3A : memref<!tpu.dma_semaphore, #tpu.memory_space<semaphore_mem>>)
        %dma_wait3A_105 = arith.constant 0 : i32
        %dma_wait3A_106 = arith.constant 0 : i32
        %dma_wait3A_107 = tpu.memref_slice %arg3[%mul3A_0, %dma_wait3A_105, %dma_wait3A_106] : memref<672x4x128xi32, #tpu.memory_space<hbm>> -> memref<1x4x128xi32, #tpu.memory_space<hbm>>
        %dma_wait3A_108 = tpu.memref_squeeze %dma_wait3A_107 : memref<1x4x128xi32, #tpu.memory_space<hbm>> -> memref<4x128xi32, #tpu.memory_space<hbm>>
        %dma_wait3A_109 = arith.constant 0 : i32
        %dma_wait3A_110 = arith.constant 0 : i32
        %dma_wait3A_111 = tpu.memref_slice %arg3[%mul3A_0, %dma_wait3A_109, %dma_wait3A_110] : memref<672x4x128xi32, #tpu.memory_space<hbm>> -> memref<1x4x128xi32, #tpu.memory_space<hbm>>
        %dma_wait3A_112 = tpu.memref_squeeze %dma_wait3A_111 : memref<1x4x128xi32, #tpu.memory_space<hbm>> -> memref<4x128xi32, #tpu.memory_space<hbm>>
        tpu.wait_dma2 semaphore(%run_scoped3A : memref<!tpu.dma_semaphore, #tpu.memory_space<semaphore_mem>>) src(%dma_wait3A_112 : memref<4x128xi32, #tpu.memory_space<hbm>>) dst(%arg5 : memref<4x128xi32, #tpu.memory_space<vmem>>)
        tpu.yield
      }) : () -> ()
      %add3A = arith.constant 1 : i32
      %add3A_28 = arith.addi %mul3A_0, %add3A : i32
      %dma_start3A = arith.constant 0 : i32
      %dma_start3A_29 = arith.constant 0 : i32
      %dma_start3A_30 = tpu.memref_slice %arg3[%add3A_28, %dma_start3A, %dma_start3A_29] : memref<672x4x128xi32, #tpu.memory_space<hbm>> -> memref<1x4x128xi32, #tpu.memory_space<hbm>>
      %dma_start3A_31 = tpu.memref_squeeze %dma_start3A_30 : memref<1x4x128xi32, #tpu.memory_space<hbm>> -> memref<4x128xi32, #tpu.memory_space<hbm>>
      %dma_start3A_32 = arith.constant 0 : i32
      %dma_start3A_33 = arith.constant 0 : i32
      %dma_start3A_34 = tpu.memref_slice %arg3[%add3A_28, %dma_start3A_32, %dma_start3A_33] : memref<672x4x128xi32, #tpu.memory_space<hbm>> -> memref<1x4x128xi32, #tpu.memory_space<hbm>>
      %dma_start3A_35 = tpu.memref_squeeze %dma_start3A_34 : memref<1x4x128xi32, #tpu.memory_space<hbm>> -> memref<4x128xi32, #tpu.memory_space<hbm>>
      tpu.enqueue_dma source(%dma_start3A_35 : memref<4x128xi32, #tpu.memory_space<hbm>>) target(%arg6 : memref<4x128xi32, #tpu.memory_space<vmem>>) target_semaphore(%arg13 : memref<!tpu.dma_semaphore, #tpu.memory_space<semaphore_mem>>)
      %dma_start3A_36 = arith.constant 1 : i32
      %dma_start3A_37 = arith.constant 0 : i32
      %dma_start3A_38 = arith.constant 0 : i32
      %dma_start3A_39 = tpu.memref_slice %arg5[%dma_start3A_37, %dma_start3A_38] : memref<4x128xi32, #tpu.memory_space<vmem>> -> memref<1x128xi32, #tpu.memory_space<vmem>>
      %dma_start3A_40 = tpu.memref_squeeze %dma_start3A_39 : memref<1x128xi32, #tpu.memory_space<vmem>> -> memref<128xi32, #tpu.memory_space<vmem>>
      %dma_start3A_41 = arith.constant 0 : i32
      %dma_start3A_42 = arith.constant 0 : i32
      %dma_start3A_43 = tpu.memref_slice %arg2[%dma_start3A_36, %dma_start3A_41, %dma_start3A_42] : memref<2x10000x128xf32, #tpu.memory_space<hbm>> -> memref<1x10000x128xf32, #tpu.memory_space<hbm>>
      %dma_start3A_44 = tpu.memref_squeeze %dma_start3A_43 : memref<1x10000x128xf32, #tpu.memory_space<hbm>> -> memref<10000x128xf32, #tpu.memory_space<hbm>>
      %dma_start3A_45 = arith.constant 0 : i32
      %dma_start3A_46 = arith.constant 0 : i32
      %dma_start3A_47 = tpu.memref_slice %dma_start3A_44[%dma_start3A_45, %dma_start3A_46] : memref<10000x128xf32, #tpu.memory_space<hbm>> -> memref<10000x128xf32, #tpu.memory_space<hbm>>
      tpu.enqueue_indirect_dma source(%dma_start3A_47 : memref<10000x128xf32, #tpu.memory_space<hbm>>) target(%arg7 : memref<128x128xf32, #tpu.memory_space<vmem>>) offsets(%dma_start3A_40 : memref<128xi32, #tpu.memory_space<vmem>>) semaphore(%arg10 : memref<!tpu.dma_semaphore, #tpu.memory_space<semaphore_mem>>)
      %dma_start3A_48 = arith.constant 1 : i32
      %dma_start3A_49 = arith.constant 1 : i32
      %dma_start3A_50 = arith.constant 0 : i32
      %dma_start3A_51 = tpu.memref_slice %arg5[%dma_start3A_49, %dma_start3A_50] : memref<4x128xi32, #tpu.memory_space<vmem>> -> memref<1x128xi32, #tpu.memory_space<vmem>>
      %dma_start3A_52 = tpu.memref_squeeze %dma_start3A_51 : memref<1x128xi32, #tpu.memory_space<vmem>> -> memref<128xi32, #tpu.memory_space<vmem>>
      %dma_start3A_53 = arith.constant 0 : i32
      %dma_start3A_54 = arith.constant 0 : i32
      %dma_start3A_55 = tpu.memref_slice %arg2[%dma_start3A_48, %dma_start3A_53, %dma_start3A_54] : memref<2x10000x128xf32, #tpu.memory_space<hbm>> -> memref<1x10000x128xf32, #tpu.memory_space<hbm>>
      %dma_start3A_56 = tpu.memref_squeeze %dma_start3A_55 : memref<1x10000x128xf32, #tpu.memory_space<hbm>> -> memref<10000x128xf32, #tpu.memory_space<hbm>>
      %dma_start3A_57 = arith.constant 0 : i32
      %dma_start3A_58 = arith.constant 0 : i32
      %dma_start3A_59 = tpu.memref_slice %dma_start3A_56[%dma_start3A_57, %dma_start3A_58] : memref<10000x128xf32, #tpu.memory_space<hbm>> -> memref<10000x128xf32, #tpu.memory_space<hbm>>
      tpu.enqueue_indirect_dma source(%dma_start3A_59 : memref<10000x128xf32, #tpu.memory_space<hbm>>) target(%arg8 : memref<128x128xf32, #tpu.memory_space<vmem>>) offsets(%dma_start3A_52 : memref<128xi32, #tpu.memory_space<vmem>>) semaphore(%arg11 : memref<!tpu.dma_semaphore, #tpu.memory_space<semaphore_mem>>)
      %scan3A_60 = arith.constant 1 : i32
      %scan3A_61 = arith.constant 0 : i32
      %scan3A_62 = arith.constant 20 : i32
      %scan3A_63 = arith.addi %scan3A_61, %scan3A_62 : i32
      %scan3A_64 = arith.constant 1 : i32
      scf.for %scan3A_97 = %scan3A_61 to %scan3A_63 step %scan3A_64  : i32 {
        %mul3A_98 = arith.constant 2 : i32
        %mul3A_99 = arith.muli %scan3A_97, %mul3A_98 : i32
        %add3A_100 = arith.constant 0 : i32
        %add3A_101 = arith.addi %add3A_100, %mul3A_99 : i32
        %dma_wait3A_102 = arith.constant 0 : i32
        %dma_wait3A_103 = arith.constant 0 : i32
        %dma_wait3A_104 = tpu.memref_slice %arg5[%dma_wait3A_102, %dma_wait3A_103] : memref<4x128xi32, #tpu.memory_space<vmem>> -> memref<1x128xi32, #tpu.memory_space<vmem>>
        %dma_wait3A_105 = tpu.memref_squeeze %dma_wait3A_104 : memref<1x128xi32, #tpu.memory_space<vmem>> -> memref<128xi32, #tpu.memory_space<vmem>>
        %dma_wait3A_106 = arith.constant 0 : i32
        %dma_wait3A_107 = arith.constant 0 : i32
        %dma_wait3A_108 = tpu.memref_slice %arg2[%scan3A_60, %dma_wait3A_106, %dma_wait3A_107] : memref<2x10000x128xf32, #tpu.memory_space<hbm>> -> memref<1x10000x128xf32, #tpu.memory_space<hbm>>
        %dma_wait3A_109 = tpu.memref_squeeze %dma_wait3A_108 : memref<1x10000x128xf32, #tpu.memory_space<hbm>> -> memref<10000x128xf32, #tpu.memory_space<hbm>>
        %dma_wait3A_110 = arith.constant 0 : i32
        %dma_wait3A_111 = arith.constant 0 : i32
        %dma_wait3A_112 = tpu.memref_slice %dma_wait3A_109[%dma_wait3A_110, %dma_wait3A_111] : memref<10000x128xf32, #tpu.memory_space<hbm>> -> memref<10000x128xf32, #tpu.memory_space<hbm>>
        tpu.wait_indirect_dma semaphore(%arg10 : memref<!tpu.dma_semaphore, #tpu.memory_space<semaphore_mem>>) src(%dma_wait3A_112 : memref<10000x128xf32, #tpu.memory_space<hbm>>) dst(%arg7 : memref<128x128xf32, #tpu.memory_space<vmem>>)
        %dma_start3A_113 = arith.constant 2 : i32
        %dma_start3A_114 = arith.constant 0 : i32
        %dma_start3A_115 = tpu.memref_slice %arg5[%dma_start3A_113, %dma_start3A_114] : memref<4x128xi32, #tpu.memory_space<vmem>> -> memref<1x128xi32, #tpu.memory_space<vmem>>
        %dma_start3A_116 = tpu.memref_squeeze %dma_start3A_115 : memref<1x128xi32, #tpu.memory_space<vmem>> -> memref<128xi32, #tpu.memory_space<vmem>>
        %dma_start3A_117 = arith.constant 0 : i32
        %dma_start3A_118 = arith.constant 0 : i32
        %dma_start3A_119 = tpu.memref_slice %arg9[%dma_start3A_117, %dma_start3A_118] : memref<10240x128xf32, #tpu.memory_space<vmem_shared>> -> memref<10240x128xf32, #tpu.memory_space<vmem_shared>>
        tpu.enqueue_indirect_dma source(%arg7 : memref<128x128xf32, #tpu.memory_space<vmem>>) target(%dma_start3A_119 : memref<10240x128xf32, #tpu.memory_space<vmem_shared>>) offsets(%dma_start3A_116 : memref<128xi32, #tpu.memory_space<vmem>>) semaphore(%arg14 : memref<!tpu.dma_semaphore, #tpu.memory_space<semaphore_mem>>) {add = true}
        %dma_wait3A_120 = arith.constant 1 : i32
        %dma_wait3A_121 = arith.constant 0 : i32
        %dma_wait3A_122 = tpu.memref_slice %arg5[%dma_wait3A_120, %dma_wait3A_121] : memref<4x128xi32, #tpu.memory_space<vmem>> -> memref<1x128xi32, #tpu.memory_space<vmem>>
        %dma_wait3A_123 = tpu.memref_squeeze %dma_wait3A_122 : memref<1x128xi32, #tpu.memory_space<vmem>> -> memref<128xi32, #tpu.memory_space<vmem>>
        %dma_wait3A_124 = arith.constant 0 : i32
        %dma_wait3A_125 = arith.constant 0 : i32
        %dma_wait3A_126 = tpu.memref_slice %arg2[%scan3A_60, %dma_wait3A_124, %dma_wait3A_125] : memref<2x10000x128xf32, #tpu.memory_space<hbm>> -> memref<1x10000x128xf32, #tpu.memory_space<hbm>>
        %dma_wait3A_127 = tpu.memref_squeeze %dma_wait3A_126 : memref<1x10000x128xf32, #tpu.memory_space<hbm>> -> memref<10000x128xf32, #tpu.memory_space<hbm>>
        %dma_wait3A_128 = arith.constant 0 : i32
        %dma_wait3A_129 = arith.constant 0 : i32
        %dma_wait3A_130 = tpu.memref_slice %dma_wait3A_127[%dma_wait3A_128, %dma_wait3A_129] : memref<10000x128xf32, #tpu.memory_space<hbm>> -> memref<10000x128xf32, #tpu.memory_space<hbm>>
        tpu.wait_indirect_dma semaphore(%arg11 : memref<!tpu.dma_semaphore, #tpu.memory_space<semaphore_mem>>) src(%dma_wait3A_130 : memref<10000x128xf32, #tpu.memory_space<hbm>>) dst(%arg8 : memref<128x128xf32, #tpu.memory_space<vmem>>)
        %dma_start3A_131 = arith.constant 3 : i32
        %dma_start3A_132 = arith.constant 0 : i32
        %dma_start3A_133 = tpu.memref_slice %arg5[%dma_start3A_131, %dma_start3A_132] : memref<4x128xi32, #tpu.memory_space<vmem>> -> memref<1x128xi32, #tpu.memory_space<vmem>>
        %dma_start3A_134 = tpu.memref_squeeze %dma_start3A_133 : memref<1x128xi32, #tpu.memory_space<vmem>> -> memref<128xi32, #tpu.memory_space<vmem>>
        %dma_start3A_135 = arith.constant 0 : i32
        %dma_start3A_136 = arith.constant 0 : i32
        %dma_start3A_137 = tpu.memref_slice %arg9[%dma_start3A_135, %dma_start3A_136] : memref<10240x128xf32, #tpu.memory_space<vmem_shared>> -> memref<10240x128xf32, #tpu.memory_space<vmem_shared>>
        tpu.enqueue_indirect_dma source(%arg8 : memref<128x128xf32, #tpu.memory_space<vmem>>) target(%dma_start3A_137 : memref<10240x128xf32, #tpu.memory_space<vmem_shared>>) offsets(%dma_start3A_134 : memref<128xi32, #tpu.memory_space<vmem>>) semaphore(%arg15 : memref<!tpu.dma_semaphore, #tpu.memory_space<semaphore_mem>>) {add = true}
        %dma_wait3A_138 = arith.constant 0 : i32
        %dma_wait3A_139 = arith.constant 0 : i32
        %dma_wait3A_140 = tpu.memref_slice %arg3[%mul3A_0, %dma_wait3A_138, %dma_wait3A_139] : memref<672x4x128xi32, #tpu.memory_space<hbm>> -> memref<1x4x128xi32, #tpu.memory_space<hbm>>
        %dma_wait3A_141 = tpu.memref_squeeze %dma_wait3A_140 : memref<1x4x128xi32, #tpu.memory_space<hbm>> -> memref<4x128xi32, #tpu.memory_space<hbm>>
        %dma_wait3A_142 = arith.constant 0 : i32
        %dma_wait3A_143 = arith.constant 0 : i32
        %dma_wait3A_144 = tpu.memref_slice %arg3[%mul3A_0, %dma_wait3A_142, %dma_wait3A_143] : memref<672x4x128xi32, #tpu.memory_space<hbm>> -> memref<1x4x128xi32, #tpu.memory_space<hbm>>
        %dma_wait3A_145 = tpu.memref_squeeze %dma_wait3A_144 : memref<1x4x128xi32, #tpu.memory_space<hbm>> -> memref<4x128xi32, #tpu.memory_space<hbm>>
        tpu.wait_dma2 semaphore(%arg13 : memref<!tpu.dma_semaphore, #tpu.memory_space<semaphore_mem>>) src(%dma_wait3A_145 : memref<4x128xi32, #tpu.memory_space<hbm>>) dst(%arg6 : memref<4x128xi32, #tpu.memory_space<vmem>>)
        %dma_wait3A_146 = arith.constant 2 : i32
        %dma_wait3A_147 = arith.constant 0 : i32
        %dma_wait3A_148 = tpu.memref_slice %arg5[%dma_wait3A_146, %dma_wait3A_147] : memref<4x128xi32, #tpu.memory_space<vmem>> -> memref<1x128xi32, #tpu.memory_space<vmem>>
        %dma_wait3A_149 = tpu.memref_squeeze %dma_wait3A_148 : memref<1x128xi32, #tpu.memory_space<vmem>> -> memref<128xi32, #tpu.memory_space<vmem>>
        %dma_wait3A_150 = arith.constant 0 : i32
        %dma_wait3A_151 = arith.constant 0 : i32
        %dma_wait3A_152 = tpu.memref_slice %arg9[%dma_wait3A_150, %dma_wait3A_151] : memref<10240x128xf32, #tpu.memory_space<vmem_shared>> -> memref<10240x128xf32, #tpu.memory_space<vmem_shared>>
        tpu.wait_indirect_dma semaphore(%arg14 : memref<!tpu.dma_semaphore, #tpu.memory_space<semaphore_mem>>) src(%arg7 : memref<128x128xf32, #tpu.memory_space<vmem>>) dst(%dma_wait3A_152 : memref<10240x128xf32, #tpu.memory_space<vmem_shared>>)
        %dma_start3A_153 = arith.constant 0 : i32
        %dma_start3A_154 = arith.constant 0 : i32
        %dma_start3A_155 = tpu.memref_slice %arg6[%dma_start3A_153, %dma_start3A_154] : memref<4x128xi32, #tpu.memory_space<vmem>> -> memref<1x128xi32, #tpu.memory_space<vmem>>
        %dma_start3A_156 = tpu.memref_squeeze %dma_start3A_155 : memref<1x128xi32, #tpu.memory_space<vmem>> -> memref<128xi32, #tpu.memory_space<vmem>>
        %dma_start3A_157 = arith.constant 0 : i32
        %dma_start3A_158 = arith.constant 0 : i32
        %dma_start3A_159 = tpu.memref_slice %arg2[%scan3A_60, %dma_start3A_157, %dma_start3A_158] : memref<2x10000x128xf32, #tpu.memory_space<hbm>> -> memref<1x10000x128xf32, #tpu.memory_space<hbm>>
        %dma_start3A_160 = tpu.memref_squeeze %dma_start3A_159 : memref<1x10000x128xf32, #tpu.memory_space<hbm>> -> memref<10000x128xf32, #tpu.memory_space<hbm>>
        %dma_start3A_161 = arith.constant 0 : i32
        %dma_start3A_162 = arith.constant 0 : i32
        %dma_start3A_163 = tpu.memref_slice %dma_start3A_160[%dma_start3A_161, %dma_start3A_162] : memref<10000x128xf32, #tpu.memory_space<hbm>> -> memref<10000x128xf32, #tpu.memory_space<hbm>>
        tpu.enqueue_indirect_dma source(%dma_start3A_163 : memref<10000x128xf32, #tpu.memory_space<hbm>>) target(%arg7 : memref<128x128xf32, #tpu.memory_space<vmem>>) offsets(%dma_start3A_156 : memref<128xi32, #tpu.memory_space<vmem>>) semaphore(%arg10 : memref<!tpu.dma_semaphore, #tpu.memory_space<semaphore_mem>>)
        %dma_wait3A_164 = arith.constant 3 : i32
        %dma_wait3A_165 = arith.constant 0 : i32
        %dma_wait3A_166 = tpu.memref_slice %arg5[%dma_wait3A_164, %dma_wait3A_165] : memref<4x128xi32, #tpu.memory_space<vmem>> -> memref<1x128xi32, #tpu.memory_space<vmem>>
        %dma_wait3A_167 = tpu.memref_squeeze %dma_wait3A_166 : memref<1x128xi32, #tpu.memory_space<vmem>> -> memref<128xi32, #tpu.memory_space<vmem>>
        %dma_wait3A_168 = arith.constant 0 : i32
        %dma_wait3A_169 = arith.constant 0 : i32
        %dma_wait3A_170 = tpu.memref_slice %arg9[%dma_wait3A_168, %dma_wait3A_169] : memref<10240x128xf32, #tpu.memory_space<vmem_shared>> -> memref<10240x128xf32, #tpu.memory_space<vmem_shared>>
        tpu.wait_indirect_dma semaphore(%arg15 : memref<!tpu.dma_semaphore, #tpu.memory_space<semaphore_mem>>) src(%arg8 : memref<128x128xf32, #tpu.memory_space<vmem>>) dst(%dma_wait3A_170 : memref<10240x128xf32, #tpu.memory_space<vmem_shared>>)
        %dma_start3A_171 = arith.constant 1 : i32
        %dma_start3A_172 = arith.constant 0 : i32
        %dma_start3A_173 = tpu.memref_slice %arg6[%dma_start3A_171, %dma_start3A_172] : memref<4x128xi32, #tpu.memory_space<vmem>> -> memref<1x128xi32, #tpu.memory_space<vmem>>
        %dma_start3A_174 = tpu.memref_squeeze %dma_start3A_173 : memref<1x128xi32, #tpu.memory_space<vmem>> -> memref<128xi32, #tpu.memory_space<vmem>>
        %dma_start3A_175 = arith.constant 0 : i32
        %dma_start3A_176 = arith.constant 0 : i32
        %dma_start3A_177 = tpu.memref_slice %arg2[%scan3A_60, %dma_start3A_175, %dma_start3A_176] : memref<2x10000x128xf32, #tpu.memory_space<hbm>> -> memref<1x10000x128xf32, #tpu.memory_space<hbm>>
        %dma_start3A_178 = tpu.memref_squeeze %dma_start3A_177 : memref<1x10000x128xf32, #tpu.memory_space<hbm>> -> memref<10000x128xf32, #tpu.memory_space<hbm>>
        %dma_start3A_179 = arith.constant 0 : i32
        %dma_start3A_180 = arith.constant 0 : i32
        %dma_start3A_181 = tpu.memref_slice %dma_start3A_178[%dma_start3A_179, %dma_start3A_180] : memref<10000x128xf32, #tpu.memory_space<hbm>> -> memref<10000x128xf32, #tpu.memory_space<hbm>>
        tpu.enqueue_indirect_dma source(%dma_start3A_181 : memref<10000x128xf32, #tpu.memory_space<hbm>>) target(%arg8 : memref<128x128xf32, #tpu.memory_space<vmem>>) offsets(%dma_start3A_174 : memref<128xi32, #tpu.memory_space<vmem>>) semaphore(%arg11 : memref<!tpu.dma_semaphore, #tpu.memory_space<semaphore_mem>>)
        %add3A_182 = arith.addi %mul3A_0, %add3A_101 : i32
        %add3A_183 = arith.constant 2 : i32
        %add3A_184 = arith.addi %add3A_182, %add3A_183 : i32
        %dma_start3A_185 = arith.constant 0 : i32
        %dma_start3A_186 = arith.constant 0 : i32
        %dma_start3A_187 = tpu.memref_slice %arg3[%add3A_184, %dma_start3A_185, %dma_start3A_186] : memref<672x4x128xi32, #tpu.memory_space<hbm>> -> memref<1x4x128xi32, #tpu.memory_space<hbm>>
        %dma_start3A_188 = tpu.memref_squeeze %dma_start3A_187 : memref<1x4x128xi32, #tpu.memory_space<hbm>> -> memref<4x128xi32, #tpu.memory_space<hbm>>
        %dma_start3A_189 = arith.constant 0 : i32
        %dma_start3A_190 = arith.constant 0 : i32
        %dma_start3A_191 = tpu.memref_slice %arg3[%add3A_184, %dma_start3A_189, %dma_start3A_190] : memref<672x4x128xi32, #tpu.memory_space<hbm>> -> memref<1x4x128xi32, #tpu.memory_space<hbm>>
        %dma_start3A_192 = tpu.memref_squeeze %dma_start3A_191 : memref<1x4x128xi32, #tpu.memory_space<hbm>> -> memref<4x128xi32, #tpu.memory_space<hbm>>
        tpu.enqueue_dma source(%dma_start3A_192 : memref<4x128xi32, #tpu.memory_space<hbm>>) target(%arg5 : memref<4x128xi32, #tpu.memory_space<vmem>>) target_semaphore(%arg12 : memref<!tpu.dma_semaphore, #tpu.memory_space<semaphore_mem>>)
        %dma_wait3A_193 = arith.constant 0 : i32
        %dma_wait3A_194 = arith.constant 0 : i32
        %dma_wait3A_195 = tpu.memref_slice %arg6[%dma_wait3A_193, %dma_wait3A_194] : memref<4x128xi32, #tpu.memory_space<vmem>> -> memref<1x128xi32, #tpu.memory_space<vmem>>
        %dma_wait3A_196 = tpu.memref_squeeze %dma_wait3A_195 : memref<1x128xi32, #tpu.memory_space<vmem>> -> memref<128xi32, #tpu.memory_space<vmem>>
        %dma_wait3A_197 = arith.constant 0 : i32
        %dma_wait3A_198 = arith.constant 0 : i32
        %dma_wait3A_199 = tpu.memref_slice %arg2[%scan3A_60, %dma_wait3A_197, %dma_wait3A_198] : memref<2x10000x128xf32, #tpu.memory_space<hbm>> -> memref<1x10000x128xf32, #tpu.memory_space<hbm>>
        %dma_wait3A_200 = tpu.memref_squeeze %dma_wait3A_199 : memref<1x10000x128xf32, #tpu.memory_space<hbm>> -> memref<10000x128xf32, #tpu.memory_space<hbm>>
        %dma_wait3A_201 = arith.constant 0 : i32
        %dma_wait3A_202 = arith.constant 0 : i32
        %dma_wait3A_203 = tpu.memref_slice %dma_wait3A_200[%dma_wait3A_201, %dma_wait3A_202] : memref<10000x128xf32, #tpu.memory_space<hbm>> -> memref<10000x128xf32, #tpu.memory_space<hbm>>
        tpu.wait_indirect_dma semaphore(%arg10 : memref<!tpu.dma_semaphore, #tpu.memory_space<semaphore_mem>>) src(%dma_wait3A_203 : memref<10000x128xf32, #tpu.memory_space<hbm>>) dst(%arg7 : memref<128x128xf32, #tpu.memory_space<vmem>>)
        %dma_start3A_204 = arith.constant 2 : i32
        %dma_start3A_205 = arith.constant 0 : i32
        %dma_start3A_206 = tpu.memref_slice %arg6[%dma_start3A_204, %dma_start3A_205] : memref<4x128xi32, #tpu.memory_space<vmem>> -> memref<1x128xi32, #tpu.memory_space<vmem>>
        %dma_start3A_207 = tpu.memref_squeeze %dma_start3A_206 : memref<1x128xi32, #tpu.memory_space<vmem>> -> memref<128xi32, #tpu.memory_space<vmem>>
        %dma_start3A_208 = arith.constant 0 : i32
        %dma_start3A_209 = arith.constant 0 : i32
        %dma_start3A_210 = tpu.memref_slice %arg9[%dma_start3A_208, %dma_start3A_209] : memref<10240x128xf32, #tpu.memory_space<vmem_shared>> -> memref<10240x128xf32, #tpu.memory_space<vmem_shared>>
        tpu.enqueue_indirect_dma source(%arg7 : memref<128x128xf32, #tpu.memory_space<vmem>>) target(%dma_start3A_210 : memref<10240x128xf32, #tpu.memory_space<vmem_shared>>) offsets(%dma_start3A_207 : memref<128xi32, #tpu.memory_space<vmem>>) semaphore(%arg14 : memref<!tpu.dma_semaphore, #tpu.memory_space<semaphore_mem>>) {add = true}
        %dma_wait3A_211 = arith.constant 1 : i32
        %dma_wait3A_212 = arith.constant 0 : i32
        %dma_wait3A_213 = tpu.memref_slice %arg6[%dma_wait3A_211, %dma_wait3A_212] : memref<4x128xi32, #tpu.memory_space<vmem>> -> memref<1x128xi32, #tpu.memory_space<vmem>>
        %dma_wait3A_214 = tpu.memref_squeeze %dma_wait3A_213 : memref<1x128xi32, #tpu.memory_space<vmem>> -> memref<128xi32, #tpu.memory_space<vmem>>
        %dma_wait3A_215 = arith.constant 0 : i32
        %dma_wait3A_216 = arith.constant 0 : i32
        %dma_wait3A_217 = tpu.memref_slice %arg2[%scan3A_60, %dma_wait3A_215, %dma_wait3A_216] : memref<2x10000x128xf32, #tpu.memory_space<hbm>> -> memref<1x10000x128xf32, #tpu.memory_space<hbm>>
        %dma_wait3A_218 = tpu.memref_squeeze %dma_wait3A_217 : memref<1x10000x128xf32, #tpu.memory_space<hbm>> -> memref<10000x128xf32, #tpu.memory_space<hbm>>
        %dma_wait3A_219 = arith.constant 0 : i32
        %dma_wait3A_220 = arith.constant 0 : i32
        %dma_wait3A_221 = tpu.memref_slice %dma_wait3A_218[%dma_wait3A_219, %dma_wait3A_220] : memref<10000x128xf32, #tpu.memory_space<hbm>> -> memref<10000x128xf32, #tpu.memory_space<hbm>>
        tpu.wait_indirect_dma semaphore(%arg11 : memref<!tpu.dma_semaphore, #tpu.memory_space<semaphore_mem>>) src(%dma_wait3A_221 : memref<10000x128xf32, #tpu.memory_space<hbm>>) dst(%arg8 : memref<128x128xf32, #tpu.memory_space<vmem>>)
        %dma_start3A_222 = arith.constant 3 : i32
        %dma_start3A_223 = arith.constant 0 : i32
        %dma_start3A_224 = tpu.memref_slice %arg6[%dma_start3A_222, %dma_start3A_223] : memref<4x128xi32, #tpu.memory_space<vmem>> -> memref<1x128xi32, #tpu.memory_space<vmem>>
        %dma_start3A_225 = tpu.memref_squeeze %dma_start3A_224 : memref<1x128xi32, #tpu.memory_space<vmem>> -> memref<128xi32, #tpu.memory_space<vmem>>
        %dma_start3A_226 = arith.constant 0 : i32
        %dma_start3A_227 = arith.constant 0 : i32
        %dma_start3A_228 = tpu.memref_slice %arg9[%dma_start3A_226, %dma_start3A_227] : memref<10240x128xf32, #tpu.memory_space<vmem_shared>> -> memref<10240x128xf32, #tpu.memory_space<vmem_shared>>
        tpu.enqueue_indirect_dma source(%arg8 : memref<128x128xf32, #tpu.memory_space<vmem>>) target(%dma_start3A_228 : memref<10240x128xf32, #tpu.memory_space<vmem_shared>>) offsets(%dma_start3A_225 : memref<128xi32, #tpu.memory_space<vmem>>) semaphore(%arg15 : memref<!tpu.dma_semaphore, #tpu.memory_space<semaphore_mem>>) {add = true}
        %dma_wait3A_229 = arith.constant 0 : i32
        %dma_wait3A_230 = arith.constant 0 : i32
        %dma_wait3A_231 = tpu.memref_slice %arg3[%mul3A_0, %dma_wait3A_229, %dma_wait3A_230] : memref<672x4x128xi32, #tpu.memory_space<hbm>> -> memref<1x4x128xi32, #tpu.memory_space<hbm>>
        %dma_wait3A_232 = tpu.memref_squeeze %dma_wait3A_231 : memref<1x4x128xi32, #tpu.memory_space<hbm>> -> memref<4x128xi32, #tpu.memory_space<hbm>>
        %dma_wait3A_233 = arith.constant 0 : i32
        %dma_wait3A_234 = arith.constant 0 : i32
        %dma_wait3A_235 = tpu.memref_slice %arg3[%mul3A_0, %dma_wait3A_233, %dma_wait3A_234] : memref<672x4x128xi32, #tpu.memory_space<hbm>> -> memref<1x4x128xi32, #tpu.memory_space<hbm>>
        %dma_wait3A_236 = tpu.memref_squeeze %dma_wait3A_235 : memref<1x4x128xi32, #tpu.memory_space<hbm>> -> memref<4x128xi32, #tpu.memory_space<hbm>>
        tpu.wait_dma2 semaphore(%arg12 : memref<!tpu.dma_semaphore, #tpu.memory_space<semaphore_mem>>) src(%dma_wait3A_236 : memref<4x128xi32, #tpu.memory_space<hbm>>) dst(%arg5 : memref<4x128xi32, #tpu.memory_space<vmem>>)
        %dma_wait3A_237 = arith.constant 2 : i32
        %dma_wait3A_238 = arith.constant 0 : i32
        %dma_wait3A_239 = tpu.memref_slice %arg6[%dma_wait3A_237, %dma_wait3A_238] : memref<4x128xi32, #tpu.memory_space<vmem>> -> memref<1x128xi32, #tpu.memory_space<vmem>>
        %dma_wait3A_240 = tpu.memref_squeeze %dma_wait3A_239 : memref<1x128xi32, #tpu.memory_space<vmem>> -> memref<128xi32, #tpu.memory_space<vmem>>
        %dma_wait3A_241 = arith.constant 0 : i32
        %dma_wait3A_242 = arith.constant 0 : i32
        %dma_wait3A_243 = tpu.memref_slice %arg9[%dma_wait3A_241, %dma_wait3A_242] : memref<10240x128xf32, #tpu.memory_space<vmem_shared>> -> memref<10240x128xf32, #tpu.memory_space<vmem_shared>>
        tpu.wait_indirect_dma semaphore(%arg14 : memref<!tpu.dma_semaphore, #tpu.memory_space<semaphore_mem>>) src(%arg7 : memref<128x128xf32, #tpu.memory_space<vmem>>) dst(%dma_wait3A_243 : memref<10240x128xf32, #tpu.memory_space<vmem_shared>>)
        %dma_start3A_244 = arith.constant 0 : i32
        %dma_start3A_245 = arith.constant 0 : i32
        %dma_start3A_246 = tpu.memref_slice %arg5[%dma_start3A_244, %dma_start3A_245] : memref<4x128xi32, #tpu.memory_space<vmem>> -> memref<1x128xi32, #tpu.memory_space<vmem>>
        %dma_start3A_247 = tpu.memref_squeeze %dma_start3A_246 : memref<1x128xi32, #tpu.memory_space<vmem>> -> memref<128xi32, #tpu.memory_space<vmem>>
        %dma_start3A_248 = arith.constant 0 : i32
        %dma_start3A_249 = arith.constant 0 : i32
        %dma_start3A_250 = tpu.memref_slice %arg2[%scan3A_60, %dma_start3A_248, %dma_start3A_249] : memref<2x10000x128xf32, #tpu.memory_space<hbm>> -> memref<1x10000x128xf32, #tpu.memory_space<hbm>>
        %dma_start3A_251 = tpu.memref_squeeze %dma_start3A_250 : memref<1x10000x128xf32, #tpu.memory_space<hbm>> -> memref<10000x128xf32, #tpu.memory_space<hbm>>
        %dma_start3A_252 = arith.constant 0 : i32
        %dma_start3A_253 = arith.constant 0 : i32
        %dma_start3A_254 = tpu.memref_slice %dma_start3A_251[%dma_start3A_252, %dma_start3A_253] : memref<10000x128xf32, #tpu.memory_space<hbm>> -> memref<10000x128xf32, #tpu.memory_space<hbm>>
        tpu.enqueue_indirect_dma source(%dma_start3A_254 : memref<10000x128xf32, #tpu.memory_space<hbm>>) target(%arg7 : memref<128x128xf32, #tpu.memory_space<vmem>>) offsets(%dma_start3A_247 : memref<128xi32, #tpu.memory_space<vmem>>) semaphore(%arg10 : memref<!tpu.dma_semaphore, #tpu.memory_space<semaphore_mem>>)
        %dma_wait3A_255 = arith.constant 3 : i32
        %dma_wait3A_256 = arith.constant 0 : i32
        %dma_wait3A_257 = tpu.memref_slice %arg6[%dma_wait3A_255, %dma_wait3A_256] : memref<4x128xi32, #tpu.memory_space<vmem>> -> memref<1x128xi32, #tpu.memory_space<vmem>>
        %dma_wait3A_258 = tpu.memref_squeeze %dma_wait3A_257 : memref<1x128xi32, #tpu.memory_space<vmem>> -> memref<128xi32, #tpu.memory_space<vmem>>
        %dma_wait3A_259 = arith.constant 0 : i32
        %dma_wait3A_260 = arith.constant 0 : i32
        %dma_wait3A_261 = tpu.memref_slice %arg9[%dma_wait3A_259, %dma_wait3A_260] : memref<10240x128xf32, #tpu.memory_space<vmem_shared>> -> memref<10240x128xf32, #tpu.memory_space<vmem_shared>>
        tpu.wait_indirect_dma semaphore(%arg15 : memref<!tpu.dma_semaphore, #tpu.memory_space<semaphore_mem>>) src(%arg8 : memref<128x128xf32, #tpu.memory_space<vmem>>) dst(%dma_wait3A_261 : memref<10240x128xf32, #tpu.memory_space<vmem_shared>>)
        %dma_start3A_262 = arith.constant 1 : i32
        %dma_start3A_263 = arith.constant 0 : i32
        %dma_start3A_264 = tpu.memref_slice %arg5[%dma_start3A_262, %dma_start3A_263] : memref<4x128xi32, #tpu.memory_space<vmem>> -> memref<1x128xi32, #tpu.memory_space<vmem>>
        %dma_start3A_265 = tpu.memref_squeeze %dma_start3A_264 : memref<1x128xi32, #tpu.memory_space<vmem>> -> memref<128xi32, #tpu.memory_space<vmem>>
        %dma_start3A_266 = arith.constant 0 : i32
        %dma_start3A_267 = arith.constant 0 : i32
        %dma_start3A_268 = tpu.memref_slice %arg2[%scan3A_60, %dma_start3A_266, %dma_start3A_267] : memref<2x10000x128xf32, #tpu.memory_space<hbm>> -> memref<1x10000x128xf32, #tpu.memory_space<hbm>>
        %dma_start3A_269 = tpu.memref_squeeze %dma_start3A_268 : memref<1x10000x128xf32, #tpu.memory_space<hbm>> -> memref<10000x128xf32, #tpu.memory_space<hbm>>
        %dma_start3A_270 = arith.constant 0 : i32
        %dma_start3A_271 = arith.constant 0 : i32
        %dma_start3A_272 = tpu.memref_slice %dma_start3A_269[%dma_start3A_270, %dma_start3A_271] : memref<10000x128xf32, #tpu.memory_space<hbm>> -> memref<10000x128xf32, #tpu.memory_space<hbm>>
        tpu.enqueue_indirect_dma source(%dma_start3A_272 : memref<10000x128xf32, #tpu.memory_space<hbm>>) target(%arg8 : memref<128x128xf32, #tpu.memory_space<vmem>>) offsets(%dma_start3A_265 : memref<128xi32, #tpu.memory_space<vmem>>) semaphore(%arg11 : memref<!tpu.dma_semaphore, #tpu.memory_space<semaphore_mem>>)
        %add3A_273 = arith.addi %mul3A_0, %add3A_101 : i32
        %add3A_274 = arith.constant 3 : i32
        %add3A_275 = arith.addi %add3A_273, %add3A_274 : i32
        %dma_start3A_276 = arith.constant 0 : i32
        %dma_start3A_277 = arith.constant 0 : i32
        %dma_start3A_278 = tpu.memref_slice %arg3[%add3A_275, %dma_start3A_276, %dma_start3A_277] : memref<672x4x128xi32, #tpu.memory_space<hbm>> -> memref<1x4x128xi32, #tpu.memory_space<hbm>>
        %dma_start3A_279 = tpu.memref_squeeze %dma_start3A_278 : memref<1x4x128xi32, #tpu.memory_space<hbm>> -> memref<4x128xi32, #tpu.memory_space<hbm>>
        %dma_start3A_280 = arith.constant 0 : i32
        %dma_start3A_281 = arith.constant 0 : i32
        %dma_start3A_282 = tpu.memref_slice %arg3[%add3A_275, %dma_start3A_280, %dma_start3A_281] : memref<672x4x128xi32, #tpu.memory_space<hbm>> -> memref<1x4x128xi32, #tpu.memory_space<hbm>>
        %dma_start3A_283 = tpu.memref_squeeze %dma_start3A_282 : memref<1x4x128xi32, #tpu.memory_space<hbm>> -> memref<4x128xi32, #tpu.memory_space<hbm>>
        tpu.enqueue_dma source(%dma_start3A_283 : memref<4x128xi32, #tpu.memory_space<hbm>>) target(%arg6 : memref<4x128xi32, #tpu.memory_space<vmem>>) target_semaphore(%arg13 : memref<!tpu.dma_semaphore, #tpu.memory_space<semaphore_mem>>)
      }
      %scan3A_65 = arith.constant 20 : i32
      %dma_wait3A = arith.constant 1 : i32
      %dma_wait3A_66 = arith.constant 0 : i32
      %dma_wait3A_67 = arith.constant 0 : i32
      %dma_wait3A_68 = tpu.memref_slice %arg5[%dma_wait3A_66, %dma_wait3A_67] : memref<4x128xi32, #tpu.memory_space<vmem>> -> memref<1x128xi32, #tpu.memory_space<vmem>>
      %dma_wait3A_69 = tpu.memref_squeeze %dma_wait3A_68 : memref<1x128xi32, #tpu.memory_space<vmem>> -> memref<128xi32, #tpu.memory_space<vmem>>
      %dma_wait3A_70 = arith.constant 0 : i32
      %dma_wait3A_71 = arith.constant 0 : i32
      %dma_wait3A_72 = tpu.memref_slice %arg2[%dma_wait3A, %dma_wait3A_70, %dma_wait3A_71] : memref<2x10000x128xf32, #tpu.memory_space<hbm>> -> memref<1x10000x128xf32, #tpu.memory_space<hbm>>
      %dma_wait3A_73 = tpu.memref_squeeze %dma_wait3A_72 : memref<1x10000x128xf32, #tpu.memory_space<hbm>> -> memref<10000x128xf32, #tpu.memory_space<hbm>>
      %dma_wait3A_74 = arith.constant 0 : i32
      %dma_wait3A_75 = arith.constant 0 : i32
      %dma_wait3A_76 = tpu.memref_slice %dma_wait3A_73[%dma_wait3A_74, %dma_wait3A_75] : memref<10000x128xf32, #tpu.memory_space<hbm>> -> memref<10000x128xf32, #tpu.memory_space<hbm>>
      tpu.wait_indirect_dma semaphore(%arg10 : memref<!tpu.dma_semaphore, #tpu.memory_space<semaphore_mem>>) src(%dma_wait3A_76 : memref<10000x128xf32, #tpu.memory_space<hbm>>) dst(%arg7 : memref<128x128xf32, #tpu.memory_space<vmem>>)
      %dma_wait3A_77 = arith.constant 1 : i32
      %dma_wait3A_78 = arith.constant 1 : i32
      %dma_wait3A_79 = arith.constant 0 : i32
      %dma_wait3A_80 = tpu.memref_slice %arg5[%dma_wait3A_78, %dma_wait3A_79] : memref<4x128xi32, #tpu.memory_space<vmem>> -> memref<1x128xi32, #tpu.memory_space<vmem>>
      %dma_wait3A_81 = tpu.memref_squeeze %dma_wait3A_80 : memref<1x128xi32, #tpu.memory_space<vmem>> -> memref<128xi32, #tpu.memory_space<vmem>>
      %dma_wait3A_82 = arith.constant 0 : i32
      %dma_wait3A_83 = arith.constant 0 : i32
      %dma_wait3A_84 = tpu.memref_slice %arg2[%dma_wait3A_77, %dma_wait3A_82, %dma_wait3A_83] : memref<2x10000x128xf32, #tpu.memory_space<hbm>> -> memref<1x10000x128xf32, #tpu.memory_space<hbm>>
      %dma_wait3A_85 = tpu.memref_squeeze %dma_wait3A_84 : memref<1x10000x128xf32, #tpu.memory_space<hbm>> -> memref<10000x128xf32, #tpu.memory_space<hbm>>
      %dma_wait3A_86 = arith.constant 0 : i32
      %dma_wait3A_87 = arith.constant 0 : i32
      %dma_wait3A_88 = tpu.memref_slice %dma_wait3A_85[%dma_wait3A_86, %dma_wait3A_87] : memref<10000x128xf32, #tpu.memory_space<hbm>> -> memref<10000x128xf32, #tpu.memory_space<hbm>>
      tpu.wait_indirect_dma semaphore(%arg11 : memref<!tpu.dma_semaphore, #tpu.memory_space<semaphore_mem>>) src(%dma_wait3A_88 : memref<10000x128xf32, #tpu.memory_space<hbm>>) dst(%arg8 : memref<128x128xf32, #tpu.memory_space<vmem>>)
      %dma_wait3A_89 = arith.constant 0 : i32
      %dma_wait3A_90 = arith.constant 0 : i32
      %dma_wait3A_91 = tpu.memref_slice %arg3[%mul3A_0, %dma_wait3A_89, %dma_wait3A_90] : memref<672x4x128xi32, #tpu.memory_space<hbm>> -> memref<1x4x128xi32, #tpu.memory_space<hbm>>
      %dma_wait3A_92 = tpu.memref_squeeze %dma_wait3A_91 : memref<1x4x128xi32, #tpu.memory_space<hbm>> -> memref<4x128xi32, #tpu.memory_space<hbm>>
      %dma_wait3A_93 = arith.constant 0 : i32
      %dma_wait3A_94 = arith.constant 0 : i32
      %dma_wait3A_95 = tpu.memref_slice %arg3[%mul3A_0, %dma_wait3A_93, %dma_wait3A_94] : memref<672x4x128xi32, #tpu.memory_space<hbm>> -> memref<1x4x128xi32, #tpu.memory_space<hbm>>
      %dma_wait3A_96 = tpu.memref_squeeze %dma_wait3A_95 : memref<1x4x128xi32, #tpu.memory_space<hbm>> -> memref<4x128xi32, #tpu.memory_space<hbm>>
      tpu.wait_dma2 semaphore(%arg13 : memref<!tpu.dma_semaphore, #tpu.memory_space<semaphore_mem>>) src(%dma_wait3A_96 : memref<4x128xi32, #tpu.memory_space<hbm>>) dst(%arg6 : memref<4x128xi32, #tpu.memory_space<vmem>>)
    } else {
    }
    %barrier3A_17 = arith.constant 0 : index
    tpu.barrier barrier_id(%barrier3A_17)
    %eq3A_18 = arith.constant 0 : i32
    %eq3A_19 = arith.cmpi eq, %arg0, %eq3A_18 : i32
    %convert_element_type3A_20 = arith.extui %eq3A_19 : i1 to i32
    %cond3A_21 = arith.constant 0 : i32
    %cond3A_22 = arith.cmpi ne, %convert_element_type3A_20, %cond3A_21 : i32
    scf.if %cond3A_22 {
      %mul3A_28 = arith.constant 624 : i32
      %mul3A_29 = arith.muli %arg1, %mul3A_28 : i32
      %mul3A_30 = arith.constant 624 : i32
      %mul3A_31 = arith.muli %arg1, %mul3A_30 : i32
      %run_scoped3A = arith.constant 0 : i32
      "tpu.region"() ({
        %run_scoped3A_38 = tpu.sem_alloc : memref<!tpu.dma_semaphore, #tpu.memory_space<semaphore_mem>>
        %dma_start3A = arith.constant 0 : i32
        %dma_start3A_39 = arith.constant 0 : i32
        %dma_start3A_40 = tpu.memref_slice %arg4[%run_scoped3A, %dma_start3A, %dma_start3A_39] : memref<2x10000x128xf32, #tpu.memory_space<hbm>> -> memref<1x10000x128xf32, #tpu.memory_space<hbm>>
        %dma_start3A_41 = tpu.memref_squeeze %dma_start3A_40 : memref<1x10000x128xf32, #tpu.memory_space<hbm>> -> memref<10000x128xf32, #tpu.memory_space<hbm>>
        %dma_start3A_42 = arith.constant 0 : i32
        %dma_start3A_43 = tpu.memref_slice %dma_start3A_41[%mul3A_31, %dma_start3A_42] : memref<10000x128xf32, #tpu.memory_space<hbm>> -> memref<624x128xf32, #tpu.memory_space<hbm>>
        %dma_start3A_44 = arith.constant 0 : i32
        %dma_start3A_45 = tpu.memref_slice %arg9[%mul3A_29, %dma_start3A_44] : memref<10240x128xf32, #tpu.memory_space<vmem_shared>> -> memref<624x128xf32, #tpu.memory_space<vmem_shared>>
        tpu.enqueue_dma source(%dma_start3A_45 : memref<624x128xf32, #tpu.memory_space<vmem_shared>>) target(%dma_start3A_43 : memref<624x128xf32, #tpu.memory_space<hbm>>) target_semaphore(%run_scoped3A_38 : memref<!tpu.dma_semaphore, #tpu.memory_space<semaphore_mem>>)
        %dma_wait3A = arith.constant 0 : i32
        %dma_wait3A_46 = arith.constant 0 : i32
        %dma_wait3A_47 = tpu.memref_slice %arg4[%run_scoped3A, %dma_wait3A, %dma_wait3A_46] : memref<2x10000x128xf32, #tpu.memory_space<hbm>> -> memref<1x10000x128xf32, #tpu.memory_space<hbm>>
        %dma_wait3A_48 = tpu.memref_squeeze %dma_wait3A_47 : memref<1x10000x128xf32, #tpu.memory_space<hbm>> -> memref<10000x128xf32, #tpu.memory_space<hbm>>
        %dma_wait3A_49 = arith.constant 0 : i32
        %dma_wait3A_50 = tpu.memref_slice %dma_wait3A_48[%mul3A_31, %dma_wait3A_49] : memref<10000x128xf32, #tpu.memory_space<hbm>> -> memref<624x128xf32, #tpu.memory_space<hbm>>
        %dma_wait3A_51 = arith.constant 0 : i32
        %dma_wait3A_52 = tpu.memref_slice %arg9[%mul3A_29, %dma_wait3A_51] : memref<10240x128xf32, #tpu.memory_space<vmem_shared>> -> memref<624x128xf32, #tpu.memory_space<vmem_shared>>
        tpu.wait_dma2 semaphore(%run_scoped3A_38 : memref<!tpu.dma_semaphore, #tpu.memory_space<semaphore_mem>>) src(%dma_wait3A_52 : memref<624x128xf32, #tpu.memory_space<vmem_shared>>) dst(%dma_wait3A_50 : memref<624x128xf32, #tpu.memory_space<hbm>>)
        tpu.yield
      }) : () -> ()
      %eq3A_32 = arith.constant 15 : i32
      %eq3A_33 = arith.cmpi eq, %arg1, %eq3A_32 : i32
      %convert_element_type3A_34 = arith.extui %eq3A_33 : i1 to i32
      %cond3A_35 = arith.constant 0 : i32
      %cond3A_36 = arith.constant 0 : i32
      %cond3A_37 = arith.cmpi ne, %convert_element_type3A_34, %cond3A_36 : i32
      scf.if %cond3A_37 {
        "tpu.region"() ({
          %run_scoped3A_38 = tpu.sem_alloc : memref<!tpu.dma_semaphore, #tpu.memory_space<semaphore_mem>>
          %dma_start3A = arith.constant 0 : i32
          %dma_start3A_39 = arith.constant 0 : i32
          %dma_start3A_40 = tpu.memref_slice %arg4[%cond3A_35, %dma_start3A, %dma_start3A_39] : memref<2x10000x128xf32, #tpu.memory_space<hbm>> -> memref<1x10000x128xf32, #tpu.memory_space<hbm>>
          %dma_start3A_41 = tpu.memref_squeeze %dma_start3A_40 : memref<1x10000x128xf32, #tpu.memory_space<hbm>> -> memref<10000x128xf32, #tpu.memory_space<hbm>>
          %dma_start3A_42 = arith.constant 9984 : i32
          %dma_start3A_43 = arith.constant 0 : i32
          %dma_start3A_44 = tpu.memref_slice %dma_start3A_41[%dma_start3A_42, %dma_start3A_43] : memref<10000x128xf32, #tpu.memory_space<hbm>> -> memref<16x128xf32, #tpu.memory_space<hbm>>
          %dma_start3A_45 = arith.constant 9984 : i32
          %dma_start3A_46 = arith.constant 0 : i32
          %dma_start3A_47 = tpu.memref_slice %arg9[%dma_start3A_45, %dma_start3A_46] : memref<10240x128xf32, #tpu.memory_space<vmem_shared>> -> memref<16x128xf32, #tpu.memory_space<vmem_shared>>
          tpu.enqueue_dma source(%dma_start3A_47 : memref<16x128xf32, #tpu.memory_space<vmem_shared>>) target(%dma_start3A_44 : memref<16x128xf32, #tpu.memory_space<hbm>>) target_semaphore(%run_scoped3A_38 : memref<!tpu.dma_semaphore, #tpu.memory_space<semaphore_mem>>)
          %dma_wait3A = arith.constant 0 : i32
          %dma_wait3A_48 = arith.constant 0 : i32
          %dma_wait3A_49 = tpu.memref_slice %arg4[%cond3A_35, %dma_wait3A, %dma_wait3A_48] : memref<2x10000x128xf32, #tpu.memory_space<hbm>> -> memref<1x10000x128xf32, #tpu.memory_space<hbm>>
          %dma_wait3A_50 = tpu.memref_squeeze %dma_wait3A_49 : memref<1x10000x128xf32, #tpu.memory_space<hbm>> -> memref<10000x128xf32, #tpu.memory_space<hbm>>
          %dma_wait3A_51 = arith.constant 9984 : i32
          %dma_wait3A_52 = arith.constant 0 : i32
          %dma_wait3A_53 = tpu.memref_slice %dma_wait3A_50[%dma_wait3A_51, %dma_wait3A_52] : memref<10000x128xf32, #tpu.memory_space<hbm>> -> memref<16x128xf32, #tpu.memory_space<hbm>>
          %dma_wait3A_54 = arith.constant 9984 : i32
          %dma_wait3A_55 = arith.constant 0 : i32
          %dma_wait3A_56 = tpu.memref_slice %arg9[%dma_wait3A_54, %dma_wait3A_55] : memref<10240x128xf32, #tpu.memory_space<vmem_shared>> -> memref<16x128xf32, #tpu.memory_space<vmem_shared>>
          tpu.wait_dma2 semaphore(%run_scoped3A_38 : memref<!tpu.dma_semaphore, #tpu.memory_space<semaphore_mem>>) src(%dma_wait3A_56 : memref<16x128xf32, #tpu.memory_space<vmem_shared>>) dst(%dma_wait3A_53 : memref<16x128xf32, #tpu.memory_space<hbm>>)
          tpu.yield
        }) : () -> ()
      } else {
      }
    } else {
    }
    %eq3A_23 = arith.constant 1 : i32
    %eq3A_24 = arith.cmpi eq, %arg0, %eq3A_23 : i32
    %convert_element_type3A_25 = arith.extui %eq3A_24 : i1 to i32
    %cond3A_26 = arith.constant 0 : i32
    %cond3A_27 = arith.cmpi ne, %convert_element_type3A_25, %cond3A_26 : i32
    scf.if %cond3A_27 {
      %mul3A_28 = arith.constant 624 : i32
      %mul3A_29 = arith.muli %arg1, %mul3A_28 : i32
      %mul3A_30 = arith.constant 624 : i32
      %mul3A_31 = arith.muli %arg1, %mul3A_30 : i32
      %run_scoped3A = arith.constant 1 : i32
      "tpu.region"() ({
        %run_scoped3A_38 = tpu.sem_alloc : memref<!tpu.dma_semaphore, #tpu.memory_space<semaphore_mem>>
        %dma_start3A = arith.constant 0 : i32
        %dma_start3A_39 = arith.constant 0 : i32
        %dma_start3A_40 = tpu.memref_slice %arg4[%run_scoped3A, %dma_start3A, %dma_start3A_39] : memref<2x10000x128xf32, #tpu.memory_space<hbm>> -> memref<1x10000x128xf32, #tpu.memory_space<hbm>>
        %dma_start3A_41 = tpu.memref_squeeze %dma_start3A_40 : memref<1x10000x128xf32, #tpu.memory_space<hbm>> -> memref<10000x128xf32, #tpu.memory_space<hbm>>
        %dma_start3A_42 = arith.constant 0 : i32
        %dma_start3A_43 = tpu.memref_slice %dma_start3A_41[%mul3A_31, %dma_start3A_42] : memref<10000x128xf32, #tpu.memory_space<hbm>> -> memref<624x128xf32, #tpu.memory_space<hbm>>
        %dma_start3A_44 = arith.constant 0 : i32
        %dma_start3A_45 = tpu.memref_slice %arg9[%mul3A_29, %dma_start3A_44] : memref<10240x128xf32, #tpu.memory_space<vmem_shared>> -> memref<624x128xf32, #tpu.memory_space<vmem_shared>>
        tpu.enqueue_dma source(%dma_start3A_45 : memref<624x128xf32, #tpu.memory_space<vmem_shared>>) target(%dma_start3A_43 : memref<624x128xf32, #tpu.memory_space<hbm>>) target_semaphore(%run_scoped3A_38 : memref<!tpu.dma_semaphore, #tpu.memory_space<semaphore_mem>>)
        %dma_wait3A = arith.constant 0 : i32
        %dma_wait3A_46 = arith.constant 0 : i32
        %dma_wait3A_47 = tpu.memref_slice %arg4[%run_scoped3A, %dma_wait3A, %dma_wait3A_46] : memref<2x10000x128xf32, #tpu.memory_space<hbm>> -> memref<1x10000x128xf32, #tpu.memory_space<hbm>>
        %dma_wait3A_48 = tpu.memref_squeeze %dma_wait3A_47 : memref<1x10000x128xf32, #tpu.memory_space<hbm>> -> memref<10000x128xf32, #tpu.memory_space<hbm>>
        %dma_wait3A_49 = arith.constant 0 : i32
        %dma_wait3A_50 = tpu.memref_slice %dma_wait3A_48[%mul3A_31, %dma_wait3A_49] : memref<10000x128xf32, #tpu.memory_space<hbm>> -> memref<624x128xf32, #tpu.memory_space<hbm>>
        %dma_wait3A_51 = arith.constant 0 : i32
        %dma_wait3A_52 = tpu.memref_slice %arg9[%mul3A_29, %dma_wait3A_51] : memref<10240x128xf32, #tpu.memory_space<vmem_shared>> -> memref<624x128xf32, #tpu.memory_space<vmem_shared>>
        tpu.wait_dma2 semaphore(%run_scoped3A_38 : memref<!tpu.dma_semaphore, #tpu.memory_space<semaphore_mem>>) src(%dma_wait3A_52 : memref<624x128xf32, #tpu.memory_space<vmem_shared>>) dst(%dma_wait3A_50 : memref<624x128xf32, #tpu.memory_space<hbm>>)
        tpu.yield
      }) : () -> ()
      %eq3A_32 = arith.constant 15 : i32
      %eq3A_33 = arith.cmpi eq, %arg1, %eq3A_32 : i32
      %convert_element_type3A_34 = arith.extui %eq3A_33 : i1 to i32
      %cond3A_35 = arith.constant 1 : i32
      %cond3A_36 = arith.constant 0 : i32
      %cond3A_37 = arith.cmpi ne, %convert_element_type3A_34, %cond3A_36 : i32
      scf.if %cond3A_37 {
        "tpu.region"() ({
          %run_scoped3A_38 = tpu.sem_alloc : memref<!tpu.dma_semaphore, #tpu.memory_space<semaphore_mem>>
          %dma_start3A = arith.constant 0 : i32
          %dma_start3A_39 = arith.constant 0 : i32
          %dma_start3A_40 = tpu.memref_slice %arg4[%cond3A_35, %dma_start3A, %dma_start3A_39] : memref<2x10000x128xf32, #tpu.memory_space<hbm>> -> memref<1x10000x128xf32, #tpu.memory_space<hbm>>
          %dma_start3A_41 = tpu.memref_squeeze %dma_start3A_40 : memref<1x10000x128xf32, #tpu.memory_space<hbm>> -> memref<10000x128xf32, #tpu.memory_space<hbm>>
          %dma_start3A_42 = arith.constant 9984 : i32
          %dma_start3A_43 = arith.constant 0 : i32
          %dma_start3A_44 = tpu.memref_slice %dma_start3A_41[%dma_start3A_42, %dma_start3A_43] : memref<10000x128xf32, #tpu.memory_space<hbm>> -> memref<16x128xf32, #tpu.memory_space<hbm>>
          %dma_start3A_45 = arith.constant 9984 : i32
          %dma_start3A_46 = arith.constant 0 : i32
          %dma_start3A_47 = tpu.memref_slice %arg9[%dma_start3A_45, %dma_start3A_46] : memref<10240x128xf32, #tpu.memory_space<vmem_shared>> -> memref<16x128xf32, #tpu.memory_space<vmem_shared>>
          tpu.enqueue_dma source(%dma_start3A_47 : memref<16x128xf32, #tpu.memory_space<vmem_shared>>) target(%dma_start3A_44 : memref<16x128xf32, #tpu.memory_space<hbm>>) target_semaphore(%run_scoped3A_38 : memref<!tpu.dma_semaphore, #tpu.memory_space<semaphore_mem>>)
          %dma_wait3A = arith.constant 0 : i32
          %dma_wait3A_48 = arith.constant 0 : i32
          %dma_wait3A_49 = tpu.memref_slice %arg4[%cond3A_35, %dma_wait3A, %dma_wait3A_48] : memref<2x10000x128xf32, #tpu.memory_space<hbm>> -> memref<1x10000x128xf32, #tpu.memory_space<hbm>>
          %dma_wait3A_50 = tpu.memref_squeeze %dma_wait3A_49 : memref<1x10000x128xf32, #tpu.memory_space<hbm>> -> memref<10000x128xf32, #tpu.memory_space<hbm>>
          %dma_wait3A_51 = arith.constant 9984 : i32
          %dma_wait3A_52 = arith.constant 0 : i32
          %dma_wait3A_53 = tpu.memref_slice %dma_wait3A_50[%dma_wait3A_51, %dma_wait3A_52] : memref<10000x128xf32, #tpu.memory_space<hbm>> -> memref<16x128xf32, #tpu.memory_space<hbm>>
          %dma_wait3A_54 = arith.constant 9984 : i32
          %dma_wait3A_55 = arith.constant 0 : i32
          %dma_wait3A_56 = tpu.memref_slice %arg9[%dma_wait3A_54, %dma_wait3A_55] : memref<10240x128xf32, #tpu.memory_space<vmem_shared>> -> memref<16x128xf32, #tpu.memory_space<vmem_shared>>
          tpu.wait_dma2 semaphore(%run_scoped3A_38 : memref<!tpu.dma_semaphore, #tpu.memory_space<semaphore_mem>>) src(%dma_wait3A_56 : memref<16x128xf32, #tpu.memory_space<vmem_shared>>) dst(%dma_wait3A_53 : memref<16x128xf32, #tpu.memory_space<hbm>>)
          tpu.yield
        }) : () -> ()
      } else {
      }
    } else {
    }
    return
  }
}

#map = affine_map<(d0, d1) -> (0, 0, 0)>
#map1 = affine_map<(d0, d1) -> (0)>
module attributes {stable_mosaic.version = 14 : i64} {
  func.func @k(%arg0: i32, %arg1: i32, %arg2: memref<32x40x128xi32, #tpu.memory_space<hbm>>, %arg3: memref<20480xf32, #tpu.memory_space<hbm>>, %arg4: memref<40x128xi32, #tpu.memory_space<vmem>>, %arg5: memref<128xf32, #tpu.memory_space<vmem>>, %arg6: memref<640xf32, #tpu.memory_space<vmem>>, %arg7: memref<10240xf32, #tpu.memory_space<vmem_shared>>) attributes {dimension_semantics = [#tpu.dimension_semantics<core_parallel>, #tpu.dimension_semantics<subcore_parallel>], iteration_bounds = array<i64: 2, 16>, scalar_prefetch = 0 : i64, scratch_operands = 4 : i64, tpu.core_type = #tpu.core_type<sc_vector_subcore>, window_params = [{transform_indices = #map}, {transform_indices = #map1}]} {
    %mul3A = arith.constant 16 : i32
    %mul3A_0 = arith.muli %arg0, %mul3A : i32
    %add3A = arith.addi %mul3A_0, %arg1 : i32
    "tpu.region"() ({
      %run_scoped3A = tpu.sem_alloc : memref<!tpu.dma_semaphore, #tpu.memory_space<semaphore_mem>>
      %dma_start3A = arith.constant 0 : i32
      %dma_start3A_22 = arith.constant 0 : i32
      %dma_start3A_23 = tpu.memref_slice %arg2[%add3A, %dma_start3A, %dma_start3A_22] : memref<32x40x128xi32, #tpu.memory_space<hbm>> -> memref<1x40x128xi32, #tpu.memory_space<hbm>>
      %dma_start3A_24 = tpu.memref_squeeze %dma_start3A_23 : memref<1x40x128xi32, #tpu.memory_space<hbm>> -> memref<40x128xi32, #tpu.memory_space<hbm>>
      %dma_start3A_25 = arith.constant 0 : i32
      %dma_start3A_26 = arith.constant 0 : i32
      %dma_start3A_27 = tpu.memref_slice %arg2[%add3A, %dma_start3A_25, %dma_start3A_26] : memref<32x40x128xi32, #tpu.memory_space<hbm>> -> memref<1x40x128xi32, #tpu.memory_space<hbm>>
      %dma_start3A_28 = tpu.memref_squeeze %dma_start3A_27 : memref<1x40x128xi32, #tpu.memory_space<hbm>> -> memref<40x128xi32, #tpu.memory_space<hbm>>
      tpu.enqueue_dma source(%dma_start3A_28 : memref<40x128xi32, #tpu.memory_space<hbm>>) target(%arg4 : memref<40x128xi32, #tpu.memory_space<vmem>>) target_semaphore(%run_scoped3A : memref<!tpu.dma_semaphore, #tpu.memory_space<semaphore_mem>>)
      %dma_wait3A = arith.constant 0 : i32
      %dma_wait3A_29 = arith.constant 0 : i32
      %dma_wait3A_30 = tpu.memref_slice %arg2[%add3A, %dma_wait3A, %dma_wait3A_29] : memref<32x40x128xi32, #tpu.memory_space<hbm>> -> memref<1x40x128xi32, #tpu.memory_space<hbm>>
      %dma_wait3A_31 = tpu.memref_squeeze %dma_wait3A_30 : memref<1x40x128xi32, #tpu.memory_space<hbm>> -> memref<40x128xi32, #tpu.memory_space<hbm>>
      %dma_wait3A_32 = arith.constant 0 : i32
      %dma_wait3A_33 = arith.constant 0 : i32
      %dma_wait3A_34 = tpu.memref_slice %arg2[%add3A, %dma_wait3A_32, %dma_wait3A_33] : memref<32x40x128xi32, #tpu.memory_space<hbm>> -> memref<1x40x128xi32, #tpu.memory_space<hbm>>
      %dma_wait3A_35 = tpu.memref_squeeze %dma_wait3A_34 : memref<1x40x128xi32, #tpu.memory_space<hbm>> -> memref<40x128xi32, #tpu.memory_space<hbm>>
      tpu.wait_dma2 semaphore(%run_scoped3A : memref<!tpu.dma_semaphore, #tpu.memory_space<semaphore_mem>>) src(%dma_wait3A_35 : memref<40x128xi32, #tpu.memory_space<hbm>>) dst(%arg4 : memref<40x128xi32, #tpu.memory_space<vmem>>)
      tpu.yield
    }) : () -> ()
    %scan3A = arith.constant 0 : i32
    %scan3A_1 = arith.constant 8 : i32
    %scan3A_2 = arith.addi %scan3A, %scan3A_1 : i32
    %scan3A_3 = arith.constant 1 : i32
    scf.for %scan3A_22 = %scan3A to %scan3A_2 step %scan3A_3  : i32 {
      %mul3A_23 = arith.constant 16 : i32
      %mul3A_24 = arith.muli %scan3A_22, %mul3A_23 : i32
      %add3A_25 = arith.constant 0 : i32
      %add3A_26 = arith.addi %add3A_25, %mul3A_24 : i32
      %broadcast_in_dim3A = arith.constant 1.000000e+00 : f32
      %broadcast_in_dim3A_27 = vector.broadcast %broadcast_in_dim3A : f32 to vector<16xf32>
      %swap3A = arith.index_cast %add3A_26 : i32 to index
      %swap3A_28 = tpu.vector_load %arg5[%swap3A] {strides = array<i32>} : memref<128xf32, #tpu.memory_space<vmem>>, vector<16xf32>,
      %swap3A_29 = vector.shape_cast %swap3A_28 : vector<16xf32> to vector<16xf32>
      %swap3A_30 = vector.shape_cast %broadcast_in_dim3A_27 : vector<16xf32> to vector<16xf32>
      tpu.vector_store %arg5[%swap3A], %swap3A_30 {strides = array<i32>} : memref<128xf32, #tpu.memory_space<vmem>>, vector<16xf32>,
    }
    %scan3A_4 = arith.constant 8 : i32
    %scan3A_5 = arith.constant 0 : i32
    %scan3A_6 = arith.constant 40 : i32
    %scan3A_7 = arith.addi %scan3A_5, %scan3A_6 : i32
    %scan3A_8 = arith.constant 1 : i32
    scf.for %scan3A_22 = %scan3A_5 to %scan3A_7 step %scan3A_8  : i32 {
      %mul3A_23 = arith.constant 16 : i32
      %mul3A_24 = arith.muli %scan3A_22, %mul3A_23 : i32
      %add3A_25 = arith.constant 0 : i32
      %add3A_26 = arith.addi %add3A_25, %mul3A_24 : i32
      %broadcast_in_dim3A = arith.constant 0.000000e+00 : f32
      %broadcast_in_dim3A_27 = vector.broadcast %broadcast_in_dim3A : f32 to vector<16xf32>
      %swap3A = arith.index_cast %add3A_26 : i32 to index
      %swap3A_28 = tpu.vector_load %arg6[%swap3A] {strides = array<i32>} : memref<640xf32, #tpu.memory_space<vmem>>, vector<16xf32>,
      %swap3A_29 = vector.shape_cast %swap3A_28 : vector<16xf32> to vector<16xf32>
      %swap3A_30 = vector.shape_cast %broadcast_in_dim3A_27 : vector<16xf32> to vector<16xf32>
      tpu.vector_store %arg6[%swap3A], %swap3A_30 {strides = array<i32>} : memref<640xf32, #tpu.memory_space<vmem>>, vector<16xf32>,
    }
    %scan3A_9 = arith.constant 40 : i32
    %mul3A_10 = arith.constant 640 : i32
    %mul3A_11 = arith.muli %arg1, %mul3A_10 : i32
    "tpu.region"() ({
      %run_scoped3A = tpu.sem_alloc : memref<!tpu.dma_semaphore, #tpu.memory_space<semaphore_mem>>
      %dma_start3A = tpu.memref_slice %arg7[%mul3A_11] : memref<10240xf32, #tpu.memory_space<vmem_shared>> -> memref<640xf32, #tpu.memory_space<vmem_shared>>
      %dma_start3A_22 = tpu.memref_slice %arg7[%mul3A_11] : memref<10240xf32, #tpu.memory_space<vmem_shared>> -> memref<640xf32, #tpu.memory_space<vmem_shared>>
      tpu.enqueue_dma source(%arg6 : memref<640xf32, #tpu.memory_space<vmem>>) target(%dma_start3A_22 : memref<640xf32, #tpu.memory_space<vmem_shared>>) target_semaphore(%run_scoped3A : memref<!tpu.dma_semaphore, #tpu.memory_space<semaphore_mem>>)
      %dma_wait3A = tpu.memref_slice %arg7[%mul3A_11] : memref<10240xf32, #tpu.memory_space<vmem_shared>> -> memref<640xf32, #tpu.memory_space<vmem_shared>>
      %dma_wait3A_23 = tpu.memref_slice %arg7[%mul3A_11] : memref<10240xf32, #tpu.memory_space<vmem_shared>> -> memref<640xf32, #tpu.memory_space<vmem_shared>>
      tpu.wait_dma2 semaphore(%run_scoped3A : memref<!tpu.dma_semaphore, #tpu.memory_space<semaphore_mem>>) src(%arg6 : memref<640xf32, #tpu.memory_space<vmem>>) dst(%dma_wait3A_23 : memref<640xf32, #tpu.memory_space<vmem_shared>>)
      tpu.yield
    }) : () -> ()
    %barrier3A = arith.constant 0 : index
    tpu.barrier barrier_id(%barrier3A)
    %scan3A_12 = arith.constant 0 : i32
    %scan3A_13 = arith.constant 40 : i32
    %scan3A_14 = arith.addi %scan3A_12, %scan3A_13 : i32
    %scan3A_15 = arith.constant 1 : i32
    scf.for %scan3A_22 = %scan3A_12 to %scan3A_14 step %scan3A_15  : i32 {
      %mul3A_23 = arith.constant 1 : i32
      %mul3A_24 = arith.muli %scan3A_22, %mul3A_23 : i32
      %add3A_25 = arith.constant 0 : i32
      %add3A_26 = arith.addi %add3A_25, %mul3A_24 : i32
      "tpu.region"() ({
        %run_scoped3A = tpu.sem_alloc : memref<!tpu.dma_semaphore, #tpu.memory_space<semaphore_mem>>
        %dma_start3A = arith.constant 0 : i32
        %dma_start3A_27 = tpu.memref_slice %arg4[%add3A_26, %dma_start3A] : memref<40x128xi32, #tpu.memory_space<vmem>> -> memref<1x128xi32, #tpu.memory_space<vmem>>
        %dma_start3A_28 = tpu.memref_squeeze %dma_start3A_27 : memref<1x128xi32, #tpu.memory_space<vmem>> -> memref<128xi32, #tpu.memory_space<vmem>>
        %dma_start3A_29 = arith.constant 0 : i32
        %dma_start3A_30 = tpu.memref_slice %arg7[%dma_start3A_29] : memref<10240xf32, #tpu.memory_space<vmem_shared>> -> memref<10240xf32, #tpu.memory_space<vmem_shared>>
        tpu.enqueue_indirect_dma source(%arg5 : memref<128xf32, #tpu.memory_space<vmem>>) target(%dma_start3A_30 : memref<10240xf32, #tpu.memory_space<vmem_shared>>) offsets(%dma_start3A_28 : memref<128xi32, #tpu.memory_space<vmem>>) semaphore(%run_scoped3A : memref<!tpu.dma_semaphore, #tpu.memory_space<semaphore_mem>>) {add = true}
        %dma_wait3A = arith.constant 0 : i32
        %dma_wait3A_31 = tpu.memref_slice %arg4[%add3A_26, %dma_wait3A] : memref<40x128xi32, #tpu.memory_space<vmem>> -> memref<1x128xi32, #tpu.memory_space<vmem>>
        %dma_wait3A_32 = tpu.memref_squeeze %dma_wait3A_31 : memref<1x128xi32, #tpu.memory_space<vmem>> -> memref<128xi32, #tpu.memory_space<vmem>>
        %dma_wait3A_33 = arith.constant 0 : i32
        %dma_wait3A_34 = tpu.memref_slice %arg7[%dma_wait3A_33] : memref<10240xf32, #tpu.memory_space<vmem_shared>> -> memref<10240xf32, #tpu.memory_space<vmem_shared>>
        tpu.wait_indirect_dma semaphore(%run_scoped3A : memref<!tpu.dma_semaphore, #tpu.memory_space<semaphore_mem>>) src(%arg5 : memref<128xf32, #tpu.memory_space<vmem>>) dst(%dma_wait3A_34 : memref<10240xf32, #tpu.memory_space<vmem_shared>>)
        tpu.yield
      }) : () -> ()
    }
    %scan3A_16 = arith.constant 40 : i32
    %barrier3A_17 = arith.constant 0 : index
    tpu.barrier barrier_id(%barrier3A_17)
    %mul3A_18 = arith.constant 640 : i32
    %mul3A_19 = arith.muli %arg1, %mul3A_18 : i32
    %mul3A_20 = arith.constant 640 : i32
    %mul3A_21 = arith.muli %add3A, %mul3A_20 : i32
    "tpu.region"() ({
      %run_scoped3A = tpu.sem_alloc : memref<!tpu.dma_semaphore, #tpu.memory_space<semaphore_mem>>
      %dma_start3A = tpu.memref_slice %arg3[%mul3A_21] : memref<20480xf32, #tpu.memory_space<hbm>> -> memref<640xf32, #tpu.memory_space<hbm>>
      %dma_start3A_22 = tpu.memref_slice %arg7[%mul3A_19] : memref<10240xf32, #tpu.memory_space<vmem_shared>> -> memref<640xf32, #tpu.memory_space<vmem_shared>>
      tpu.enqueue_dma source(%dma_start3A_22 : memref<640xf32, #tpu.memory_space<vmem_shared>>) target(%dma_start3A : memref<640xf32, #tpu.memory_space<hbm>>) target_semaphore(%run_scoped3A : memref<!tpu.dma_semaphore, #tpu.memory_space<semaphore_mem>>)
      %dma_wait3A = tpu.memref_slice %arg3[%mul3A_21] : memref<20480xf32, #tpu.memory_space<hbm>> -> memref<640xf32, #tpu.memory_space<hbm>>
      %dma_wait3A_23 = tpu.memref_slice %arg7[%mul3A_19] : memref<10240xf32, #tpu.memory_space<vmem_shared>> -> memref<640xf32, #tpu.memory_space<vmem_shared>>
      tpu.wait_dma2 semaphore(%run_scoped3A : memref<!tpu.dma_semaphore, #tpu.memory_space<semaphore_mem>>) src(%dma_wait3A_23 : memref<640xf32, #tpu.memory_space<vmem_shared>>) dst(%dma_wait3A : memref<640xf32, #tpu.memory_space<hbm>>)
      tpu.yield
    }) : () -> ()
    return
  }
}

#map = affine_map<(d0, d1) -> (0, 0, 0)>
module attributes {stable_mosaic.version = 14 : i64} {
  func.func @k(%arg0: i32, %arg1: i32, %arg2: memref<2x10000x128xf32, #tpu.memory_space<hbm>>, %arg3: memref<672x4x128xi32, #tpu.memory_space<hbm>>, %arg4: memref<2x10000x128xf32, #tpu.memory_space<hbm>>, %arg5: memref<4x128xi32, #tpu.memory_space<vmem>>, %arg6: memref<4x128xi32, #tpu.memory_space<vmem>>, %arg7: memref<128x128xf32, #tpu.memory_space<vmem>>, %arg8: memref<128x128xf32, #tpu.memory_space<vmem>>, %arg9: memref<10240x128xf32, #tpu.memory_space<vmem_shared>>, %arg10: memref<!tpu.dma_semaphore, #tpu.memory_space<semaphore_mem>>, %arg11: memref<!tpu.dma_semaphore, #tpu.memory_space<semaphore_mem>>, %arg12: memref<!tpu.dma_semaphore, #tpu.memory_space<semaphore_mem>>, %arg13: memref<!tpu.dma_semaphore, #tpu.memory_space<semaphore_mem>>, %arg14: memref<!tpu.dma_semaphore, #tpu.memory_space<semaphore_mem>>, %arg15: memref<!tpu.dma_semaphore, #tpu.memory_space<semaphore_mem>>) attributes {dimension_semantics = [#tpu.dimension_semantics<core_parallel>, #tpu.dimension_semantics<subcore_parallel>], iteration_bounds = array<i64: 2, 16>, scalar_prefetch = 0 : i64, scratch_operands = 11 : i64, tpu.core_type = #tpu.core_type<sc_vector_subcore>, window_params = [{transform_indices = #map}, {transform_indices = #map}, {transform_indices = #map}]} {
    %mul3A = arith.constant 42 : i32
    %mul3A_0 = arith.muli %arg1, %mul3A : i32
    %scan3A = arith.constant 0 : i32
    %scan3A_1 = arith.constant 128 : i32
    %scan3A_2 = arith.addi %scan3A, %scan3A_1 : i32
    %scan3A_3 = arith.constant 1 : i32
    scf.for %scan3A_28 = %scan3A to %scan3A_2 step %scan3A_3  : i32 {
      %mul3A_29 = arith.constant 1 : i32
      %mul3A_30 = arith.muli %scan3A_28, %mul3A_29 : i32
      %add3A = arith.constant 0 : i32
      %add3A_31 = arith.addi %add3A, %mul3A_30 : i32
      %scan3A_32 = arith.constant 0 : i32
      %scan3A_33 = arith.constant 8 : i32
      %scan3A_34 = arith.addi %scan3A_32, %scan3A_33 : i32
      %scan3A_35 = arith.constant 1 : i32
      scf.for %scan3A_37 = %scan3A_32 to %scan3A_34 step %scan3A_35  : i32 {
        %mul3A_38 = arith.constant 16 : i32
        %mul3A_39 = arith.muli %scan3A_37, %mul3A_38 : i32
        %add3A_40 = arith.constant 0 : i32
        %add3A_41 = arith.addi %add3A_40, %mul3A_39 : i32
        %broadcast_in_dim3A = arith.constant 0.000000e+00 : f32
        %broadcast_in_dim3A_42 = vector.broadcast %broadcast_in_dim3A : f32 to vector<16xf32>
        %swap3A = arith.index_cast %add3A_31 : i32 to index
        %swap3A_43 = arith.index_cast %add3A_41 : i32 to index
        %swap3A_44 = tpu.vector_load %arg7[%swap3A, %swap3A_43] {strides = array<i32>} : memref<128x128xf32, #tpu.memory_space<vmem>>, vector<1x16xf32>,
        %swap3A_45 = vector.shape_cast %swap3A_44 : vector<1x16xf32> to vector<16xf32>
        %swap3A_46 = vector.shape_cast %broadcast_in_dim3A_42 : vector<16xf32> to vector<1x16xf32>
        tpu.vector_store %arg7[%swap3A, %swap3A_43], %swap3A_46 {strides = array<i32>} : memref<128x128xf32, #tpu.memory_space<vmem>>, vector<1x16xf32>,
      }
      %scan3A_36 = arith.constant 8 : i32
    }
    %scan3A_4 = arith.constant 128 : i32
    %scan3A_5 = arith.constant 0 : i32
    %scan3A_6 = arith.constant 5 : i32
    %scan3A_7 = arith.addi %scan3A_5, %scan3A_6 : i32
    %scan3A_8 = arith.constant 1 : i32
    scf.for %scan3A_28 = %scan3A_5 to %scan3A_7 step %scan3A_8  : i32 {
      %mul3A_29 = arith.constant 1 : i32
      %mul3A_30 = arith.muli %scan3A_28, %mul3A_29 : i32
      %add3A = arith.constant 0 : i32
      %add3A_31 = arith.addi %add3A, %mul3A_30 : i32
      %mul3A_32 = arith.constant 640 : i32
      %mul3A_33 = arith.muli %arg1, %mul3A_32 : i32
      %mul3A_34 = arith.constant 128 : i32
      %mul3A_35 = arith.muli %add3A_31, %mul3A_34 : i32
      %add3A_36 = arith.addi %mul3A_33, %mul3A_35 : i32
      "tpu.region"() ({
        %run_scoped3A = tpu.sem_alloc : memref<!tpu.dma_semaphore, #tpu.memory_space<semaphore_mem>>
        %dma_start3A = arith.constant 0 : i32
        %dma_start3A_37 = tpu.memref_slice %arg9[%add3A_36, %dma_start3A] : memref<10240x128xf32, #tpu.memory_space<vmem_shared>> -> memref<128x128xf32, #tpu.memory_space<vmem_shared>>
        %dma_start3A_38 = arith.constant 0 : i32
        %dma_start3A_39 = tpu.memref_slice %arg9[%add3A_36, %dma_start3A_38] : memref<10240x128xf32, #tpu.memory_space<vmem_shared>> -> memref<128x128xf32, #tpu.memory_space<vmem_shared>>
        tpu.enqueue_dma source(%arg7 : memref<128x128xf32, #tpu.memory_space<vmem>>) target(%dma_start3A_39 : memref<128x128xf32, #tpu.memory_space<vmem_shared>>) target_semaphore(%run_scoped3A : memref<!tpu.dma_semaphore, #tpu.memory_space<semaphore_mem>>)
        %dma_wait3A = arith.constant 0 : i32
        %dma_wait3A_40 = tpu.memref_slice %arg9[%add3A_36, %dma_wait3A] : memref<10240x128xf32, #tpu.memory_space<vmem_shared>> -> memref<128x128xf32, #tpu.memory_space<vmem_shared>>
        %dma_wait3A_41 = arith.constant 0 : i32
        %dma_wait3A_42 = tpu.memref_slice %arg9[%add3A_36, %dma_wait3A_41] : memref<10240x128xf32, #tpu.memory_space<vmem_shared>> -> memref<128x128xf32, #tpu.memory_space<vmem_shared>>
        tpu.wait_dma2 semaphore(%run_scoped3A : memref<!tpu.dma_semaphore, #tpu.memory_space<semaphore_mem>>) src(%arg7 : memref<128x128xf32, #tpu.memory_space<vmem>>) dst(%dma_wait3A_42 : memref<128x128xf32, #tpu.memory_space<vmem_shared>>)
        tpu.yield
      }) : () -> ()
    }
    %scan3A_9 = arith.constant 5 : i32
    %barrier3A = arith.constant 0 : index
    tpu.barrier barrier_id(%barrier3A)
    %eq3A = arith.constant 0 : i32
    %eq3A_10 = arith.cmpi eq, %arg0, %eq3A : i32
    %convert_element_type3A = arith.extui %eq3A_10 : i1 to i32
    %cond3A = arith.constant 0 : i32
    %cond3A_11 = arith.cmpi ne, %convert_element_type3A, %cond3A : i32
    scf.if %cond3A_11 {
      "tpu.region"() ({
        %run_scoped3A = tpu.sem_alloc : memref<!tpu.dma_semaphore, #tpu.memory_space<semaphore_mem>>
        %dma_start3A_97 = arith.constant 0 : i32
        %dma_start3A_98 = arith.constant 0 : i32
        %dma_start3A_99 = tpu.memref_slice %arg3[%mul3A_0, %dma_start3A_97, %dma_start3A_98] : memref<672x4x128xi32, #tpu.memory_space<hbm>> -> memref<1x4x128xi32, #tpu.memory_space<hbm>>
        %dma_start3A_100 = tpu.memref_squeeze %dma_start3A_99 : memref<1x4x128xi32, #tpu.memory_space<hbm>> -> memref<4x128xi32, #tpu.memory_space<hbm>>
        %dma_start3A_101 = arith.constant 0 : i32
        %dma_start3A_102 = arith.constant 0 : i32
        %dma_start3A_103 = tpu.memref_slice %arg3[%mul3A_0, %dma_start3A_101, %dma_start3A_102] : memref<672x4x128xi32, #tpu.memory_space<hbm>> -> memref<1x4x128xi32, #tpu.memory_space<hbm>>
        %dma_start3A_104 = tpu.memref_squeeze %dma_start3A_103 : memref<1x4x128xi32, #tpu.memory_space<hbm>> -> memref<4x128xi32, #tpu.memory_space<hbm>>
        tpu.enqueue_dma source(%dma_start3A_104 : memref<4x128xi32, #tpu.memory_space<hbm>>) target(%arg5 : memref<4x128xi32, #tpu.memory_space<vmem>>) target_semaphore(%run_scoped3A : memref<!tpu.dma_semaphore, #tpu.memory_space<semaphore_mem>>)
        %dma_wait3A_105 = arith.constant 0 : i32
        %dma_wait3A_106 = arith.constant 0 : i32
        %dma_wait3A_107 = tpu.memref_slice %arg3[%mul3A_0, %dma_wait3A_105, %dma_wait3A_106] : memref<672x4x128xi32, #tpu.memory_space<hbm>> -> memref<1x4x128xi32, #tpu.memory_space<hbm>>
        %dma_wait3A_108 = tpu.memref_squeeze %dma_wait3A_107 : memref<1x4x128xi32, #tpu.memory_space<hbm>> -> memref<4x128xi32, #tpu.memory_space<hbm>>
        %dma_wait3A_109 = arith.constant 0 : i32
        %dma_wait3A_110 = arith.constant 0 : i32
        %dma_wait3A_111 = tpu.memref_slice %arg3[%mul3A_0, %dma_wait3A_109, %dma_wait3A_110] : memref<672x4x128xi32, #tpu.memory_space<hbm>> -> memref<1x4x128xi32, #tpu.memory_space<hbm>>
        %dma_wait3A_112 = tpu.memref_squeeze %dma_wait3A_111 : memref<1x4x128xi32, #tpu.memory_space<hbm>> -> memref<4x128xi32, #tpu.memory_space<hbm>>
        tpu.wait_dma2 semaphore(%run_scoped3A : memref<!tpu.dma_semaphore, #tpu.memory_space<semaphore_mem>>) src(%dma_wait3A_112 : memref<4x128xi32, #tpu.memory_space<hbm>>) dst(%arg5 : memref<4x128xi32, #tpu.memory_space<vmem>>)
        tpu.yield
      }) : () -> ()
      %add3A = arith.constant 1 : i32
      %add3A_28 = arith.addi %mul3A_0, %add3A : i32
      %dma_start3A = arith.constant 0 : i32
      %dma_start3A_29 = arith.constant 0 : i32
      %dma_start3A_30 = tpu.memref_slice %arg3[%add3A_28, %dma_start3A, %dma_start3A_29] : memref<672x4x128xi32, #tpu.memory_space<hbm>> -> memref<1x4x128xi32, #tpu.memory_space<hbm>>
      %dma_start3A_31 = tpu.memref_squeeze %dma_start3A_30 : memref<1x4x128xi32, #tpu.memory_space<hbm>> -> memref<4x128xi32, #tpu.memory_space<hbm>>
      %dma_start3A_32 = arith.constant 0 : i32
      %dma_start3A_33 = arith.constant 0 : i32
      %dma_start3A_34 = tpu.memref_slice %arg3[%add3A_28, %dma_start3A_32, %dma_start3A_33] : memref<672x4x128xi32, #tpu.memory_space<hbm>> -> memref<1x4x128xi32, #tpu.memory_space<hbm>>
      %dma_start3A_35 = tpu.memref_squeeze %dma_start3A_34 : memref<1x4x128xi32, #tpu.memory_space<hbm>> -> memref<4x128xi32, #tpu.memory_space<hbm>>
      tpu.enqueue_dma source(%dma_start3A_35 : memref<4x128xi32, #tpu.memory_space<hbm>>) target(%arg6 : memref<4x128xi32, #tpu.memory_space<vmem>>) target_semaphore(%arg13 : memref<!tpu.dma_semaphore, #tpu.memory_space<semaphore_mem>>)
      %dma_start3A_36 = arith.constant 0 : i32
      %dma_start3A_37 = arith.constant 0 : i32
      %dma_start3A_38 = arith.constant 0 : i32
      %dma_start3A_39 = tpu.memref_slice %arg5[%dma_start3A_37, %dma_start3A_38] : memref<4x128xi32, #tpu.memory_space<vmem>> -> memref<1x128xi32, #tpu.memory_space<vmem>>
      %dma_start3A_40 = tpu.memref_squeeze %dma_start3A_39 : memref<1x128xi32, #tpu.memory_space<vmem>> -> memref<128xi32, #tpu.memory_space<vmem>>
      %dma_start3A_41 = arith.constant 0 : i32
      %dma_start3A_42 = arith.constant 0 : i32
      %dma_start3A_43 = tpu.memref_slice %arg2[%dma_start3A_36, %dma_start3A_41, %dma_start3A_42] : memref<2x10000x128xf32, #tpu.memory_space<hbm>> -> memref<1x10000x128xf32, #tpu.memory_space<hbm>>
      %dma_start3A_44 = tpu.memref_squeeze %dma_start3A_43 : memref<1x10000x128xf32, #tpu.memory_space<hbm>> -> memref<10000x128xf32, #tpu.memory_space<hbm>>
      %dma_start3A_45 = arith.constant 0 : i32
      %dma_start3A_46 = arith.constant 0 : i32
      %dma_start3A_47 = tpu.memref_slice %dma_start3A_44[%dma_start3A_45, %dma_start3A_46] : memref<10000x128xf32, #tpu.memory_space<hbm>> -> memref<10000x128xf32, #tpu.memory_space<hbm>>
      tpu.enqueue_indirect_dma source(%dma_start3A_47 : memref<10000x128xf32, #tpu.memory_space<hbm>>) target(%arg7 : memref<128x128xf32, #tpu.memory_space<vmem>>) offsets(%dma_start3A_40 : memref<128xi32, #tpu.memory_space<vmem>>) semaphore(%arg10 : memref<!tpu.dma_semaphore, #tpu.memory_space<semaphore_mem>>)
      %dma_start3A_48 = arith.constant 0 : i32
      %dma_start3A_49 = arith.constant 1 : i32
      %dma_start3A_50 = arith.constant 0 : i32
      %dma_start3A_51 = tpu.memref_slice %arg5[%dma_start3A_49, %dma_start3A_50] : memref<4x128xi32, #tpu.memory_space<vmem>> -> memref<1x128xi32, #tpu.memory_space<vmem>>
      %dma_start3A_52 = tpu.memref_squeeze %dma_start3A_51 : memref<1x128xi32, #tpu.memory_space<vmem>> -> memref<128xi32, #tpu.memory_space<vmem>>
      %dma_start3A_53 = arith.constant 0 : i32
      %dma_start3A_54 = arith.constant 0 : i32
      %dma_start3A_55 = tpu.memref_slice %arg2[%dma_start3A_48, %dma_start3A_53, %dma_start3A_54] : memref<2x10000x128xf32, #tpu.memory_space<hbm>> -> memref<1x10000x128xf32, #tpu.memory_space<hbm>>
      %dma_start3A_56 = tpu.memref_squeeze %dma_start3A_55 : memref<1x10000x128xf32, #tpu.memory_space<hbm>> -> memref<10000x128xf32, #tpu.memory_space<hbm>>
      %dma_start3A_57 = arith.constant 0 : i32
      %dma_start3A_58 = arith.constant 0 : i32
      %dma_start3A_59 = tpu.memref_slice %dma_start3A_56[%dma_start3A_57, %dma_start3A_58] : memref<10000x128xf32, #tpu.memory_space<hbm>> -> memref<10000x128xf32, #tpu.memory_space<hbm>>
      tpu.enqueue_indirect_dma source(%dma_start3A_59 : memref<10000x128xf32, #tpu.memory_space<hbm>>) target(%arg8 : memref<128x128xf32, #tpu.memory_space<vmem>>) offsets(%dma_start3A_52 : memref<128xi32, #tpu.memory_space<vmem>>) semaphore(%arg11 : memref<!tpu.dma_semaphore, #tpu.memory_space<semaphore_mem>>)
      %scan3A_60 = arith.constant 0 : i32
      %scan3A_61 = arith.constant 0 : i32
      %scan3A_62 = arith.constant 20 : i32
      %scan3A_63 = arith.addi %scan3A_61, %scan3A_62 : i32
      %scan3A_64 = arith.constant 1 : i32
      scf.for %scan3A_97 = %scan3A_61 to %scan3A_63 step %scan3A_64  : i32 {
        %mul3A_98 = arith.constant 2 : i32
        %mul3A_99 = arith.muli %scan3A_97, %mul3A_98 : i32
        %add3A_100 = arith.constant 0 : i32
        %add3A_101 = arith.addi %add3A_100, %mul3A_99 : i32
        %dma_wait3A_102 = arith.constant 0 : i32
        %dma_wait3A_103 = arith.constant 0 : i32
        %dma_wait3A_104 = tpu.memref_slice %arg5[%dma_wait3A_102, %dma_wait3A_103] : memref<4x128xi32, #tpu.memory_space<vmem>> -> memref<1x128xi32, #tpu.memory_space<vmem>>
        %dma_wait3A_105 = tpu.memref_squeeze %dma_wait3A_104 : memref<1x128xi32, #tpu.memory_space<vmem>> -> memref<128xi32, #tpu.memory_space<vmem>>
        %dma_wait3A_106 = arith.constant 0 : i32
        %dma_wait3A_107 = arith.constant 0 : i32
        %dma_wait3A_108 = tpu.memref_slice %arg2[%scan3A_60, %dma_wait3A_106, %dma_wait3A_107] : memref<2x10000x128xf32, #tpu.memory_space<hbm>> -> memref<1x10000x128xf32, #tpu.memory_space<hbm>>
        %dma_wait3A_109 = tpu.memref_squeeze %dma_wait3A_108 : memref<1x10000x128xf32, #tpu.memory_space<hbm>> -> memref<10000x128xf32, #tpu.memory_space<hbm>>
        %dma_wait3A_110 = arith.constant 0 : i32
        %dma_wait3A_111 = arith.constant 0 : i32
        %dma_wait3A_112 = tpu.memref_slice %dma_wait3A_109[%dma_wait3A_110, %dma_wait3A_111] : memref<10000x128xf32, #tpu.memory_space<hbm>> -> memref<10000x128xf32, #tpu.memory_space<hbm>>
        tpu.wait_indirect_dma semaphore(%arg10 : memref<!tpu.dma_semaphore, #tpu.memory_space<semaphore_mem>>) src(%dma_wait3A_112 : memref<10000x128xf32, #tpu.memory_space<hbm>>) dst(%arg7 : memref<128x128xf32, #tpu.memory_space<vmem>>)
        %dma_start3A_113 = arith.constant 2 : i32
        %dma_start3A_114 = arith.constant 0 : i32
        %dma_start3A_115 = tpu.memref_slice %arg5[%dma_start3A_113, %dma_start3A_114] : memref<4x128xi32, #tpu.memory_space<vmem>> -> memref<1x128xi32, #tpu.memory_space<vmem>>
        %dma_start3A_116 = tpu.memref_squeeze %dma_start3A_115 : memref<1x128xi32, #tpu.memory_space<vmem>> -> memref<128xi32, #tpu.memory_space<vmem>>
        %dma_start3A_117 = arith.constant 0 : i32
        %dma_start3A_118 = arith.constant 0 : i32
        %dma_start3A_119 = tpu.memref_slice %arg9[%dma_start3A_117, %dma_start3A_118] : memref<10240x128xf32, #tpu.memory_space<vmem_shared>> -> memref<10240x128xf32, #tpu.memory_space<vmem_shared>>
        tpu.enqueue_indirect_dma source(%arg7 : memref<128x128xf32, #tpu.memory_space<vmem>>) target(%dma_start3A_119 : memref<10240x128xf32, #tpu.memory_space<vmem_shared>>) offsets(%dma_start3A_116 : memref<128xi32, #tpu.memory_space<vmem>>) semaphore(%arg14 : memref<!tpu.dma_semaphore, #tpu.memory_space<semaphore_mem>>) {add = true}
        %dma_wait3A_120 = arith.constant 1 : i32
        %dma_wait3A_121 = arith.constant 0 : i32
        %dma_wait3A_122 = tpu.memref_slice %arg5[%dma_wait3A_120, %dma_wait3A_121] : memref<4x128xi32, #tpu.memory_space<vmem>> -> memref<1x128xi32, #tpu.memory_space<vmem>>
        %dma_wait3A_123 = tpu.memref_squeeze %dma_wait3A_122 : memref<1x128xi32, #tpu.memory_space<vmem>> -> memref<128xi32, #tpu.memory_space<vmem>>
        %dma_wait3A_124 = arith.constant 0 : i32
        %dma_wait3A_125 = arith.constant 0 : i32
        %dma_wait3A_126 = tpu.memref_slice %arg2[%scan3A_60, %dma_wait3A_124, %dma_wait3A_125] : memref<2x10000x128xf32, #tpu.memory_space<hbm>> -> memref<1x10000x128xf32, #tpu.memory_space<hbm>>
        %dma_wait3A_127 = tpu.memref_squeeze %dma_wait3A_126 : memref<1x10000x128xf32, #tpu.memory_space<hbm>> -> memref<10000x128xf32, #tpu.memory_space<hbm>>
        %dma_wait3A_128 = arith.constant 0 : i32
        %dma_wait3A_129 = arith.constant 0 : i32
        %dma_wait3A_130 = tpu.memref_slice %dma_wait3A_127[%dma_wait3A_128, %dma_wait3A_129] : memref<10000x128xf32, #tpu.memory_space<hbm>> -> memref<10000x128xf32, #tpu.memory_space<hbm>>
        tpu.wait_indirect_dma semaphore(%arg11 : memref<!tpu.dma_semaphore, #tpu.memory_space<semaphore_mem>>) src(%dma_wait3A_130 : memref<10000x128xf32, #tpu.memory_space<hbm>>) dst(%arg8 : memref<128x128xf32, #tpu.memory_space<vmem>>)
        %dma_start3A_131 = arith.constant 3 : i32
        %dma_start3A_132 = arith.constant 0 : i32
        %dma_start3A_133 = tpu.memref_slice %arg5[%dma_start3A_131, %dma_start3A_132] : memref<4x128xi32, #tpu.memory_space<vmem>> -> memref<1x128xi32, #tpu.memory_space<vmem>>
        %dma_start3A_134 = tpu.memref_squeeze %dma_start3A_133 : memref<1x128xi32, #tpu.memory_space<vmem>> -> memref<128xi32, #tpu.memory_space<vmem>>
        %dma_start3A_135 = arith.constant 0 : i32
        %dma_start3A_136 = arith.constant 0 : i32
        %dma_start3A_137 = tpu.memref_slice %arg9[%dma_start3A_135, %dma_start3A_136] : memref<10240x128xf32, #tpu.memory_space<vmem_shared>> -> memref<10240x128xf32, #tpu.memory_space<vmem_shared>>
        tpu.enqueue_indirect_dma source(%arg8 : memref<128x128xf32, #tpu.memory_space<vmem>>) target(%dma_start3A_137 : memref<10240x128xf32, #tpu.memory_space<vmem_shared>>) offsets(%dma_start3A_134 : memref<128xi32, #tpu.memory_space<vmem>>) semaphore(%arg15 : memref<!tpu.dma_semaphore, #tpu.memory_space<semaphore_mem>>) {add = true}
        %dma_wait3A_138 = arith.constant 0 : i32
        %dma_wait3A_139 = arith.constant 0 : i32
        %dma_wait3A_140 = tpu.memref_slice %arg3[%mul3A_0, %dma_wait3A_138, %dma_wait3A_139] : memref<672x4x128xi32, #tpu.memory_space<hbm>> -> memref<1x4x128xi32, #tpu.memory_space<hbm>>
        %dma_wait3A_141 = tpu.memref_squeeze %dma_wait3A_140 : memref<1x4x128xi32, #tpu.memory_space<hbm>> -> memref<4x128xi32, #tpu.memory_space<hbm>>
        %dma_wait3A_142 = arith.constant 0 : i32
        %dma_wait3A_143 = arith.constant 0 : i32
        %dma_wait3A_144 = tpu.memref_slice %arg3[%mul3A_0, %dma_wait3A_142, %dma_wait3A_143] : memref<672x4x128xi32, #tpu.memory_space<hbm>> -> memref<1x4x128xi32, #tpu.memory_space<hbm>>
        %dma_wait3A_145 = tpu.memref_squeeze %dma_wait3A_144 : memref<1x4x128xi32, #tpu.memory_space<hbm>> -> memref<4x128xi32, #tpu.memory_space<hbm>>
        tpu.wait_dma2 semaphore(%arg13 : memref<!tpu.dma_semaphore, #tpu.memory_space<semaphore_mem>>) src(%dma_wait3A_145 : memref<4x128xi32, #tpu.memory_space<hbm>>) dst(%arg6 : memref<4x128xi32, #tpu.memory_space<vmem>>)
        %dma_wait3A_146 = arith.constant 2 : i32
        %dma_wait3A_147 = arith.constant 0 : i32
        %dma_wait3A_148 = tpu.memref_slice %arg5[%dma_wait3A_146, %dma_wait3A_147] : memref<4x128xi32, #tpu.memory_space<vmem>> -> memref<1x128xi32, #tpu.memory_space<vmem>>
        %dma_wait3A_149 = tpu.memref_squeeze %dma_wait3A_148 : memref<1x128xi32, #tpu.memory_space<vmem>> -> memref<128xi32, #tpu.memory_space<vmem>>
        %dma_wait3A_150 = arith.constant 0 : i32
        %dma_wait3A_151 = arith.constant 0 : i32
        %dma_wait3A_152 = tpu.memref_slice %arg9[%dma_wait3A_150, %dma_wait3A_151] : memref<10240x128xf32, #tpu.memory_space<vmem_shared>> -> memref<10240x128xf32, #tpu.memory_space<vmem_shared>>
        tpu.wait_indirect_dma semaphore(%arg14 : memref<!tpu.dma_semaphore, #tpu.memory_space<semaphore_mem>>) src(%arg7 : memref<128x128xf32, #tpu.memory_space<vmem>>) dst(%dma_wait3A_152 : memref<10240x128xf32, #tpu.memory_space<vmem_shared>>)
        %dma_start3A_153 = arith.constant 0 : i32
        %dma_start3A_154 = arith.constant 0 : i32
        %dma_start3A_155 = tpu.memref_slice %arg6[%dma_start3A_153, %dma_start3A_154] : memref<4x128xi32, #tpu.memory_space<vmem>> -> memref<1x128xi32, #tpu.memory_space<vmem>>
        %dma_start3A_156 = tpu.memref_squeeze %dma_start3A_155 : memref<1x128xi32, #tpu.memory_space<vmem>> -> memref<128xi32, #tpu.memory_space<vmem>>
        %dma_start3A_157 = arith.constant 0 : i32
        %dma_start3A_158 = arith.constant 0 : i32
        %dma_start3A_159 = tpu.memref_slice %arg2[%scan3A_60, %dma_start3A_157, %dma_start3A_158] : memref<2x10000x128xf32, #tpu.memory_space<hbm>> -> memref<1x10000x128xf32, #tpu.memory_space<hbm>>
        %dma_start3A_160 = tpu.memref_squeeze %dma_start3A_159 : memref<1x10000x128xf32, #tpu.memory_space<hbm>> -> memref<10000x128xf32, #tpu.memory_space<hbm>>
        %dma_start3A_161 = arith.constant 0 : i32
        %dma_start3A_162 = arith.constant 0 : i32
        %dma_start3A_163 = tpu.memref_slice %dma_start3A_160[%dma_start3A_161, %dma_start3A_162] : memref<10000x128xf32, #tpu.memory_space<hbm>> -> memref<10000x128xf32, #tpu.memory_space<hbm>>
        tpu.enqueue_indirect_dma source(%dma_start3A_163 : memref<10000x128xf32, #tpu.memory_space<hbm>>) target(%arg7 : memref<128x128xf32, #tpu.memory_space<vmem>>) offsets(%dma_start3A_156 : memref<128xi32, #tpu.memory_space<vmem>>) semaphore(%arg10 : memref<!tpu.dma_semaphore, #tpu.memory_space<semaphore_mem>>)
        %dma_wait3A_164 = arith.constant 3 : i32
        %dma_wait3A_165 = arith.constant 0 : i32
        %dma_wait3A_166 = tpu.memref_slice %arg5[%dma_wait3A_164, %dma_wait3A_165] : memref<4x128xi32, #tpu.memory_space<vmem>> -> memref<1x128xi32, #tpu.memory_space<vmem>>
        %dma_wait3A_167 = tpu.memref_squeeze %dma_wait3A_166 : memref<1x128xi32, #tpu.memory_space<vmem>> -> memref<128xi32, #tpu.memory_space<vmem>>
        %dma_wait3A_168 = arith.constant 0 : i32
        %dma_wait3A_169 = arith.constant 0 : i32
        %dma_wait3A_170 = tpu.memref_slice %arg9[%dma_wait3A_168, %dma_wait3A_169] : memref<10240x128xf32, #tpu.memory_space<vmem_shared>> -> memref<10240x128xf32, #tpu.memory_space<vmem_shared>>
        tpu.wait_indirect_dma semaphore(%arg15 : memref<!tpu.dma_semaphore, #tpu.memory_space<semaphore_mem>>) src(%arg8 : memref<128x128xf32, #tpu.memory_space<vmem>>) dst(%dma_wait3A_170 : memref<10240x128xf32, #tpu.memory_space<vmem_shared>>)
        %dma_start3A_171 = arith.constant 1 : i32
        %dma_start3A_172 = arith.constant 0 : i32
        %dma_start3A_173 = tpu.memref_slice %arg6[%dma_start3A_171, %dma_start3A_172] : memref<4x128xi32, #tpu.memory_space<vmem>> -> memref<1x128xi32, #tpu.memory_space<vmem>>
        %dma_start3A_174 = tpu.memref_squeeze %dma_start3A_173 : memref<1x128xi32, #tpu.memory_space<vmem>> -> memref<128xi32, #tpu.memory_space<vmem>>
        %dma_start3A_175 = arith.constant 0 : i32
        %dma_start3A_176 = arith.constant 0 : i32
        %dma_start3A_177 = tpu.memref_slice %arg2[%scan3A_60, %dma_start3A_175, %dma_start3A_176] : memref<2x10000x128xf32, #tpu.memory_space<hbm>> -> memref<1x10000x128xf32, #tpu.memory_space<hbm>>
        %dma_start3A_178 = tpu.memref_squeeze %dma_start3A_177 : memref<1x10000x128xf32, #tpu.memory_space<hbm>> -> memref<10000x128xf32, #tpu.memory_space<hbm>>
        %dma_start3A_179 = arith.constant 0 : i32
        %dma_start3A_180 = arith.constant 0 : i32
        %dma_start3A_181 = tpu.memref_slice %dma_start3A_178[%dma_start3A_179, %dma_start3A_180] : memref<10000x128xf32, #tpu.memory_space<hbm>> -> memref<10000x128xf32, #tpu.memory_space<hbm>>
        tpu.enqueue_indirect_dma source(%dma_start3A_181 : memref<10000x128xf32, #tpu.memory_space<hbm>>) target(%arg8 : memref<128x128xf32, #tpu.memory_space<vmem>>) offsets(%dma_start3A_174 : memref<128xi32, #tpu.memory_space<vmem>>) semaphore(%arg11 : memref<!tpu.dma_semaphore, #tpu.memory_space<semaphore_mem>>)
        %add3A_182 = arith.addi %mul3A_0, %add3A_101 : i32
        %add3A_183 = arith.constant 2 : i32
        %add3A_184 = arith.addi %add3A_182, %add3A_183 : i32
        %dma_start3A_185 = arith.constant 0 : i32
        %dma_start3A_186 = arith.constant 0 : i32
        %dma_start3A_187 = tpu.memref_slice %arg3[%add3A_184, %dma_start3A_185, %dma_start3A_186] : memref<672x4x128xi32, #tpu.memory_space<hbm>> -> memref<1x4x128xi32, #tpu.memory_space<hbm>>
        %dma_start3A_188 = tpu.memref_squeeze %dma_start3A_187 : memref<1x4x128xi32, #tpu.memory_space<hbm>> -> memref<4x128xi32, #tpu.memory_space<hbm>>
        %dma_start3A_189 = arith.constant 0 : i32
        %dma_start3A_190 = arith.constant 0 : i32
        %dma_start3A_191 = tpu.memref_slice %arg3[%add3A_184, %dma_start3A_189, %dma_start3A_190] : memref<672x4x128xi32, #tpu.memory_space<hbm>> -> memref<1x4x128xi32, #tpu.memory_space<hbm>>
        %dma_start3A_192 = tpu.memref_squeeze %dma_start3A_191 : memref<1x4x128xi32, #tpu.memory_space<hbm>> -> memref<4x128xi32, #tpu.memory_space<hbm>>
        tpu.enqueue_dma source(%dma_start3A_192 : memref<4x128xi32, #tpu.memory_space<hbm>>) target(%arg5 : memref<4x128xi32, #tpu.memory_space<vmem>>) target_semaphore(%arg12 : memref<!tpu.dma_semaphore, #tpu.memory_space<semaphore_mem>>)
        %dma_wait3A_193 = arith.constant 0 : i32
        %dma_wait3A_194 = arith.constant 0 : i32
        %dma_wait3A_195 = tpu.memref_slice %arg6[%dma_wait3A_193, %dma_wait3A_194] : memref<4x128xi32, #tpu.memory_space<vmem>> -> memref<1x128xi32, #tpu.memory_space<vmem>>
        %dma_wait3A_196 = tpu.memref_squeeze %dma_wait3A_195 : memref<1x128xi32, #tpu.memory_space<vmem>> -> memref<128xi32, #tpu.memory_space<vmem>>
        %dma_wait3A_197 = arith.constant 0 : i32
        %dma_wait3A_198 = arith.constant 0 : i32
        %dma_wait3A_199 = tpu.memref_slice %arg2[%scan3A_60, %dma_wait3A_197, %dma_wait3A_198] : memref<2x10000x128xf32, #tpu.memory_space<hbm>> -> memref<1x10000x128xf32, #tpu.memory_space<hbm>>
        %dma_wait3A_200 = tpu.memref_squeeze %dma_wait3A_199 : memref<1x10000x128xf32, #tpu.memory_space<hbm>> -> memref<10000x128xf32, #tpu.memory_space<hbm>>
        %dma_wait3A_201 = arith.constant 0 : i32
        %dma_wait3A_202 = arith.constant 0 : i32
        %dma_wait3A_203 = tpu.memref_slice %dma_wait3A_200[%dma_wait3A_201, %dma_wait3A_202] : memref<10000x128xf32, #tpu.memory_space<hbm>> -> memref<10000x128xf32, #tpu.memory_space<hbm>>
        tpu.wait_indirect_dma semaphore(%arg10 : memref<!tpu.dma_semaphore, #tpu.memory_space<semaphore_mem>>) src(%dma_wait3A_203 : memref<10000x128xf32, #tpu.memory_space<hbm>>) dst(%arg7 : memref<128x128xf32, #tpu.memory_space<vmem>>)
        %dma_start3A_204 = arith.constant 2 : i32
        %dma_start3A_205 = arith.constant 0 : i32
        %dma_start3A_206 = tpu.memref_slice %arg6[%dma_start3A_204, %dma_start3A_205] : memref<4x128xi32, #tpu.memory_space<vmem>> -> memref<1x128xi32, #tpu.memory_space<vmem>>
        %dma_start3A_207 = tpu.memref_squeeze %dma_start3A_206 : memref<1x128xi32, #tpu.memory_space<vmem>> -> memref<128xi32, #tpu.memory_space<vmem>>
        %dma_start3A_208 = arith.constant 0 : i32
        %dma_start3A_209 = arith.constant 0 : i32
        %dma_start3A_210 = tpu.memref_slice %arg9[%dma_start3A_208, %dma_start3A_209] : memref<10240x128xf32, #tpu.memory_space<vmem_shared>> -> memref<10240x128xf32, #tpu.memory_space<vmem_shared>>
        tpu.enqueue_indirect_dma source(%arg7 : memref<128x128xf32, #tpu.memory_space<vmem>>) target(%dma_start3A_210 : memref<10240x128xf32, #tpu.memory_space<vmem_shared>>) offsets(%dma_start3A_207 : memref<128xi32, #tpu.memory_space<vmem>>) semaphore(%arg14 : memref<!tpu.dma_semaphore, #tpu.memory_space<semaphore_mem>>) {add = true}
        %dma_wait3A_211 = arith.constant 1 : i32
        %dma_wait3A_212 = arith.constant 0 : i32
        %dma_wait3A_213 = tpu.memref_slice %arg6[%dma_wait3A_211, %dma_wait3A_212] : memref<4x128xi32, #tpu.memory_space<vmem>> -> memref<1x128xi32, #tpu.memory_space<vmem>>
        %dma_wait3A_214 = tpu.memref_squeeze %dma_wait3A_213 : memref<1x128xi32, #tpu.memory_space<vmem>> -> memref<128xi32, #tpu.memory_space<vmem>>
        %dma_wait3A_215 = arith.constant 0 : i32
        %dma_wait3A_216 = arith.constant 0 : i32
        %dma_wait3A_217 = tpu.memref_slice %arg2[%scan3A_60, %dma_wait3A_215, %dma_wait3A_216] : memref<2x10000x128xf32, #tpu.memory_space<hbm>> -> memref<1x10000x128xf32, #tpu.memory_space<hbm>>
        %dma_wait3A_218 = tpu.memref_squeeze %dma_wait3A_217 : memref<1x10000x128xf32, #tpu.memory_space<hbm>> -> memref<10000x128xf32, #tpu.memory_space<hbm>>
        %dma_wait3A_219 = arith.constant 0 : i32
        %dma_wait3A_220 = arith.constant 0 : i32
        %dma_wait3A_221 = tpu.memref_slice %dma_wait3A_218[%dma_wait3A_219, %dma_wait3A_220] : memref<10000x128xf32, #tpu.memory_space<hbm>> -> memref<10000x128xf32, #tpu.memory_space<hbm>>
        tpu.wait_indirect_dma semaphore(%arg11 : memref<!tpu.dma_semaphore, #tpu.memory_space<semaphore_mem>>) src(%dma_wait3A_221 : memref<10000x128xf32, #tpu.memory_space<hbm>>) dst(%arg8 : memref<128x128xf32, #tpu.memory_space<vmem>>)
        %dma_start3A_222 = arith.constant 3 : i32
        %dma_start3A_223 = arith.constant 0 : i32
        %dma_start3A_224 = tpu.memref_slice %arg6[%dma_start3A_222, %dma_start3A_223] : memref<4x128xi32, #tpu.memory_space<vmem>> -> memref<1x128xi32, #tpu.memory_space<vmem>>
        %dma_start3A_225 = tpu.memref_squeeze %dma_start3A_224 : memref<1x128xi32, #tpu.memory_space<vmem>> -> memref<128xi32, #tpu.memory_space<vmem>>
        %dma_start3A_226 = arith.constant 0 : i32
        %dma_start3A_227 = arith.constant 0 : i32
        %dma_start3A_228 = tpu.memref_slice %arg9[%dma_start3A_226, %dma_start3A_227] : memref<10240x128xf32, #tpu.memory_space<vmem_shared>> -> memref<10240x128xf32, #tpu.memory_space<vmem_shared>>
        tpu.enqueue_indirect_dma source(%arg8 : memref<128x128xf32, #tpu.memory_space<vmem>>) target(%dma_start3A_228 : memref<10240x128xf32, #tpu.memory_space<vmem_shared>>) offsets(%dma_start3A_225 : memref<128xi32, #tpu.memory_space<vmem>>) semaphore(%arg15 : memref<!tpu.dma_semaphore, #tpu.memory_space<semaphore_mem>>) {add = true}
        %dma_wait3A_229 = arith.constant 0 : i32
        %dma_wait3A_230 = arith.constant 0 : i32
        %dma_wait3A_231 = tpu.memref_slice %arg3[%mul3A_0, %dma_wait3A_229, %dma_wait3A_230] : memref<672x4x128xi32, #tpu.memory_space<hbm>> -> memref<1x4x128xi32, #tpu.memory_space<hbm>>
        %dma_wait3A_232 = tpu.memref_squeeze %dma_wait3A_231 : memref<1x4x128xi32, #tpu.memory_space<hbm>> -> memref<4x128xi32, #tpu.memory_space<hbm>>
        %dma_wait3A_233 = arith.constant 0 : i32
        %dma_wait3A_234 = arith.constant 0 : i32
        %dma_wait3A_235 = tpu.memref_slice %arg3[%mul3A_0, %dma_wait3A_233, %dma_wait3A_234] : memref<672x4x128xi32, #tpu.memory_space<hbm>> -> memref<1x4x128xi32, #tpu.memory_space<hbm>>
        %dma_wait3A_236 = tpu.memref_squeeze %dma_wait3A_235 : memref<1x4x128xi32, #tpu.memory_space<hbm>> -> memref<4x128xi32, #tpu.memory_space<hbm>>
        tpu.wait_dma2 semaphore(%arg12 : memref<!tpu.dma_semaphore, #tpu.memory_space<semaphore_mem>>) src(%dma_wait3A_236 : memref<4x128xi32, #tpu.memory_space<hbm>>) dst(%arg5 : memref<4x128xi32, #tpu.memory_space<vmem>>)
        %dma_wait3A_237 = arith.constant 2 : i32
        %dma_wait3A_238 = arith.constant 0 : i32
        %dma_wait3A_239 = tpu.memref_slice %arg6[%dma_wait3A_237, %dma_wait3A_238] : memref<4x128xi32, #tpu.memory_space<vmem>> -> memref<1x128xi32, #tpu.memory_space<vmem>>
        %dma_wait3A_240 = tpu.memref_squeeze %dma_wait3A_239 : memref<1x128xi32, #tpu.memory_space<vmem>> -> memref<128xi32, #tpu.memory_space<vmem>>
        %dma_wait3A_241 = arith.constant 0 : i32
        %dma_wait3A_242 = arith.constant 0 : i32
        %dma_wait3A_243 = tpu.memref_slice %arg9[%dma_wait3A_241, %dma_wait3A_242] : memref<10240x128xf32, #tpu.memory_space<vmem_shared>> -> memref<10240x128xf32, #tpu.memory_space<vmem_shared>>
        tpu.wait_indirect_dma semaphore(%arg14 : memref<!tpu.dma_semaphore, #tpu.memory_space<semaphore_mem>>) src(%arg7 : memref<128x128xf32, #tpu.memory_space<vmem>>) dst(%dma_wait3A_243 : memref<10240x128xf32, #tpu.memory_space<vmem_shared>>)
        %dma_start3A_244 = arith.constant 0 : i32
        %dma_start3A_245 = arith.constant 0 : i32
        %dma_start3A_246 = tpu.memref_slice %arg5[%dma_start3A_244, %dma_start3A_245] : memref<4x128xi32, #tpu.memory_space<vmem>> -> memref<1x128xi32, #tpu.memory_space<vmem>>
        %dma_start3A_247 = tpu.memref_squeeze %dma_start3A_246 : memref<1x128xi32, #tpu.memory_space<vmem>> -> memref<128xi32, #tpu.memory_space<vmem>>
        %dma_start3A_248 = arith.constant 0 : i32
        %dma_start3A_249 = arith.constant 0 : i32
        %dma_start3A_250 = tpu.memref_slice %arg2[%scan3A_60, %dma_start3A_248, %dma_start3A_249] : memref<2x10000x128xf32, #tpu.memory_space<hbm>> -> memref<1x10000x128xf32, #tpu.memory_space<hbm>>
        %dma_start3A_251 = tpu.memref_squeeze %dma_start3A_250 : memref<1x10000x128xf32, #tpu.memory_space<hbm>> -> memref<10000x128xf32, #tpu.memory_space<hbm>>
        %dma_start3A_252 = arith.constant 0 : i32
        %dma_start3A_253 = arith.constant 0 : i32
        %dma_start3A_254 = tpu.memref_slice %dma_start3A_251[%dma_start3A_252, %dma_start3A_253] : memref<10000x128xf32, #tpu.memory_space<hbm>> -> memref<10000x128xf32, #tpu.memory_space<hbm>>
        tpu.enqueue_indirect_dma source(%dma_start3A_254 : memref<10000x128xf32, #tpu.memory_space<hbm>>) target(%arg7 : memref<128x128xf32, #tpu.memory_space<vmem>>) offsets(%dma_start3A_247 : memref<128xi32, #tpu.memory_space<vmem>>) semaphore(%arg10 : memref<!tpu.dma_semaphore, #tpu.memory_space<semaphore_mem>>)
        %dma_wait3A_255 = arith.constant 3 : i32
        %dma_wait3A_256 = arith.constant 0 : i32
        %dma_wait3A_257 = tpu.memref_slice %arg6[%dma_wait3A_255, %dma_wait3A_256] : memref<4x128xi32, #tpu.memory_space<vmem>> -> memref<1x128xi32, #tpu.memory_space<vmem>>
        %dma_wait3A_258 = tpu.memref_squeeze %dma_wait3A_257 : memref<1x128xi32, #tpu.memory_space<vmem>> -> memref<128xi32, #tpu.memory_space<vmem>>
        %dma_wait3A_259 = arith.constant 0 : i32
        %dma_wait3A_260 = arith.constant 0 : i32
        %dma_wait3A_261 = tpu.memref_slice %arg9[%dma_wait3A_259, %dma_wait3A_260] : memref<10240x128xf32, #tpu.memory_space<vmem_shared>> -> memref<10240x128xf32, #tpu.memory_space<vmem_shared>>
        tpu.wait_indirect_dma semaphore(%arg15 : memref<!tpu.dma_semaphore, #tpu.memory_space<semaphore_mem>>) src(%arg8 : memref<128x128xf32, #tpu.memory_space<vmem>>) dst(%dma_wait3A_261 : memref<10240x128xf32, #tpu.memory_space<vmem_shared>>)
        %dma_start3A_262 = arith.constant 1 : i32
        %dma_start3A_263 = arith.constant 0 : i32
        %dma_start3A_264 = tpu.memref_slice %arg5[%dma_start3A_262, %dma_start3A_263] : memref<4x128xi32, #tpu.memory_space<vmem>> -> memref<1x128xi32, #tpu.memory_space<vmem>>
        %dma_start3A_265 = tpu.memref_squeeze %dma_start3A_264 : memref<1x128xi32, #tpu.memory_space<vmem>> -> memref<128xi32, #tpu.memory_space<vmem>>
        %dma_start3A_266 = arith.constant 0 : i32
        %dma_start3A_267 = arith.constant 0 : i32
        %dma_start3A_268 = tpu.memref_slice %arg2[%scan3A_60, %dma_start3A_266, %dma_start3A_267] : memref<2x10000x128xf32, #tpu.memory_space<hbm>> -> memref<1x10000x128xf32, #tpu.memory_space<hbm>>
        %dma_start3A_269 = tpu.memref_squeeze %dma_start3A_268 : memref<1x10000x128xf32, #tpu.memory_space<hbm>> -> memref<10000x128xf32, #tpu.memory_space<hbm>>
        %dma_start3A_270 = arith.constant 0 : i32
        %dma_start3A_271 = arith.constant 0 : i32
        %dma_start3A_272 = tpu.memref_slice %dma_start3A_269[%dma_start3A_270, %dma_start3A_271] : memref<10000x128xf32, #tpu.memory_space<hbm>> -> memref<10000x128xf32, #tpu.memory_space<hbm>>
        tpu.enqueue_indirect_dma source(%dma_start3A_272 : memref<10000x128xf32, #tpu.memory_space<hbm>>) target(%arg8 : memref<128x128xf32, #tpu.memory_space<vmem>>) offsets(%dma_start3A_265 : memref<128xi32, #tpu.memory_space<vmem>>) semaphore(%arg11 : memref<!tpu.dma_semaphore, #tpu.memory_space<semaphore_mem>>)
        %add3A_273 = arith.addi %mul3A_0, %add3A_101 : i32
        %add3A_274 = arith.constant 3 : i32
        %add3A_275 = arith.addi %add3A_273, %add3A_274 : i32
        %dma_start3A_276 = arith.constant 0 : i32
        %dma_start3A_277 = arith.constant 0 : i32
        %dma_start3A_278 = tpu.memref_slice %arg3[%add3A_275, %dma_start3A_276, %dma_start3A_277] : memref<672x4x128xi32, #tpu.memory_space<hbm>> -> memref<1x4x128xi32, #tpu.memory_space<hbm>>
        %dma_start3A_279 = tpu.memref_squeeze %dma_start3A_278 : memref<1x4x128xi32, #tpu.memory_space<hbm>> -> memref<4x128xi32, #tpu.memory_space<hbm>>
        %dma_start3A_280 = arith.constant 0 : i32
        %dma_start3A_281 = arith.constant 0 : i32
        %dma_start3A_282 = tpu.memref_slice %arg3[%add3A_275, %dma_start3A_280, %dma_start3A_281] : memref<672x4x128xi32, #tpu.memory_space<hbm>> -> memref<1x4x128xi32, #tpu.memory_space<hbm>>
        %dma_start3A_283 = tpu.memref_squeeze %dma_start3A_282 : memref<1x4x128xi32, #tpu.memory_space<hbm>> -> memref<4x128xi32, #tpu.memory_space<hbm>>
        tpu.enqueue_dma source(%dma_start3A_283 : memref<4x128xi32, #tpu.memory_space<hbm>>) target(%arg6 : memref<4x128xi32, #tpu.memory_space<vmem>>) target_semaphore(%arg13 : memref<!tpu.dma_semaphore, #tpu.memory_space<semaphore_mem>>)
      }
      %scan3A_65 = arith.constant 20 : i32
      %dma_wait3A = arith.constant 0 : i32
      %dma_wait3A_66 = arith.constant 0 : i32
      %dma_wait3A_67 = arith.constant 0 : i32
      %dma_wait3A_68 = tpu.memref_slice %arg5[%dma_wait3A_66, %dma_wait3A_67] : memref<4x128xi32, #tpu.memory_space<vmem>> -> memref<1x128xi32, #tpu.memory_space<vmem>>
      %dma_wait3A_69 = tpu.memref_squeeze %dma_wait3A_68 : memref<1x128xi32, #tpu.memory_space<vmem>> -> memref<128xi32, #tpu.memory_space<vmem>>
      %dma_wait3A_70 = arith.constant 0 : i32
      %dma_wait3A_71 = arith.constant 0 : i32
      %dma_wait3A_72 = tpu.memref_slice %arg2[%dma_wait3A, %dma_wait3A_70, %dma_wait3A_71] : memref<2x10000x128xf32, #tpu.memory_space<hbm>> -> memref<1x10000x128xf32, #tpu.memory_space<hbm>>
      %dma_wait3A_73 = tpu.memref_squeeze %dma_wait3A_72 : memref<1x10000x128xf32, #tpu.memory_space<hbm>> -> memref<10000x128xf32, #tpu.memory_space<hbm>>
      %dma_wait3A_74 = arith.constant 0 : i32
      %dma_wait3A_75 = arith.constant 0 : i32
      %dma_wait3A_76 = tpu.memref_slice %dma_wait3A_73[%dma_wait3A_74, %dma_wait3A_75] : memref<10000x128xf32, #tpu.memory_space<hbm>> -> memref<10000x128xf32, #tpu.memory_space<hbm>>
      tpu.wait_indirect_dma semaphore(%arg10 : memref<!tpu.dma_semaphore, #tpu.memory_space<semaphore_mem>>) src(%dma_wait3A_76 : memref<10000x128xf32, #tpu.memory_space<hbm>>) dst(%arg7 : memref<128x128xf32, #tpu.memory_space<vmem>>)
      %dma_wait3A_77 = arith.constant 0 : i32
      %dma_wait3A_78 = arith.constant 1 : i32
      %dma_wait3A_79 = arith.constant 0 : i32
      %dma_wait3A_80 = tpu.memref_slice %arg5[%dma_wait3A_78, %dma_wait3A_79] : memref<4x128xi32, #tpu.memory_space<vmem>> -> memref<1x128xi32, #tpu.memory_space<vmem>>
      %dma_wait3A_81 = tpu.memref_squeeze %dma_wait3A_80 : memref<1x128xi32, #tpu.memory_space<vmem>> -> memref<128xi32, #tpu.memory_space<vmem>>
      %dma_wait3A_82 = arith.constant 0 : i32
      %dma_wait3A_83 = arith.constant 0 : i32
      %dma_wait3A_84 = tpu.memref_slice %arg2[%dma_wait3A_77, %dma_wait3A_82, %dma_wait3A_83] : memref<2x10000x128xf32, #tpu.memory_space<hbm>> -> memref<1x10000x128xf32, #tpu.memory_space<hbm>>
      %dma_wait3A_85 = tpu.memref_squeeze %dma_wait3A_84 : memref<1x10000x128xf32, #tpu.memory_space<hbm>> -> memref<10000x128xf32, #tpu.memory_space<hbm>>
      %dma_wait3A_86 = arith.constant 0 : i32
      %dma_wait3A_87 = arith.constant 0 : i32
      %dma_wait3A_88 = tpu.memref_slice %dma_wait3A_85[%dma_wait3A_86, %dma_wait3A_87] : memref<10000x128xf32, #tpu.memory_space<hbm>> -> memref<10000x128xf32, #tpu.memory_space<hbm>>
      tpu.wait_indirect_dma semaphore(%arg11 : memref<!tpu.dma_semaphore, #tpu.memory_space<semaphore_mem>>) src(%dma_wait3A_88 : memref<10000x128xf32, #tpu.memory_space<hbm>>) dst(%arg8 : memref<128x128xf32, #tpu.memory_space<vmem>>)
      %dma_wait3A_89 = arith.constant 0 : i32
      %dma_wait3A_90 = arith.constant 0 : i32
      %dma_wait3A_91 = tpu.memref_slice %arg3[%mul3A_0, %dma_wait3A_89, %dma_wait3A_90] : memref<672x4x128xi32, #tpu.memory_space<hbm>> -> memref<1x4x128xi32, #tpu.memory_space<hbm>>
      %dma_wait3A_92 = tpu.memref_squeeze %dma_wait3A_91 : memref<1x4x128xi32, #tpu.memory_space<hbm>> -> memref<4x128xi32, #tpu.memory_space<hbm>>
      %dma_wait3A_93 = arith.constant 0 : i32
      %dma_wait3A_94 = arith.constant 0 : i32
      %dma_wait3A_95 = tpu.memref_slice %arg3[%mul3A_0, %dma_wait3A_93, %dma_wait3A_94] : memref<672x4x128xi32, #tpu.memory_space<hbm>> -> memref<1x4x128xi32, #tpu.memory_space<hbm>>
      %dma_wait3A_96 = tpu.memref_squeeze %dma_wait3A_95 : memref<1x4x128xi32, #tpu.memory_space<hbm>> -> memref<4x128xi32, #tpu.memory_space<hbm>>
      tpu.wait_dma2 semaphore(%arg13 : memref<!tpu.dma_semaphore, #tpu.memory_space<semaphore_mem>>) src(%dma_wait3A_96 : memref<4x128xi32, #tpu.memory_space<hbm>>) dst(%arg6 : memref<4x128xi32, #tpu.memory_space<vmem>>)
    } else {
    }
    %eq3A_12 = arith.constant 1 : i32
    %eq3A_13 = arith.cmpi eq, %arg0, %eq3A_12 : i32
    %convert_element_type3A_14 = arith.extui %eq3A_13 : i1 to i32
    %cond3A_15 = arith.constant 0 : i32
    %cond3A_16 = arith.cmpi ne, %convert_element_type3A_14, %cond3A_15 : i32
    scf.if %cond3A_16 {
      "tpu.region"() ({
        %run_scoped3A = tpu.sem_alloc : memref<!tpu.dma_semaphore, #tpu.memory_space<semaphore_mem>>
        %dma_start3A_97 = arith.constant 0 : i32
        %dma_start3A_98 = arith.constant 0 : i32
        %dma_start3A_99 = tpu.memref_slice %arg3[%mul3A_0, %dma_start3A_97, %dma_start3A_98] : memref<672x4x128xi32, #tpu.memory_space<hbm>> -> memref<1x4x128xi32, #tpu.memory_space<hbm>>
        %dma_start3A_100 = tpu.memref_squeeze %dma_start3A_99 : memref<1x4x128xi32, #tpu.memory_space<hbm>> -> memref<4x128xi32, #tpu.memory_space<hbm>>
        %dma_start3A_101 = arith.constant 0 : i32
        %dma_start3A_102 = arith.constant 0 : i32
        %dma_start3A_103 = tpu.memref_slice %arg3[%mul3A_0, %dma_start3A_101, %dma_start3A_102] : memref<672x4x128xi32, #tpu.memory_space<hbm>> -> memref<1x4x128xi32, #tpu.memory_space<hbm>>
        %dma_start3A_104 = tpu.memref_squeeze %dma_start3A_103 : memref<1x4x128xi32, #tpu.memory_space<hbm>> -> memref<4x128xi32, #tpu.memory_space<hbm>>
        tpu.enqueue_dma source(%dma_start3A_104 : memref<4x128xi32, #tpu.memory_space<hbm>>) target(%arg5 : memref<4x128xi32, #tpu.memory_space<vmem>>) target_semaphore(%run_scoped3A : memref<!tpu.dma_semaphore, #tpu.memory_space<semaphore_mem>>)
        %dma_wait3A_105 = arith.constant 0 : i32
        %dma_wait3A_106 = arith.constant 0 : i32
        %dma_wait3A_107 = tpu.memref_slice %arg3[%mul3A_0, %dma_wait3A_105, %dma_wait3A_106] : memref<672x4x128xi32, #tpu.memory_space<hbm>> -> memref<1x4x128xi32, #tpu.memory_space<hbm>>
        %dma_wait3A_108 = tpu.memref_squeeze %dma_wait3A_107 : memref<1x4x128xi32, #tpu.memory_space<hbm>> -> memref<4x128xi32, #tpu.memory_space<hbm>>
        %dma_wait3A_109 = arith.constant 0 : i32
        %dma_wait3A_110 = arith.constant 0 : i32
        %dma_wait3A_111 = tpu.memref_slice %arg3[%mul3A_0, %dma_wait3A_109, %dma_wait3A_110] : memref<672x4x128xi32, #tpu.memory_space<hbm>> -> memref<1x4x128xi32, #tpu.memory_space<hbm>>
        %dma_wait3A_112 = tpu.memref_squeeze %dma_wait3A_111 : memref<1x4x128xi32, #tpu.memory_space<hbm>> -> memref<4x128xi32, #tpu.memory_space<hbm>>
        tpu.wait_dma2 semaphore(%run_scoped3A : memref<!tpu.dma_semaphore, #tpu.memory_space<semaphore_mem>>) src(%dma_wait3A_112 : memref<4x128xi32, #tpu.memory_space<hbm>>) dst(%arg5 : memref<4x128xi32, #tpu.memory_space<vmem>>)
        tpu.yield
      }) : () -> ()
      %add3A = arith.constant 1 : i32
      %add3A_28 = arith.addi %mul3A_0, %add3A : i32
      %dma_start3A = arith.constant 0 : i32
      %dma_start3A_29 = arith.constant 0 : i32
      %dma_start3A_30 = tpu.memref_slice %arg3[%add3A_28, %dma_start3A, %dma_start3A_29] : memref<672x4x128xi32, #tpu.memory_space<hbm>> -> memref<1x4x128xi32, #tpu.memory_space<hbm>>
      %dma_start3A_31 = tpu.memref_squeeze %dma_start3A_30 : memref<1x4x128xi32, #tpu.memory_space<hbm>> -> memref<4x128xi32, #tpu.memory_space<hbm>>
      %dma_start3A_32 = arith.constant 0 : i32
      %dma_start3A_33 = arith.constant 0 : i32
      %dma_start3A_34 = tpu.memref_slice %arg3[%add3A_28, %dma_start3A_32, %dma_start3A_33] : memref<672x4x128xi32, #tpu.memory_space<hbm>> -> memref<1x4x128xi32, #tpu.memory_space<hbm>>
      %dma_start3A_35 = tpu.memref_squeeze %dma_start3A_34 : memref<1x4x128xi32, #tpu.memory_space<hbm>> -> memref<4x128xi32, #tpu.memory_space<hbm>>
      tpu.enqueue_dma source(%dma_start3A_35 : memref<4x128xi32, #tpu.memory_space<hbm>>) target(%arg6 : memref<4x128xi32, #tpu.memory_space<vmem>>) target_semaphore(%arg13 : memref<!tpu.dma_semaphore, #tpu.memory_space<semaphore_mem>>)
      %dma_start3A_36 = arith.constant 1 : i32
      %dma_start3A_37 = arith.constant 0 : i32
      %dma_start3A_38 = arith.constant 0 : i32
      %dma_start3A_39 = tpu.memref_slice %arg5[%dma_start3A_37, %dma_start3A_38] : memref<4x128xi32, #tpu.memory_space<vmem>> -> memref<1x128xi32, #tpu.memory_space<vmem>>
      %dma_start3A_40 = tpu.memref_squeeze %dma_start3A_39 : memref<1x128xi32, #tpu.memory_space<vmem>> -> memref<128xi32, #tpu.memory_space<vmem>>
      %dma_start3A_41 = arith.constant 0 : i32
      %dma_start3A_42 = arith.constant 0 : i32
      %dma_start3A_43 = tpu.memref_slice %arg2[%dma_start3A_36, %dma_start3A_41, %dma_start3A_42] : memref<2x10000x128xf32, #tpu.memory_space<hbm>> -> memref<1x10000x128xf32, #tpu.memory_space<hbm>>
      %dma_start3A_44 = tpu.memref_squeeze %dma_start3A_43 : memref<1x10000x128xf32, #tpu.memory_space<hbm>> -> memref<10000x128xf32, #tpu.memory_space<hbm>>
      %dma_start3A_45 = arith.constant 0 : i32
      %dma_start3A_46 = arith.constant 0 : i32
      %dma_start3A_47 = tpu.memref_slice %dma_start3A_44[%dma_start3A_45, %dma_start3A_46] : memref<10000x128xf32, #tpu.memory_space<hbm>> -> memref<10000x128xf32, #tpu.memory_space<hbm>>
      tpu.enqueue_indirect_dma source(%dma_start3A_47 : memref<10000x128xf32, #tpu.memory_space<hbm>>) target(%arg7 : memref<128x128xf32, #tpu.memory_space<vmem>>) offsets(%dma_start3A_40 : memref<128xi32, #tpu.memory_space<vmem>>) semaphore(%arg10 : memref<!tpu.dma_semaphore, #tpu.memory_space<semaphore_mem>>)
      %dma_start3A_48 = arith.constant 1 : i32
      %dma_start3A_49 = arith.constant 1 : i32
      %dma_start3A_50 = arith.constant 0 : i32
      %dma_start3A_51 = tpu.memref_slice %arg5[%dma_start3A_49, %dma_start3A_50] : memref<4x128xi32, #tpu.memory_space<vmem>> -> memref<1x128xi32, #tpu.memory_space<vmem>>
      %dma_start3A_52 = tpu.memref_squeeze %dma_start3A_51 : memref<1x128xi32, #tpu.memory_space<vmem>> -> memref<128xi32, #tpu.memory_space<vmem>>
      %dma_start3A_53 = arith.constant 0 : i32
      %dma_start3A_54 = arith.constant 0 : i32
      %dma_start3A_55 = tpu.memref_slice %arg2[%dma_start3A_48, %dma_start3A_53, %dma_start3A_54] : memref<2x10000x128xf32, #tpu.memory_space<hbm>> -> memref<1x10000x128xf32, #tpu.memory_space<hbm>>
      %dma_start3A_56 = tpu.memref_squeeze %dma_start3A_55 : memref<1x10000x128xf32, #tpu.memory_space<hbm>> -> memref<10000x128xf32, #tpu.memory_space<hbm>>
      %dma_start3A_57 = arith.constant 0 : i32
      %dma_start3A_58 = arith.constant 0 : i32
      %dma_start3A_59 = tpu.memref_slice %dma_start3A_56[%dma_start3A_57, %dma_start3A_58] : memref<10000x128xf32, #tpu.memory_space<hbm>> -> memref<10000x128xf32, #tpu.memory_space<hbm>>
      tpu.enqueue_indirect_dma source(%dma_start3A_59 : memref<10000x128xf32, #tpu.memory_space<hbm>>) target(%arg8 : memref<128x128xf32, #tpu.memory_space<vmem>>) offsets(%dma_start3A_52 : memref<128xi32, #tpu.memory_space<vmem>>) semaphore(%arg11 : memref<!tpu.dma_semaphore, #tpu.memory_space<semaphore_mem>>)
      %scan3A_60 = arith.constant 1 : i32
      %scan3A_61 = arith.constant 0 : i32
      %scan3A_62 = arith.constant 20 : i32
      %scan3A_63 = arith.addi %scan3A_61, %scan3A_62 : i32
      %scan3A_64 = arith.constant 1 : i32
      scf.for %scan3A_97 = %scan3A_61 to %scan3A_63 step %scan3A_64  : i32 {
        %mul3A_98 = arith.constant 2 : i32
        %mul3A_99 = arith.muli %scan3A_97, %mul3A_98 : i32
        %add3A_100 = arith.constant 0 : i32
        %add3A_101 = arith.addi %add3A_100, %mul3A_99 : i32
        %dma_wait3A_102 = arith.constant 0 : i32
        %dma_wait3A_103 = arith.constant 0 : i32
        %dma_wait3A_104 = tpu.memref_slice %arg5[%dma_wait3A_102, %dma_wait3A_103] : memref<4x128xi32, #tpu.memory_space<vmem>> -> memref<1x128xi32, #tpu.memory_space<vmem>>
        %dma_wait3A_105 = tpu.memref_squeeze %dma_wait3A_104 : memref<1x128xi32, #tpu.memory_space<vmem>> -> memref<128xi32, #tpu.memory_space<vmem>>
        %dma_wait3A_106 = arith.constant 0 : i32
        %dma_wait3A_107 = arith.constant 0 : i32
        %dma_wait3A_108 = tpu.memref_slice %arg2[%scan3A_60, %dma_wait3A_106, %dma_wait3A_107] : memref<2x10000x128xf32, #tpu.memory_space<hbm>> -> memref<1x10000x128xf32, #tpu.memory_space<hbm>>
        %dma_wait3A_109 = tpu.memref_squeeze %dma_wait3A_108 : memref<1x10000x128xf32, #tpu.memory_space<hbm>> -> memref<10000x128xf32, #tpu.memory_space<hbm>>
        %dma_wait3A_110 = arith.constant 0 : i32
        %dma_wait3A_111 = arith.constant 0 : i32
        %dma_wait3A_112 = tpu.memref_slice %dma_wait3A_109[%dma_wait3A_110, %dma_wait3A_111] : memref<10000x128xf32, #tpu.memory_space<hbm>> -> memref<10000x128xf32, #tpu.memory_space<hbm>>
        tpu.wait_indirect_dma semaphore(%arg10 : memref<!tpu.dma_semaphore, #tpu.memory_space<semaphore_mem>>) src(%dma_wait3A_112 : memref<10000x128xf32, #tpu.memory_space<hbm>>) dst(%arg7 : memref<128x128xf32, #tpu.memory_space<vmem>>)
        %dma_start3A_113 = arith.constant 2 : i32
        %dma_start3A_114 = arith.constant 0 : i32
        %dma_start3A_115 = tpu.memref_slice %arg5[%dma_start3A_113, %dma_start3A_114] : memref<4x128xi32, #tpu.memory_space<vmem>> -> memref<1x128xi32, #tpu.memory_space<vmem>>
        %dma_start3A_116 = tpu.memref_squeeze %dma_start3A_115 : memref<1x128xi32, #tpu.memory_space<vmem>> -> memref<128xi32, #tpu.memory_space<vmem>>
        %dma_start3A_117 = arith.constant 0 : i32
        %dma_start3A_118 = arith.constant 0 : i32
        %dma_start3A_119 = tpu.memref_slice %arg9[%dma_start3A_117, %dma_start3A_118] : memref<10240x128xf32, #tpu.memory_space<vmem_shared>> -> memref<10240x128xf32, #tpu.memory_space<vmem_shared>>
        tpu.enqueue_indirect_dma source(%arg7 : memref<128x128xf32, #tpu.memory_space<vmem>>) target(%dma_start3A_119 : memref<10240x128xf32, #tpu.memory_space<vmem_shared>>) offsets(%dma_start3A_116 : memref<128xi32, #tpu.memory_space<vmem>>) semaphore(%arg14 : memref<!tpu.dma_semaphore, #tpu.memory_space<semaphore_mem>>) {add = true}
        %dma_wait3A_120 = arith.constant 1 : i32
        %dma_wait3A_121 = arith.constant 0 : i32
        %dma_wait3A_122 = tpu.memref_slice %arg5[%dma_wait3A_120, %dma_wait3A_121] : memref<4x128xi32, #tpu.memory_space<vmem>> -> memref<1x128xi32, #tpu.memory_space<vmem>>
        %dma_wait3A_123 = tpu.memref_squeeze %dma_wait3A_122 : memref<1x128xi32, #tpu.memory_space<vmem>> -> memref<128xi32, #tpu.memory_space<vmem>>
        %dma_wait3A_124 = arith.constant 0 : i32
        %dma_wait3A_125 = arith.constant 0 : i32
        %dma_wait3A_126 = tpu.memref_slice %arg2[%scan3A_60, %dma_wait3A_124, %dma_wait3A_125] : memref<2x10000x128xf32, #tpu.memory_space<hbm>> -> memref<1x10000x128xf32, #tpu.memory_space<hbm>>
        %dma_wait3A_127 = tpu.memref_squeeze %dma_wait3A_126 : memref<1x10000x128xf32, #tpu.memory_space<hbm>> -> memref<10000x128xf32, #tpu.memory_space<hbm>>
        %dma_wait3A_128 = arith.constant 0 : i32
        %dma_wait3A_129 = arith.constant 0 : i32
        %dma_wait3A_130 = tpu.memref_slice %dma_wait3A_127[%dma_wait3A_128, %dma_wait3A_129] : memref<10000x128xf32, #tpu.memory_space<hbm>> -> memref<10000x128xf32, #tpu.memory_space<hbm>>
        tpu.wait_indirect_dma semaphore(%arg11 : memref<!tpu.dma_semaphore, #tpu.memory_space<semaphore_mem>>) src(%dma_wait3A_130 : memref<10000x128xf32, #tpu.memory_space<hbm>>) dst(%arg8 : memref<128x128xf32, #tpu.memory_space<vmem>>)
        %dma_start3A_131 = arith.constant 3 : i32
        %dma_start3A_132 = arith.constant 0 : i32
        %dma_start3A_133 = tpu.memref_slice %arg5[%dma_start3A_131, %dma_start3A_132] : memref<4x128xi32, #tpu.memory_space<vmem>> -> memref<1x128xi32, #tpu.memory_space<vmem>>
        %dma_start3A_134 = tpu.memref_squeeze %dma_start3A_133 : memref<1x128xi32, #tpu.memory_space<vmem>> -> memref<128xi32, #tpu.memory_space<vmem>>
        %dma_start3A_135 = arith.constant 0 : i32
        %dma_start3A_136 = arith.constant 0 : i32
        %dma_start3A_137 = tpu.memref_slice %arg9[%dma_start3A_135, %dma_start3A_136] : memref<10240x128xf32, #tpu.memory_space<vmem_shared>> -> memref<10240x128xf32, #tpu.memory_space<vmem_shared>>
        tpu.enqueue_indirect_dma source(%arg8 : memref<128x128xf32, #tpu.memory_space<vmem>>) target(%dma_start3A_137 : memref<10240x128xf32, #tpu.memory_space<vmem_shared>>) offsets(%dma_start3A_134 : memref<128xi32, #tpu.memory_space<vmem>>) semaphore(%arg15 : memref<!tpu.dma_semaphore, #tpu.memory_space<semaphore_mem>>) {add = true}
        %dma_wait3A_138 = arith.constant 0 : i32
        %dma_wait3A_139 = arith.constant 0 : i32
        %dma_wait3A_140 = tpu.memref_slice %arg3[%mul3A_0, %dma_wait3A_138, %dma_wait3A_139] : memref<672x4x128xi32, #tpu.memory_space<hbm>> -> memref<1x4x128xi32, #tpu.memory_space<hbm>>
        %dma_wait3A_141 = tpu.memref_squeeze %dma_wait3A_140 : memref<1x4x128xi32, #tpu.memory_space<hbm>> -> memref<4x128xi32, #tpu.memory_space<hbm>>
        %dma_wait3A_142 = arith.constant 0 : i32
        %dma_wait3A_143 = arith.constant 0 : i32
        %dma_wait3A_144 = tpu.memref_slice %arg3[%mul3A_0, %dma_wait3A_142, %dma_wait3A_143] : memref<672x4x128xi32, #tpu.memory_space<hbm>> -> memref<1x4x128xi32, #tpu.memory_space<hbm>>
        %dma_wait3A_145 = tpu.memref_squeeze %dma_wait3A_144 : memref<1x4x128xi32, #tpu.memory_space<hbm>> -> memref<4x128xi32, #tpu.memory_space<hbm>>
        tpu.wait_dma2 semaphore(%arg13 : memref<!tpu.dma_semaphore, #tpu.memory_space<semaphore_mem>>) src(%dma_wait3A_145 : memref<4x128xi32, #tpu.memory_space<hbm>>) dst(%arg6 : memref<4x128xi32, #tpu.memory_space<vmem>>)
        %dma_wait3A_146 = arith.constant 2 : i32
        %dma_wait3A_147 = arith.constant 0 : i32
        %dma_wait3A_148 = tpu.memref_slice %arg5[%dma_wait3A_146, %dma_wait3A_147] : memref<4x128xi32, #tpu.memory_space<vmem>> -> memref<1x128xi32, #tpu.memory_space<vmem>>
        %dma_wait3A_149 = tpu.memref_squeeze %dma_wait3A_148 : memref<1x128xi32, #tpu.memory_space<vmem>> -> memref<128xi32, #tpu.memory_space<vmem>>
        %dma_wait3A_150 = arith.constant 0 : i32
        %dma_wait3A_151 = arith.constant 0 : i32
        %dma_wait3A_152 = tpu.memref_slice %arg9[%dma_wait3A_150, %dma_wait3A_151] : memref<10240x128xf32, #tpu.memory_space<vmem_shared>> -> memref<10240x128xf32, #tpu.memory_space<vmem_shared>>
        tpu.wait_indirect_dma semaphore(%arg14 : memref<!tpu.dma_semaphore, #tpu.memory_space<semaphore_mem>>) src(%arg7 : memref<128x128xf32, #tpu.memory_space<vmem>>) dst(%dma_wait3A_152 : memref<10240x128xf32, #tpu.memory_space<vmem_shared>>)
        %dma_start3A_153 = arith.constant 0 : i32
        %dma_start3A_154 = arith.constant 0 : i32
        %dma_start3A_155 = tpu.memref_slice %arg6[%dma_start3A_153, %dma_start3A_154] : memref<4x128xi32, #tpu.memory_space<vmem>> -> memref<1x128xi32, #tpu.memory_space<vmem>>
        %dma_start3A_156 = tpu.memref_squeeze %dma_start3A_155 : memref<1x128xi32, #tpu.memory_space<vmem>> -> memref<128xi32, #tpu.memory_space<vmem>>
        %dma_start3A_157 = arith.constant 0 : i32
        %dma_start3A_158 = arith.constant 0 : i32
        %dma_start3A_159 = tpu.memref_slice %arg2[%scan3A_60, %dma_start3A_157, %dma_start3A_158] : memref<2x10000x128xf32, #tpu.memory_space<hbm>> -> memref<1x10000x128xf32, #tpu.memory_space<hbm>>
        %dma_start3A_160 = tpu.memref_squeeze %dma_start3A_159 : memref<1x10000x128xf32, #tpu.memory_space<hbm>> -> memref<10000x128xf32, #tpu.memory_space<hbm>>
        %dma_start3A_161 = arith.constant 0 : i32
        %dma_start3A_162 = arith.constant 0 : i32
        %dma_start3A_163 = tpu.memref_slice %dma_start3A_160[%dma_start3A_161, %dma_start3A_162] : memref<10000x128xf32, #tpu.memory_space<hbm>> -> memref<10000x128xf32, #tpu.memory_space<hbm>>
        tpu.enqueue_indirect_dma source(%dma_start3A_163 : memref<10000x128xf32, #tpu.memory_space<hbm>>) target(%arg7 : memref<128x128xf32, #tpu.memory_space<vmem>>) offsets(%dma_start3A_156 : memref<128xi32, #tpu.memory_space<vmem>>) semaphore(%arg10 : memref<!tpu.dma_semaphore, #tpu.memory_space<semaphore_mem>>)
        %dma_wait3A_164 = arith.constant 3 : i32
        %dma_wait3A_165 = arith.constant 0 : i32
        %dma_wait3A_166 = tpu.memref_slice %arg5[%dma_wait3A_164, %dma_wait3A_165] : memref<4x128xi32, #tpu.memory_space<vmem>> -> memref<1x128xi32, #tpu.memory_space<vmem>>
        %dma_wait3A_167 = tpu.memref_squeeze %dma_wait3A_166 : memref<1x128xi32, #tpu.memory_space<vmem>> -> memref<128xi32, #tpu.memory_space<vmem>>
        %dma_wait3A_168 = arith.constant 0 : i32
        %dma_wait3A_169 = arith.constant 0 : i32
        %dma_wait3A_170 = tpu.memref_slice %arg9[%dma_wait3A_168, %dma_wait3A_169] : memref<10240x128xf32, #tpu.memory_space<vmem_shared>> -> memref<10240x128xf32, #tpu.memory_space<vmem_shared>>
        tpu.wait_indirect_dma semaphore(%arg15 : memref<!tpu.dma_semaphore, #tpu.memory_space<semaphore_mem>>) src(%arg8 : memref<128x128xf32, #tpu.memory_space<vmem>>) dst(%dma_wait3A_170 : memref<10240x128xf32, #tpu.memory_space<vmem_shared>>)
        %dma_start3A_171 = arith.constant 1 : i32
        %dma_start3A_172 = arith.constant 0 : i32
        %dma_start3A_173 = tpu.memref_slice %arg6[%dma_start3A_171, %dma_start3A_172] : memref<4x128xi32, #tpu.memory_space<vmem>> -> memref<1x128xi32, #tpu.memory_space<vmem>>
        %dma_start3A_174 = tpu.memref_squeeze %dma_start3A_173 : memref<1x128xi32, #tpu.memory_space<vmem>> -> memref<128xi32, #tpu.memory_space<vmem>>
        %dma_start3A_175 = arith.constant 0 : i32
        %dma_start3A_176 = arith.constant 0 : i32
        %dma_start3A_177 = tpu.memref_slice %arg2[%scan3A_60, %dma_start3A_175, %dma_start3A_176] : memref<2x10000x128xf32, #tpu.memory_space<hbm>> -> memref<1x10000x128xf32, #tpu.memory_space<hbm>>
        %dma_start3A_178 = tpu.memref_squeeze %dma_start3A_177 : memref<1x10000x128xf32, #tpu.memory_space<hbm>> -> memref<10000x128xf32, #tpu.memory_space<hbm>>
        %dma_start3A_179 = arith.constant 0 : i32
        %dma_start3A_180 = arith.constant 0 : i32
        %dma_start3A_181 = tpu.memref_slice %dma_start3A_178[%dma_start3A_179, %dma_start3A_180] : memref<10000x128xf32, #tpu.memory_space<hbm>> -> memref<10000x128xf32, #tpu.memory_space<hbm>>
        tpu.enqueue_indirect_dma source(%dma_start3A_181 : memref<10000x128xf32, #tpu.memory_space<hbm>>) target(%arg8 : memref<128x128xf32, #tpu.memory_space<vmem>>) offsets(%dma_start3A_174 : memref<128xi32, #tpu.memory_space<vmem>>) semaphore(%arg11 : memref<!tpu.dma_semaphore, #tpu.memory_space<semaphore_mem>>)
        %add3A_182 = arith.addi %mul3A_0, %add3A_101 : i32
        %add3A_183 = arith.constant 2 : i32
        %add3A_184 = arith.addi %add3A_182, %add3A_183 : i32
        %dma_start3A_185 = arith.constant 0 : i32
        %dma_start3A_186 = arith.constant 0 : i32
        %dma_start3A_187 = tpu.memref_slice %arg3[%add3A_184, %dma_start3A_185, %dma_start3A_186] : memref<672x4x128xi32, #tpu.memory_space<hbm>> -> memref<1x4x128xi32, #tpu.memory_space<hbm>>
        %dma_start3A_188 = tpu.memref_squeeze %dma_start3A_187 : memref<1x4x128xi32, #tpu.memory_space<hbm>> -> memref<4x128xi32, #tpu.memory_space<hbm>>
        %dma_start3A_189 = arith.constant 0 : i32
        %dma_start3A_190 = arith.constant 0 : i32
        %dma_start3A_191 = tpu.memref_slice %arg3[%add3A_184, %dma_start3A_189, %dma_start3A_190] : memref<672x4x128xi32, #tpu.memory_space<hbm>> -> memref<1x4x128xi32, #tpu.memory_space<hbm>>
        %dma_start3A_192 = tpu.memref_squeeze %dma_start3A_191 : memref<1x4x128xi32, #tpu.memory_space<hbm>> -> memref<4x128xi32, #tpu.memory_space<hbm>>
        tpu.enqueue_dma source(%dma_start3A_192 : memref<4x128xi32, #tpu.memory_space<hbm>>) target(%arg5 : memref<4x128xi32, #tpu.memory_space<vmem>>) target_semaphore(%arg12 : memref<!tpu.dma_semaphore, #tpu.memory_space<semaphore_mem>>)
        %dma_wait3A_193 = arith.constant 0 : i32
        %dma_wait3A_194 = arith.constant 0 : i32
        %dma_wait3A_195 = tpu.memref_slice %arg6[%dma_wait3A_193, %dma_wait3A_194] : memref<4x128xi32, #tpu.memory_space<vmem>> -> memref<1x128xi32, #tpu.memory_space<vmem>>
        %dma_wait3A_196 = tpu.memref_squeeze %dma_wait3A_195 : memref<1x128xi32, #tpu.memory_space<vmem>> -> memref<128xi32, #tpu.memory_space<vmem>>
        %dma_wait3A_197 = arith.constant 0 : i32
        %dma_wait3A_198 = arith.constant 0 : i32
        %dma_wait3A_199 = tpu.memref_slice %arg2[%scan3A_60, %dma_wait3A_197, %dma_wait3A_198] : memref<2x10000x128xf32, #tpu.memory_space<hbm>> -> memref<1x10000x128xf32, #tpu.memory_space<hbm>>
        %dma_wait3A_200 = tpu.memref_squeeze %dma_wait3A_199 : memref<1x10000x128xf32, #tpu.memory_space<hbm>> -> memref<10000x128xf32, #tpu.memory_space<hbm>>
        %dma_wait3A_201 = arith.constant 0 : i32
        %dma_wait3A_202 = arith.constant 0 : i32
        %dma_wait3A_203 = tpu.memref_slice %dma_wait3A_200[%dma_wait3A_201, %dma_wait3A_202] : memref<10000x128xf32, #tpu.memory_space<hbm>> -> memref<10000x128xf32, #tpu.memory_space<hbm>>
        tpu.wait_indirect_dma semaphore(%arg10 : memref<!tpu.dma_semaphore, #tpu.memory_space<semaphore_mem>>) src(%dma_wait3A_203 : memref<10000x128xf32, #tpu.memory_space<hbm>>) dst(%arg7 : memref<128x128xf32, #tpu.memory_space<vmem>>)
        %dma_start3A_204 = arith.constant 2 : i32
        %dma_start3A_205 = arith.constant 0 : i32
        %dma_start3A_206 = tpu.memref_slice %arg6[%dma_start3A_204, %dma_start3A_205] : memref<4x128xi32, #tpu.memory_space<vmem>> -> memref<1x128xi32, #tpu.memory_space<vmem>>
        %dma_start3A_207 = tpu.memref_squeeze %dma_start3A_206 : memref<1x128xi32, #tpu.memory_space<vmem>> -> memref<128xi32, #tpu.memory_space<vmem>>
        %dma_start3A_208 = arith.constant 0 : i32
        %dma_start3A_209 = arith.constant 0 : i32
        %dma_start3A_210 = tpu.memref_slice %arg9[%dma_start3A_208, %dma_start3A_209] : memref<10240x128xf32, #tpu.memory_space<vmem_shared>> -> memref<10240x128xf32, #tpu.memory_space<vmem_shared>>
        tpu.enqueue_indirect_dma source(%arg7 : memref<128x128xf32, #tpu.memory_space<vmem>>) target(%dma_start3A_210 : memref<10240x128xf32, #tpu.memory_space<vmem_shared>>) offsets(%dma_start3A_207 : memref<128xi32, #tpu.memory_space<vmem>>) semaphore(%arg14 : memref<!tpu.dma_semaphore, #tpu.memory_space<semaphore_mem>>) {add = true}
        %dma_wait3A_211 = arith.constant 1 : i32
        %dma_wait3A_212 = arith.constant 0 : i32
        %dma_wait3A_213 = tpu.memref_slice %arg6[%dma_wait3A_211, %dma_wait3A_212] : memref<4x128xi32, #tpu.memory_space<vmem>> -> memref<1x128xi32, #tpu.memory_space<vmem>>
        %dma_wait3A_214 = tpu.memref_squeeze %dma_wait3A_213 : memref<1x128xi32, #tpu.memory_space<vmem>> -> memref<128xi32, #tpu.memory_space<vmem>>
        %dma_wait3A_215 = arith.constant 0 : i32
        %dma_wait3A_216 = arith.constant 0 : i32
        %dma_wait3A_217 = tpu.memref_slice %arg2[%scan3A_60, %dma_wait3A_215, %dma_wait3A_216] : memref<2x10000x128xf32, #tpu.memory_space<hbm>> -> memref<1x10000x128xf32, #tpu.memory_space<hbm>>
        %dma_wait3A_218 = tpu.memref_squeeze %dma_wait3A_217 : memref<1x10000x128xf32, #tpu.memory_space<hbm>> -> memref<10000x128xf32, #tpu.memory_space<hbm>>
        %dma_wait3A_219 = arith.constant 0 : i32
        %dma_wait3A_220 = arith.constant 0 : i32
        %dma_wait3A_221 = tpu.memref_slice %dma_wait3A_218[%dma_wait3A_219, %dma_wait3A_220] : memref<10000x128xf32, #tpu.memory_space<hbm>> -> memref<10000x128xf32, #tpu.memory_space<hbm>>
        tpu.wait_indirect_dma semaphore(%arg11 : memref<!tpu.dma_semaphore, #tpu.memory_space<semaphore_mem>>) src(%dma_wait3A_221 : memref<10000x128xf32, #tpu.memory_space<hbm>>) dst(%arg8 : memref<128x128xf32, #tpu.memory_space<vmem>>)
        %dma_start3A_222 = arith.constant 3 : i32
        %dma_start3A_223 = arith.constant 0 : i32
        %dma_start3A_224 = tpu.memref_slice %arg6[%dma_start3A_222, %dma_start3A_223] : memref<4x128xi32, #tpu.memory_space<vmem>> -> memref<1x128xi32, #tpu.memory_space<vmem>>
        %dma_start3A_225 = tpu.memref_squeeze %dma_start3A_224 : memref<1x128xi32, #tpu.memory_space<vmem>> -> memref<128xi32, #tpu.memory_space<vmem>>
        %dma_start3A_226 = arith.constant 0 : i32
        %dma_start3A_227 = arith.constant 0 : i32
        %dma_start3A_228 = tpu.memref_slice %arg9[%dma_start3A_226, %dma_start3A_227] : memref<10240x128xf32, #tpu.memory_space<vmem_shared>> -> memref<10240x128xf32, #tpu.memory_space<vmem_shared>>
        tpu.enqueue_indirect_dma source(%arg8 : memref<128x128xf32, #tpu.memory_space<vmem>>) target(%dma_start3A_228 : memref<10240x128xf32, #tpu.memory_space<vmem_shared>>) offsets(%dma_start3A_225 : memref<128xi32, #tpu.memory_space<vmem>>) semaphore(%arg15 : memref<!tpu.dma_semaphore, #tpu.memory_space<semaphore_mem>>) {add = true}
        %dma_wait3A_229 = arith.constant 0 : i32
        %dma_wait3A_230 = arith.constant 0 : i32
        %dma_wait3A_231 = tpu.memref_slice %arg3[%mul3A_0, %dma_wait3A_229, %dma_wait3A_230] : memref<672x4x128xi32, #tpu.memory_space<hbm>> -> memref<1x4x128xi32, #tpu.memory_space<hbm>>
        %dma_wait3A_232 = tpu.memref_squeeze %dma_wait3A_231 : memref<1x4x128xi32, #tpu.memory_space<hbm>> -> memref<4x128xi32, #tpu.memory_space<hbm>>
        %dma_wait3A_233 = arith.constant 0 : i32
        %dma_wait3A_234 = arith.constant 0 : i32
        %dma_wait3A_235 = tpu.memref_slice %arg3[%mul3A_0, %dma_wait3A_233, %dma_wait3A_234] : memref<672x4x128xi32, #tpu.memory_space<hbm>> -> memref<1x4x128xi32, #tpu.memory_space<hbm>>
        %dma_wait3A_236 = tpu.memref_squeeze %dma_wait3A_235 : memref<1x4x128xi32, #tpu.memory_space<hbm>> -> memref<4x128xi32, #tpu.memory_space<hbm>>
        tpu.wait_dma2 semaphore(%arg12 : memref<!tpu.dma_semaphore, #tpu.memory_space<semaphore_mem>>) src(%dma_wait3A_236 : memref<4x128xi32, #tpu.memory_space<hbm>>) dst(%arg5 : memref<4x128xi32, #tpu.memory_space<vmem>>)
        %dma_wait3A_237 = arith.constant 2 : i32
        %dma_wait3A_238 = arith.constant 0 : i32
        %dma_wait3A_239 = tpu.memref_slice %arg6[%dma_wait3A_237, %dma_wait3A_238] : memref<4x128xi32, #tpu.memory_space<vmem>> -> memref<1x128xi32, #tpu.memory_space<vmem>>
        %dma_wait3A_240 = tpu.memref_squeeze %dma_wait3A_239 : memref<1x128xi32, #tpu.memory_space<vmem>> -> memref<128xi32, #tpu.memory_space<vmem>>
        %dma_wait3A_241 = arith.constant 0 : i32
        %dma_wait3A_242 = arith.constant 0 : i32
        %dma_wait3A_243 = tpu.memref_slice %arg9[%dma_wait3A_241, %dma_wait3A_242] : memref<10240x128xf32, #tpu.memory_space<vmem_shared>> -> memref<10240x128xf32, #tpu.memory_space<vmem_shared>>
        tpu.wait_indirect_dma semaphore(%arg14 : memref<!tpu.dma_semaphore, #tpu.memory_space<semaphore_mem>>) src(%arg7 : memref<128x128xf32, #tpu.memory_space<vmem>>) dst(%dma_wait3A_243 : memref<10240x128xf32, #tpu.memory_space<vmem_shared>>)
        %dma_start3A_244 = arith.constant 0 : i32
        %dma_start3A_245 = arith.constant 0 : i32
        %dma_start3A_246 = tpu.memref_slice %arg5[%dma_start3A_244, %dma_start3A_245] : memref<4x128xi32, #tpu.memory_space<vmem>> -> memref<1x128xi32, #tpu.memory_space<vmem>>
        %dma_start3A_247 = tpu.memref_squeeze %dma_start3A_246 : memref<1x128xi32, #tpu.memory_space<vmem>> -> memref<128xi32, #tpu.memory_space<vmem>>
        %dma_start3A_248 = arith.constant 0 : i32
        %dma_start3A_249 = arith.constant 0 : i32
        %dma_start3A_250 = tpu.memref_slice %arg2[%scan3A_60, %dma_start3A_248, %dma_start3A_249] : memref<2x10000x128xf32, #tpu.memory_space<hbm>> -> memref<1x10000x128xf32, #tpu.memory_space<hbm>>
        %dma_start3A_251 = tpu.memref_squeeze %dma_start3A_250 : memref<1x10000x128xf32, #tpu.memory_space<hbm>> -> memref<10000x128xf32, #tpu.memory_space<hbm>>
        %dma_start3A_252 = arith.constant 0 : i32
        %dma_start3A_253 = arith.constant 0 : i32
        %dma_start3A_254 = tpu.memref_slice %dma_start3A_251[%dma_start3A_252, %dma_start3A_253] : memref<10000x128xf32, #tpu.memory_space<hbm>> -> memref<10000x128xf32, #tpu.memory_space<hbm>>
        tpu.enqueue_indirect_dma source(%dma_start3A_254 : memref<10000x128xf32, #tpu.memory_space<hbm>>) target(%arg7 : memref<128x128xf32, #tpu.memory_space<vmem>>) offsets(%dma_start3A_247 : memref<128xi32, #tpu.memory_space<vmem>>) semaphore(%arg10 : memref<!tpu.dma_semaphore, #tpu.memory_space<semaphore_mem>>)
        %dma_wait3A_255 = arith.constant 3 : i32
        %dma_wait3A_256 = arith.constant 0 : i32
        %dma_wait3A_257 = tpu.memref_slice %arg6[%dma_wait3A_255, %dma_wait3A_256] : memref<4x128xi32, #tpu.memory_space<vmem>> -> memref<1x128xi32, #tpu.memory_space<vmem>>
        %dma_wait3A_258 = tpu.memref_squeeze %dma_wait3A_257 : memref<1x128xi32, #tpu.memory_space<vmem>> -> memref<128xi32, #tpu.memory_space<vmem>>
        %dma_wait3A_259 = arith.constant 0 : i32
        %dma_wait3A_260 = arith.constant 0 : i32
        %dma_wait3A_261 = tpu.memref_slice %arg9[%dma_wait3A_259, %dma_wait3A_260] : memref<10240x128xf32, #tpu.memory_space<vmem_shared>> -> memref<10240x128xf32, #tpu.memory_space<vmem_shared>>
        tpu.wait_indirect_dma semaphore(%arg15 : memref<!tpu.dma_semaphore, #tpu.memory_space<semaphore_mem>>) src(%arg8 : memref<128x128xf32, #tpu.memory_space<vmem>>) dst(%dma_wait3A_261 : memref<10240x128xf32, #tpu.memory_space<vmem_shared>>)
        %dma_start3A_262 = arith.constant 1 : i32
        %dma_start3A_263 = arith.constant 0 : i32
        %dma_start3A_264 = tpu.memref_slice %arg5[%dma_start3A_262, %dma_start3A_263] : memref<4x128xi32, #tpu.memory_space<vmem>> -> memref<1x128xi32, #tpu.memory_space<vmem>>
        %dma_start3A_265 = tpu.memref_squeeze %dma_start3A_264 : memref<1x128xi32, #tpu.memory_space<vmem>> -> memref<128xi32, #tpu.memory_space<vmem>>
        %dma_start3A_266 = arith.constant 0 : i32
        %dma_start3A_267 = arith.constant 0 : i32
        %dma_start3A_268 = tpu.memref_slice %arg2[%scan3A_60, %dma_start3A_266, %dma_start3A_267] : memref<2x10000x128xf32, #tpu.memory_space<hbm>> -> memref<1x10000x128xf32, #tpu.memory_space<hbm>>
        %dma_start3A_269 = tpu.memref_squeeze %dma_start3A_268 : memref<1x10000x128xf32, #tpu.memory_space<hbm>> -> memref<10000x128xf32, #tpu.memory_space<hbm>>
        %dma_start3A_270 = arith.constant 0 : i32
        %dma_start3A_271 = arith.constant 0 : i32
        %dma_start3A_272 = tpu.memref_slice %dma_start3A_269[%dma_start3A_270, %dma_start3A_271] : memref<10000x128xf32, #tpu.memory_space<hbm>> -> memref<10000x128xf32, #tpu.memory_space<hbm>>
        tpu.enqueue_indirect_dma source(%dma_start3A_272 : memref<10000x128xf32, #tpu.memory_space<hbm>>) target(%arg8 : memref<128x128xf32, #tpu.memory_space<vmem>>) offsets(%dma_start3A_265 : memref<128xi32, #tpu.memory_space<vmem>>) semaphore(%arg11 : memref<!tpu.dma_semaphore, #tpu.memory_space<semaphore_mem>>)
        %add3A_273 = arith.addi %mul3A_0, %add3A_101 : i32
        %add3A_274 = arith.constant 3 : i32
        %add3A_275 = arith.addi %add3A_273, %add3A_274 : i32
        %dma_start3A_276 = arith.constant 0 : i32
        %dma_start3A_277 = arith.constant 0 : i32
        %dma_start3A_278 = tpu.memref_slice %arg3[%add3A_275, %dma_start3A_276, %dma_start3A_277] : memref<672x4x128xi32, #tpu.memory_space<hbm>> -> memref<1x4x128xi32, #tpu.memory_space<hbm>>
        %dma_start3A_279 = tpu.memref_squeeze %dma_start3A_278 : memref<1x4x128xi32, #tpu.memory_space<hbm>> -> memref<4x128xi32, #tpu.memory_space<hbm>>
        %dma_start3A_280 = arith.constant 0 : i32
        %dma_start3A_281 = arith.constant 0 : i32
        %dma_start3A_282 = tpu.memref_slice %arg3[%add3A_275, %dma_start3A_280, %dma_start3A_281] : memref<672x4x128xi32, #tpu.memory_space<hbm>> -> memref<1x4x128xi32, #tpu.memory_space<hbm>>
        %dma_start3A_283 = tpu.memref_squeeze %dma_start3A_282 : memref<1x4x128xi32, #tpu.memory_space<hbm>> -> memref<4x128xi32, #tpu.memory_space<hbm>>
        tpu.enqueue_dma source(%dma_start3A_283 : memref<4x128xi32, #tpu.memory_space<hbm>>) target(%arg6 : memref<4x128xi32, #tpu.memory_space<vmem>>) target_semaphore(%arg13 : memref<!tpu.dma_semaphore, #tpu.memory_space<semaphore_mem>>)
      }
      %scan3A_65 = arith.constant 20 : i32
      %dma_wait3A = arith.constant 1 : i32
      %dma_wait3A_66 = arith.constant 0 : i32
      %dma_wait3A_67 = arith.constant 0 : i32
      %dma_wait3A_68 = tpu.memref_slice %arg5[%dma_wait3A_66, %dma_wait3A_67] : memref<4x128xi32, #tpu.memory_space<vmem>> -> memref<1x128xi32, #tpu.memory_space<vmem>>
      %dma_wait3A_69 = tpu.memref_squeeze %dma_wait3A_68 : memref<1x128xi32, #tpu.memory_space<vmem>> -> memref<128xi32, #tpu.memory_space<vmem>>
      %dma_wait3A_70 = arith.constant 0 : i32
      %dma_wait3A_71 = arith.constant 0 : i32
      %dma_wait3A_72 = tpu.memref_slice %arg2[%dma_wait3A, %dma_wait3A_70, %dma_wait3A_71] : memref<2x10000x128xf32, #tpu.memory_space<hbm>> -> memref<1x10000x128xf32, #tpu.memory_space<hbm>>
      %dma_wait3A_73 = tpu.memref_squeeze %dma_wait3A_72 : memref<1x10000x128xf32, #tpu.memory_space<hbm>> -> memref<10000x128xf32, #tpu.memory_space<hbm>>
      %dma_wait3A_74 = arith.constant 0 : i32
      %dma_wait3A_75 = arith.constant 0 : i32
      %dma_wait3A_76 = tpu.memref_slice %dma_wait3A_73[%dma_wait3A_74, %dma_wait3A_75] : memref<10000x128xf32, #tpu.memory_space<hbm>> -> memref<10000x128xf32, #tpu.memory_space<hbm>>
      tpu.wait_indirect_dma semaphore(%arg10 : memref<!tpu.dma_semaphore, #tpu.memory_space<semaphore_mem>>) src(%dma_wait3A_76 : memref<10000x128xf32, #tpu.memory_space<hbm>>) dst(%arg7 : memref<128x128xf32, #tpu.memory_space<vmem>>)
      %dma_wait3A_77 = arith.constant 1 : i32
      %dma_wait3A_78 = arith.constant 1 : i32
      %dma_wait3A_79 = arith.constant 0 : i32
      %dma_wait3A_80 = tpu.memref_slice %arg5[%dma_wait3A_78, %dma_wait3A_79] : memref<4x128xi32, #tpu.memory_space<vmem>> -> memref<1x128xi32, #tpu.memory_space<vmem>>
      %dma_wait3A_81 = tpu.memref_squeeze %dma_wait3A_80 : memref<1x128xi32, #tpu.memory_space<vmem>> -> memref<128xi32, #tpu.memory_space<vmem>>
      %dma_wait3A_82 = arith.constant 0 : i32
      %dma_wait3A_83 = arith.constant 0 : i32
      %dma_wait3A_84 = tpu.memref_slice %arg2[%dma_wait3A_77, %dma_wait3A_82, %dma_wait3A_83] : memref<2x10000x128xf32, #tpu.memory_space<hbm>> -> memref<1x10000x128xf32, #tpu.memory_space<hbm>>
      %dma_wait3A_85 = tpu.memref_squeeze %dma_wait3A_84 : memref<1x10000x128xf32, #tpu.memory_space<hbm>> -> memref<10000x128xf32, #tpu.memory_space<hbm>>
      %dma_wait3A_86 = arith.constant 0 : i32
      %dma_wait3A_87 = arith.constant 0 : i32
      %dma_wait3A_88 = tpu.memref_slice %dma_wait3A_85[%dma_wait3A_86, %dma_wait3A_87] : memref<10000x128xf32, #tpu.memory_space<hbm>> -> memref<10000x128xf32, #tpu.memory_space<hbm>>
      tpu.wait_indirect_dma semaphore(%arg11 : memref<!tpu.dma_semaphore, #tpu.memory_space<semaphore_mem>>) src(%dma_wait3A_88 : memref<10000x128xf32, #tpu.memory_space<hbm>>) dst(%arg8 : memref<128x128xf32, #tpu.memory_space<vmem>>)
      %dma_wait3A_89 = arith.constant 0 : i32
      %dma_wait3A_90 = arith.constant 0 : i32
      %dma_wait3A_91 = tpu.memref_slice %arg3[%mul3A_0, %dma_wait3A_89, %dma_wait3A_90] : memref<672x4x128xi32, #tpu.memory_space<hbm>> -> memref<1x4x128xi32, #tpu.memory_space<hbm>>
      %dma_wait3A_92 = tpu.memref_squeeze %dma_wait3A_91 : memref<1x4x128xi32, #tpu.memory_space<hbm>> -> memref<4x128xi32, #tpu.memory_space<hbm>>
      %dma_wait3A_93 = arith.constant 0 : i32
      %dma_wait3A_94 = arith.constant 0 : i32
      %dma_wait3A_95 = tpu.memref_slice %arg3[%mul3A_0, %dma_wait3A_93, %dma_wait3A_94] : memref<672x4x128xi32, #tpu.memory_space<hbm>> -> memref<1x4x128xi32, #tpu.memory_space<hbm>>
      %dma_wait3A_96 = tpu.memref_squeeze %dma_wait3A_95 : memref<1x4x128xi32, #tpu.memory_space<hbm>> -> memref<4x128xi32, #tpu.memory_space<hbm>>
      tpu.wait_dma2 semaphore(%arg13 : memref<!tpu.dma_semaphore, #tpu.memory_space<semaphore_mem>>) src(%dma_wait3A_96 : memref<4x128xi32, #tpu.memory_space<hbm>>) dst(%arg6 : memref<4x128xi32, #tpu.memory_space<vmem>>)
    } else {
    }
    %barrier3A_17 = arith.constant 0 : index
    tpu.barrier barrier_id(%barrier3A_17)
    %eq3A_18 = arith.constant 0 : i32
    %eq3A_19 = arith.cmpi eq, %arg0, %eq3A_18 : i32
    %convert_element_type3A_20 = arith.extui %eq3A_19 : i1 to i32
    %cond3A_21 = arith.constant 0 : i32
    %cond3A_22 = arith.cmpi ne, %convert_element_type3A_20, %cond3A_21 : i32
    scf.if %cond3A_22 {
      %mul3A_28 = arith.constant 624 : i32
      %mul3A_29 = arith.muli %arg1, %mul3A_28 : i32
      %mul3A_30 = arith.constant 624 : i32
      %mul3A_31 = arith.muli %arg1, %mul3A_30 : i32
      %run_scoped3A = arith.constant 0 : i32
      "tpu.region"() ({
        %run_scoped3A_38 = tpu.sem_alloc : memref<!tpu.dma_semaphore, #tpu.memory_space<semaphore_mem>>
        %dma_start3A = arith.constant 0 : i32
        %dma_start3A_39 = arith.constant 0 : i32
        %dma_start3A_40 = tpu.memref_slice %arg4[%run_scoped3A, %dma_start3A, %dma_start3A_39] : memref<2x10000x128xf32, #tpu.memory_space<hbm>> -> memref<1x10000x128xf32, #tpu.memory_space<hbm>>
        %dma_start3A_41 = tpu.memref_squeeze %dma_start3A_40 : memref<1x10000x128xf32, #tpu.memory_space<hbm>> -> memref<10000x128xf32, #tpu.memory_space<hbm>>
        %dma_start3A_42 = arith.constant 0 : i32
        %dma_start3A_43 = tpu.memref_slice %dma_start3A_41[%mul3A_31, %dma_start3A_42] : memref<10000x128xf32, #tpu.memory_space<hbm>> -> memref<624x128xf32, #tpu.memory_space<hbm>>
        %dma_start3A_44 = arith.constant 0 : i32
        %dma_start3A_45 = tpu.memref_slice %arg9[%mul3A_29, %dma_start3A_44] : memref<10240x128xf32, #tpu.memory_space<vmem_shared>> -> memref<624x128xf32, #tpu.memory_space<vmem_shared>>
        tpu.enqueue_dma source(%dma_start3A_45 : memref<624x128xf32, #tpu.memory_space<vmem_shared>>) target(%dma_start3A_43 : memref<624x128xf32, #tpu.memory_space<hbm>>) target_semaphore(%run_scoped3A_38 : memref<!tpu.dma_semaphore, #tpu.memory_space<semaphore_mem>>)
        %dma_wait3A = arith.constant 0 : i32
        %dma_wait3A_46 = arith.constant 0 : i32
        %dma_wait3A_47 = tpu.memref_slice %arg4[%run_scoped3A, %dma_wait3A, %dma_wait3A_46] : memref<2x10000x128xf32, #tpu.memory_space<hbm>> -> memref<1x10000x128xf32, #tpu.memory_space<hbm>>
        %dma_wait3A_48 = tpu.memref_squeeze %dma_wait3A_47 : memref<1x10000x128xf32, #tpu.memory_space<hbm>> -> memref<10000x128xf32, #tpu.memory_space<hbm>>
        %dma_wait3A_49 = arith.constant 0 : i32
        %dma_wait3A_50 = tpu.memref_slice %dma_wait3A_48[%mul3A_31, %dma_wait3A_49] : memref<10000x128xf32, #tpu.memory_space<hbm>> -> memref<624x128xf32, #tpu.memory_space<hbm>>
        %dma_wait3A_51 = arith.constant 0 : i32
        %dma_wait3A_52 = tpu.memref_slice %arg9[%mul3A_29, %dma_wait3A_51] : memref<10240x128xf32, #tpu.memory_space<vmem_shared>> -> memref<624x128xf32, #tpu.memory_space<vmem_shared>>
        tpu.wait_dma2 semaphore(%run_scoped3A_38 : memref<!tpu.dma_semaphore, #tpu.memory_space<semaphore_mem>>) src(%dma_wait3A_52 : memref<624x128xf32, #tpu.memory_space<vmem_shared>>) dst(%dma_wait3A_50 : memref<624x128xf32, #tpu.memory_space<hbm>>)
        tpu.yield
      }) : () -> ()
      %eq3A_32 = arith.constant 15 : i32
      %eq3A_33 = arith.cmpi eq, %arg1, %eq3A_32 : i32
      %convert_element_type3A_34 = arith.extui %eq3A_33 : i1 to i32
      %cond3A_35 = arith.constant 0 : i32
      %cond3A_36 = arith.constant 0 : i32
      %cond3A_37 = arith.cmpi ne, %convert_element_type3A_34, %cond3A_36 : i32
      scf.if %cond3A_37 {
        "tpu.region"() ({
          %run_scoped3A_38 = tpu.sem_alloc : memref<!tpu.dma_semaphore, #tpu.memory_space<semaphore_mem>>
          %dma_start3A = arith.constant 0 : i32
          %dma_start3A_39 = arith.constant 0 : i32
          %dma_start3A_40 = tpu.memref_slice %arg4[%cond3A_35, %dma_start3A, %dma_start3A_39] : memref<2x10000x128xf32, #tpu.memory_space<hbm>> -> memref<1x10000x128xf32, #tpu.memory_space<hbm>>
          %dma_start3A_41 = tpu.memref_squeeze %dma_start3A_40 : memref<1x10000x128xf32, #tpu.memory_space<hbm>> -> memref<10000x128xf32, #tpu.memory_space<hbm>>
          %dma_start3A_42 = arith.constant 9984 : i32
          %dma_start3A_43 = arith.constant 0 : i32
          %dma_start3A_44 = tpu.memref_slice %dma_start3A_41[%dma_start3A_42, %dma_start3A_43] : memref<10000x128xf32, #tpu.memory_space<hbm>> -> memref<16x128xf32, #tpu.memory_space<hbm>>
          %dma_start3A_45 = arith.constant 9984 : i32
          %dma_start3A_46 = arith.constant 0 : i32
          %dma_start3A_47 = tpu.memref_slice %arg9[%dma_start3A_45, %dma_start3A_46] : memref<10240x128xf32, #tpu.memory_space<vmem_shared>> -> memref<16x128xf32, #tpu.memory_space<vmem_shared>>
          tpu.enqueue_dma source(%dma_start3A_47 : memref<16x128xf32, #tpu.memory_space<vmem_shared>>) target(%dma_start3A_44 : memref<16x128xf32, #tpu.memory_space<hbm>>) target_semaphore(%run_scoped3A_38 : memref<!tpu.dma_semaphore, #tpu.memory_space<semaphore_mem>>)
          %dma_wait3A = arith.constant 0 : i32
          %dma_wait3A_48 = arith.constant 0 : i32
          %dma_wait3A_49 = tpu.memref_slice %arg4[%cond3A_35, %dma_wait3A, %dma_wait3A_48] : memref<2x10000x128xf32, #tpu.memory_space<hbm>> -> memref<1x10000x128xf32, #tpu.memory_space<hbm>>
          %dma_wait3A_50 = tpu.memref_squeeze %dma_wait3A_49 : memref<1x10000x128xf32, #tpu.memory_space<hbm>> -> memref<10000x128xf32, #tpu.memory_space<hbm>>
          %dma_wait3A_51 = arith.constant 9984 : i32
          %dma_wait3A_52 = arith.constant 0 : i32
          %dma_wait3A_53 = tpu.memref_slice %dma_wait3A_50[%dma_wait3A_51, %dma_wait3A_52] : memref<10000x128xf32, #tpu.memory_space<hbm>> -> memref<16x128xf32, #tpu.memory_space<hbm>>
          %dma_wait3A_54 = arith.constant 9984 : i32
          %dma_wait3A_55 = arith.constant 0 : i32
          %dma_wait3A_56 = tpu.memref_slice %arg9[%dma_wait3A_54, %dma_wait3A_55] : memref<10240x128xf32, #tpu.memory_space<vmem_shared>> -> memref<16x128xf32, #tpu.memory_space<vmem_shared>>
          tpu.wait_dma2 semaphore(%run_scoped3A_38 : memref<!tpu.dma_semaphore, #tpu.memory_space<semaphore_mem>>) src(%dma_wait3A_56 : memref<16x128xf32, #tpu.memory_space<vmem_shared>>) dst(%dma_wait3A_53 : memref<16x128xf32, #tpu.memory_space<hbm>>)
          tpu.yield
        }) : () -> ()
      } else {
      }
    } else {
    }
    %eq3A_23 = arith.constant 1 : i32
    %eq3A_24 = arith.cmpi eq, %arg0, %eq3A_23 : i32
    %convert_element_type3A_25 = arith.extui %eq3A_24 : i1 to i32
    %cond3A_26 = arith.constant 0 : i32
    %cond3A_27 = arith.cmpi ne, %convert_element_type3A_25, %cond3A_26 : i32
    scf.if %cond3A_27 {
      %mul3A_28 = arith.constant 624 : i32
      %mul3A_29 = arith.muli %arg1, %mul3A_28 : i32
      %mul3A_30 = arith.constant 624 : i32
      %mul3A_31 = arith.muli %arg1, %mul3A_30 : i32
      %run_scoped3A = arith.constant 1 : i32
      "tpu.region"() ({
        %run_scoped3A_38 = tpu.sem_alloc : memref<!tpu.dma_semaphore, #tpu.memory_space<semaphore_mem>>
        %dma_start3A = arith.constant 0 : i32
        %dma_start3A_39 = arith.constant 0 : i32
        %dma_start3A_40 = tpu.memref_slice %arg4[%run_scoped3A, %dma_start3A, %dma_start3A_39] : memref<2x10000x128xf32, #tpu.memory_space<hbm>> -> memref<1x10000x128xf32, #tpu.memory_space<hbm>>
        %dma_start3A_41 = tpu.memref_squeeze %dma_start3A_40 : memref<1x10000x128xf32, #tpu.memory_space<hbm>> -> memref<10000x128xf32, #tpu.memory_space<hbm>>
        %dma_start3A_42 = arith.constant 0 : i32
        %dma_start3A_43 = tpu.memref_slice %dma_start3A_41[%mul3A_31, %dma_start3A_42] : memref<10000x128xf32, #tpu.memory_space<hbm>> -> memref<624x128xf32, #tpu.memory_space<hbm>>
        %dma_start3A_44 = arith.constant 0 : i32
        %dma_start3A_45 = tpu.memref_slice %arg9[%mul3A_29, %dma_start3A_44] : memref<10240x128xf32, #tpu.memory_space<vmem_shared>> -> memref<624x128xf32, #tpu.memory_space<vmem_shared>>
        tpu.enqueue_dma source(%dma_start3A_45 : memref<624x128xf32, #tpu.memory_space<vmem_shared>>) target(%dma_start3A_43 : memref<624x128xf32, #tpu.memory_space<hbm>>) target_semaphore(%run_scoped3A_38 : memref<!tpu.dma_semaphore, #tpu.memory_space<semaphore_mem>>)
        %dma_wait3A = arith.constant 0 : i32
        %dma_wait3A_46 = arith.constant 0 : i32
        %dma_wait3A_47 = tpu.memref_slice %arg4[%run_scoped3A, %dma_wait3A, %dma_wait3A_46] : memref<2x10000x128xf32, #tpu.memory_space<hbm>> -> memref<1x10000x128xf32, #tpu.memory_space<hbm>>
        %dma_wait3A_48 = tpu.memref_squeeze %dma_wait3A_47 : memref<1x10000x128xf32, #tpu.memory_space<hbm>> -> memref<10000x128xf32, #tpu.memory_space<hbm>>
        %dma_wait3A_49 = arith.constant 0 : i32
        %dma_wait3A_50 = tpu.memref_slice %dma_wait3A_48[%mul3A_31, %dma_wait3A_49] : memref<10000x128xf32, #tpu.memory_space<hbm>> -> memref<624x128xf32, #tpu.memory_space<hbm>>
        %dma_wait3A_51 = arith.constant 0 : i32
        %dma_wait3A_52 = tpu.memref_slice %arg9[%mul3A_29, %dma_wait3A_51] : memref<10240x128xf32, #tpu.memory_space<vmem_shared>> -> memref<624x128xf32, #tpu.memory_space<vmem_shared>>
        tpu.wait_dma2 semaphore(%run_scoped3A_38 : memref<!tpu.dma_semaphore, #tpu.memory_space<semaphore_mem>>) src(%dma_wait3A_52 : memref<624x128xf32, #tpu.memory_space<vmem_shared>>) dst(%dma_wait3A_50 : memref<624x128xf32, #tpu.memory_space<hbm>>)
        tpu.yield
      }) : () -> ()
      %eq3A_32 = arith.constant 15 : i32
      %eq3A_33 = arith.cmpi eq, %arg1, %eq3A_32 : i32
      %convert_element_type3A_34 = arith.extui %eq3A_33 : i1 to i32
      %cond3A_35 = arith.constant 1 : i32
      %cond3A_36 = arith.constant 0 : i32
      %cond3A_37 = arith.cmpi ne, %convert_element_type3A_34, %cond3A_36 : i32
      scf.if %cond3A_37 {
        "tpu.region"() ({
          %run_scoped3A_38 = tpu.sem_alloc : memref<!tpu.dma_semaphore, #tpu.memory_space<semaphore_mem>>
          %dma_start3A = arith.constant 0 : i32
          %dma_start3A_39 = arith.constant 0 : i32
          %dma_start3A_40 = tpu.memref_slice %arg4[%cond3A_35, %dma_start3A, %dma_start3A_39] : memref<2x10000x128xf32, #tpu.memory_space<hbm>> -> memref<1x10000x128xf32, #tpu.memory_space<hbm>>
          %dma_start3A_41 = tpu.memref_squeeze %dma_start3A_40 : memref<1x10000x128xf32, #tpu.memory_space<hbm>> -> memref<10000x128xf32, #tpu.memory_space<hbm>>
          %dma_start3A_42 = arith.constant 9984 : i32
          %dma_start3A_43 = arith.constant 0 : i32
          %dma_start3A_44 = tpu.memref_slice %dma_start3A_41[%dma_start3A_42, %dma_start3A_43] : memref<10000x128xf32, #tpu.memory_space<hbm>> -> memref<16x128xf32, #tpu.memory_space<hbm>>
          %dma_start3A_45 = arith.constant 9984 : i32
          %dma_start3A_46 = arith.constant 0 : i32
          %dma_start3A_47 = tpu.memref_slice %arg9[%dma_start3A_45, %dma_start3A_46] : memref<10240x128xf32, #tpu.memory_space<vmem_shared>> -> memref<16x128xf32, #tpu.memory_space<vmem_shared>>
          tpu.enqueue_dma source(%dma_start3A_47 : memref<16x128xf32, #tpu.memory_space<vmem_shared>>) target(%dma_start3A_44 : memref<16x128xf32, #tpu.memory_space<hbm>>) target_semaphore(%run_scoped3A_38 : memref<!tpu.dma_semaphore, #tpu.memory_space<semaphore_mem>>)
          %dma_wait3A = arith.constant 0 : i32
          %dma_wait3A_48 = arith.constant 0 : i32
          %dma_wait3A_49 = tpu.memref_slice %arg4[%cond3A_35, %dma_wait3A, %dma_wait3A_48] : memref<2x10000x128xf32, #tpu.memory_space<hbm>> -> memref<1x10000x128xf32, #tpu.memory_space<hbm>>
          %dma_wait3A_50 = tpu.memref_squeeze %dma_wait3A_49 : memref<1x10000x128xf32, #tpu.memory_space<hbm>> -> memref<10000x128xf32, #tpu.memory_space<hbm>>
          %dma_wait3A_51 = arith.constant 9984 : i32
          %dma_wait3A_52 = arith.constant 0 : i32
          %dma_wait3A_53 = tpu.memref_slice %dma_wait3A_50[%dma_wait3A_51, %dma_wait3A_52] : memref<10000x128xf32, #tpu.memory_space<hbm>> -> memref<16x128xf32, #tpu.memory_space<hbm>>
          %dma_wait3A_54 = arith.constant 9984 : i32
          %dma_wait3A_55 = arith.constant 0 : i32
          %dma_wait3A_56 = tpu.memref_slice %arg9[%dma_wait3A_54, %dma_wait3A_55] : memref<10240x128xf32, #tpu.memory_space<vmem_shared>> -> memref<16x128xf32, #tpu.memory_space<vmem_shared>>
          tpu.wait_dma2 semaphore(%run_scoped3A_38 : memref<!tpu.dma_semaphore, #tpu.memory_space<semaphore_mem>>) src(%dma_wait3A_56 : memref<16x128xf32, #tpu.memory_space<vmem_shared>>) dst(%dma_wait3A_53 : memref<16x128xf32, #tpu.memory_space<hbm>>)
          tpu.yield
        }) : () -> ()
      } else {
      }
    } else {
    }
    return
  }
}

module attributes {stable_mosaic.version = 14 : i64} {
  func.func @body(%arg0: memref<2x80x128xf32, #tpu.memory_space<vmem>>, %arg1: memref<80x128xf32, #tpu.memory_space<vmem>>) attributes {dimension_semantics = [], scalar_prefetch = 0 : i64, scratch_operands = 0 : i64, tpu.core_type = #tpu.core_type<tc>} {
    %get3A = arith.constant 0 : index
    %get3A_0 = arith.constant 0 : index
    %get3A_1 = arith.constant 0 : index
    %get3A_2 = vector.load %arg0[%get3A, %get3A_0, %get3A_1] : memref<2x80x128xf32, #tpu.memory_space<vmem>>, vector<1x80x128xf32>
    %get3A_3 = vector.shape_cast %get3A_2 : vector<1x80x128xf32> to vector<80x128xf32>
    %get3A_4 = arith.constant 1 : index
    %get3A_5 = arith.constant 0 : index
    %get3A_6 = arith.constant 0 : index
    %get3A_7 = vector.load %arg0[%get3A_4, %get3A_5, %get3A_6] : memref<2x80x128xf32, #tpu.memory_space<vmem>>, vector<1x80x128xf32>
    %get3A_8 = vector.shape_cast %get3A_7 : vector<1x80x128xf32> to vector<80x128xf32>
    %add3A = arith.addf %get3A_3, %get3A_8 : vector<80x128xf32>
    %add3A_9 = arith.constant 1.000000e+00 : f32
    %add3A_10 = vector.broadcast %add3A_9 : f32 to vector<80x128xf32>
    %add3A_11 = arith.addf %add3A, %add3A_10 : vector<80x128xf32>
    %rsqrt3A = math.rsqrt %add3A_11 : vector<80x128xf32>
    %swap3A = arith.constant 0 : index
    %swap3A_12 = arith.constant 0 : index
    %swap3A_13 = vector.load %arg1[%swap3A, %swap3A_12] : memref<80x128xf32, #tpu.memory_space<vmem>>, vector<80x128xf32>
    tpu.vector_store %arg1[%swap3A, %swap3A_12], %rsqrt3A {strides = array<i32>} : memref<80x128xf32, #tpu.memory_space<vmem>>, vector<80x128xf32>,
    return
  }
}

module attributes {stable_mosaic.version = 14 : i64} {
  func.func @body(%arg0: i32, %arg1: memref<1000x256xf32, #tpu.memory_space<vmem>>, %arg2: memref<256x256xf32, #tpu.memory_space<vmem>>, %arg3: memref<1x256xf32, #tpu.memory_space<vmem>>, %arg4: memref<256x256xf32, #tpu.memory_space<vmem>>, %arg5: memref<1000x1xf32, #tpu.memory_space<vmem>>, %arg6: memref<2x1000x128xf32, #tpu.memory_space<vmem>>) attributes {dimension_semantics = [#tpu.dimension_semantics<arbitrary>], iteration_bounds = array<i64: 10>, scalar_prefetch = 0 : i64, scratch_operands = 0 : i64, tpu.core_type = #tpu.core_type<tc>, window_params = [{transform_indices = @transform_0, window_bounds = array<i64: 1000, 256>}, {pipeline_mode = #tpu.pipeline_mode<synchronous>, transform_indices = @transform_1, window_bounds = array<i64: 256, 256>}, {pipeline_mode = #tpu.pipeline_mode<synchronous>, transform_indices = @transform_2, window_bounds = array<i64: 1, 256>}, {pipeline_mode = #tpu.pipeline_mode<synchronous>, transform_indices = @transform_3, window_bounds = array<i64: 256, 256>}, {transform_indices = @transform_4, window_bounds = array<i64: 1000, 1>}, {transform_indices = @transform_5, window_bounds = array<i64: 2, 1000, 128>}]} {
    %get3A = arith.constant 0 : index
    %get3A_0 = arith.constant 0 : index
    %get3A_1 = vector.load %arg1[%get3A, %get3A_0] : memref<1000x256xf32, #tpu.memory_space<vmem>>, vector<1000x256xf32>
    %get3A_2 = arith.constant 0 : index
    %get3A_3 = arith.constant 0 : index
    %get3A_4 = vector.load %arg2[%get3A_2, %get3A_3] : memref<256x256xf32, #tpu.memory_space<vmem>>, vector<256x256xf32>
    %dot_general3A = arith.constant dense<0.000000e+00> : vector<1000x256xf32>
    %dot_general3A_5 = tpu.matmul %get3A_1, %get3A_4, %dot_general3A {dimension_numbers = #tpu.dot_dimension_numbers<[1], [1], [0], [0], [0, 0, 1, 0], [], []>, transpose_lhs_hint = false} : vector<1000x256xf32>, vector<256x256xf32>, vector<1000x256xf32> -> vector<1000x256xf32>
    %get3A_6 = arith.constant 0 : index
    %get3A_7 = arith.constant 0 : index
    %get3A_8 = vector.load %arg3[%get3A_6, %get3A_7] : memref<1x256xf32, #tpu.memory_space<vmem>>, vector<1x256xf32>
    %add3A = vector.broadcast %get3A_8 : vector<1x256xf32> to vector<1000x256xf32>
    %add3A_9 = arith.addf %dot_general3A_5, %add3A : vector<1000x256xf32>
    %max3A = arith.constant 0.000000e+00 : f32
    %max3A_10 = vector.broadcast %max3A : f32 to vector<1000x256xf32>
    %max3A_11 = arith.maximumf %add3A_9, %max3A_10 : vector<1000x256xf32>
    %get3A_12 = arith.constant 0 : index
    %get3A_13 = arith.constant 0 : index
    %get3A_14 = vector.load %arg4[%get3A_12, %get3A_13] : memref<256x256xf32, #tpu.memory_space<vmem>>, vector<256x256xf32>
    %dot_general3A_15 = arith.constant dense<0.000000e+00> : vector<1000x256xf32>
    %dot_general3A_16 = tpu.matmul %max3A_11, %get3A_14, %dot_general3A_15 {dimension_numbers = #tpu.dot_dimension_numbers<[1], [1], [0], [0], [0, 0, 1, 0], [], []>, transpose_lhs_hint = false} : vector<1000x256xf32>, vector<256x256xf32>, vector<1000x256xf32> -> vector<1000x256xf32>
    %get3A_17 = arith.constant 0 : index
    %get3A_18 = arith.constant 0 : index
    %get3A_19 = vector.load %arg5[%get3A_17, %get3A_18] : memref<1000x1xf32, #tpu.memory_space<vmem>>, vector<1000x1xf32>
    %mul3A = vector.broadcast %get3A_19 : vector<1000x1xf32> to vector<1000x256xf32>
    %mul3A_20 = arith.mulf %dot_general3A_16, %mul3A : vector<1000x256xf32>
    %slice3A = vector.extract_strided_slice %mul3A_20 {offsets = [0, 0], sizes = [1000, 128], strides = [1, 1]} : vector<1000x256xf32> to vector<1000x128xf32>
    %swap3A = arith.constant 0 : index
    %swap3A_21 = arith.constant 0 : index
    %swap3A_22 = arith.constant 0 : index
    %swap3A_23 = vector.load %arg6[%swap3A, %swap3A_21, %swap3A_22] : memref<2x1000x128xf32, #tpu.memory_space<vmem>>, vector<1x1000x128xf32>
    %swap3A_24 = vector.shape_cast %swap3A_23 : vector<1x1000x128xf32> to vector<1000x128xf32>
    %swap3A_25 = vector.shape_cast %slice3A : vector<1000x128xf32> to vector<1x1000x128xf32>
    tpu.vector_store %arg6[%swap3A, %swap3A_21, %swap3A_22], %swap3A_25 {strides = array<i32>} : memref<2x1000x128xf32, #tpu.memory_space<vmem>>, vector<1x1000x128xf32>,
    %slice3A_26 = vector.extract_strided_slice %mul3A_20 {offsets = [0, 128], sizes = [1000, 128], strides = [1, 1]} : vector<1000x256xf32> to vector<1000x128xf32>
    %swap3A_27 = arith.constant 1 : index
    %swap3A_28 = arith.constant 0 : index
    %swap3A_29 = arith.constant 0 : index
    %swap3A_30 = vector.load %arg6[%swap3A_27, %swap3A_28, %swap3A_29] : memref<2x1000x128xf32, #tpu.memory_space<vmem>>, vector<1x1000x128xf32>
    %swap3A_31 = vector.shape_cast %swap3A_30 : vector<1x1000x128xf32> to vector<1000x128xf32>
    %swap3A_32 = vector.shape_cast %slice3A_26 : vector<1000x128xf32> to vector<1x1000x128xf32>
    tpu.vector_store %arg6[%swap3A_27, %swap3A_28, %swap3A_29], %swap3A_32 {strides = array<i32>} : memref<2x1000x128xf32, #tpu.memory_space<vmem>>, vector<1x1000x128xf32>,
    return
  }
  func.func @transform_0(%arg0: i32) -> (i32, i32) {
    %c0_i32 = arith.constant 0 : i32
    %c0_i32_0 = arith.constant 0 : i32
    return %arg0, %c0_i32 : i32, i32
  }
  func.func @transform_1(%arg0: i32) -> (i32, i32) {
    %c0_i32 = arith.constant 0 : i32
    %c0_i32_0 = arith.constant 0 : i32
    %c0_i32_1 = arith.constant 0 : i32
    return %c0_i32, %c0_i32_0 : i32, i32
  }
  func.func @transform_2(%arg0: i32) -> (i32, i32) {
    %c0_i32 = arith.constant 0 : i32
    %c0_i32_0 = arith.constant 0 : i32
    %c0_i32_1 = arith.constant 0 : i32
    return %c0_i32, %c0_i32_0 : i32, i32
  }
  func.func @transform_3(%arg0: i32) -> (i32, i32) {
    %c0_i32 = arith.constant 0 : i32
    %c0_i32_0 = arith.constant 0 : i32
    %c0_i32_1 = arith.constant 0 : i32
    return %c0_i32, %c0_i32_0 : i32, i32
  }
  func.func @transform_4(%arg0: i32) -> (i32, i32) {
    %c0_i32 = arith.constant 0 : i32
    %c0_i32_0 = arith.constant 0 : i32
    return %arg0, %c0_i32 : i32, i32
  }
  func.func @transform_5(%arg0: i32) -> (i32, i32, i32) {
    %c0_i32 = arith.constant 0 : i32
    %c0_i32_0 = arith.constant 0 : i32
    %c0_i32_1 = arith.constant 0 : i32
    return %c0_i32, %arg0, %c0_i32_0 : i32, i32, i32
  }
}

module attributes {stable_mosaic.version = 14 : i64} {
  func.func @body(%arg0: i32, %arg1: memref<2x1000x128xf32, #tpu.memory_space<vmem>>, %arg2: memref<2x1000x128xf32, #tpu.memory_space<vmem>>, %arg3: memref<1000x1xf32, #tpu.memory_space<vmem>>, %arg4: memref<2x1x128xf32, #tpu.memory_space<vmem>>, %arg5: memref<256x256xf32, #tpu.memory_space<vmem>>, %arg6: memref<2x1000x128xf32, #tpu.memory_space<vmem>>) attributes {dimension_semantics = [#tpu.dimension_semantics<arbitrary>], iteration_bounds = array<i64: 10>, scalar_prefetch = 0 : i64, scratch_operands = 0 : i64, tpu.core_type = #tpu.core_type<tc>, window_params = [{transform_indices = @transform_0, window_bounds = array<i64: 2, 1000, 128>}, {transform_indices = @transform_1, window_bounds = array<i64: 2, 1000, 128>}, {transform_indices = @transform_2, window_bounds = array<i64: 1000, 1>}, {pipeline_mode = #tpu.pipeline_mode<synchronous>, transform_indices = @transform_3, window_bounds = array<i64: 2, 1, 128>}, {pipeline_mode = #tpu.pipeline_mode<synchronous>, transform_indices = @transform_4, window_bounds = array<i64: 256, 256>}, {transform_indices = @transform_5, window_bounds = array<i64: 2, 1000, 128>}]} {
    %get3A = arith.constant 0 : index
    %get3A_0 = arith.constant 0 : index
    %get3A_1 = vector.load %arg3[%get3A, %get3A_0] : memref<1000x1xf32, #tpu.memory_space<vmem>>, vector<1000x1xf32>
    %get3A_2 = arith.constant 0 : index
    %get3A_3 = arith.constant 0 : index
    %get3A_4 = vector.load %arg5[%get3A_2, %get3A_3] : memref<256x256xf32, #tpu.memory_space<vmem>>, vector<256x256xf32>
    %get3A_5 = arith.constant 0 : index
    %get3A_6 = arith.constant 0 : index
    %get3A_7 = arith.constant 0 : index
    %get3A_8 = vector.load %arg1[%get3A_5, %get3A_6, %get3A_7] : memref<2x1000x128xf32, #tpu.memory_space<vmem>>, vector<1x1000x128xf32>
    %get3A_9 = vector.shape_cast %get3A_8 : vector<1x1000x128xf32> to vector<1000x128xf32>
    %get3A_10 = arith.constant 0 : index
    %get3A_11 = arith.constant 0 : index
    %get3A_12 = arith.constant 0 : index
    %get3A_13 = vector.load %arg2[%get3A_10, %get3A_11, %get3A_12] : memref<2x1000x128xf32, #tpu.memory_space<vmem>>, vector<1x1000x128xf32>
    %get3A_14 = vector.shape_cast %get3A_13 : vector<1x1000x128xf32> to vector<1000x128xf32>
    %add3A = arith.addf %get3A_9, %get3A_14 : vector<1000x128xf32>
    %mul3A = vector.broadcast %get3A_1 : vector<1000x1xf32> to vector<1000x128xf32>
    %mul3A_15 = arith.mulf %mul3A, %add3A : vector<1000x128xf32>
    %get3A_16 = arith.constant 0 : index
    %get3A_17 = arith.constant 0 : index
    %get3A_18 = arith.constant 0 : index
    %get3A_19 = vector.load %arg4[%get3A_16, %get3A_17, %get3A_18] : memref<2x1x128xf32, #tpu.memory_space<vmem>>, vector<1x1x128xf32>
    %get3A_20 = vector.shape_cast %get3A_19 : vector<1x1x128xf32> to vector<1x128xf32>
    %add3A_21 = vector.broadcast %get3A_20 : vector<1x128xf32> to vector<1000x128xf32>
    %add3A_22 = arith.addf %mul3A_15, %add3A_21 : vector<1000x128xf32>
    %max3A = arith.constant 0.000000e+00 : f32
    %max3A_23 = vector.broadcast %max3A : f32 to vector<1000x128xf32>
    %max3A_24 = arith.maximumf %add3A_22, %max3A_23 : vector<1000x128xf32>
    %slice3A = vector.extract_strided_slice %get3A_4 {offsets = [0, 0], sizes = [256, 128], strides = [1, 1]} : vector<256x256xf32> to vector<256x128xf32>
    %dot_general3A = arith.constant dense<0.000000e+00> : vector<1000x256xf32>
    %dot_general3A_25 = tpu.matmul %max3A_24, %slice3A, %dot_general3A {dimension_numbers = #tpu.dot_dimension_numbers<[1], [1], [0], [0], [0, 0, 1, 0], [], []>, transpose_lhs_hint = false} : vector<1000x128xf32>, vector<256x128xf32>, vector<1000x256xf32> -> vector<1000x256xf32>
    %get3A_26 = arith.constant 1 : index
    %get3A_27 = arith.constant 0 : index
    %get3A_28 = arith.constant 0 : index
    %get3A_29 = vector.load %arg1[%get3A_26, %get3A_27, %get3A_28] : memref<2x1000x128xf32, #tpu.memory_space<vmem>>, vector<1x1000x128xf32>
    %get3A_30 = vector.shape_cast %get3A_29 : vector<1x1000x128xf32> to vector<1000x128xf32>
    %get3A_31 = arith.constant 1 : index
    %get3A_32 = arith.constant 0 : index
    %get3A_33 = arith.constant 0 : index
    %get3A_34 = vector.load %arg2[%get3A_31, %get3A_32, %get3A_33] : memref<2x1000x128xf32, #tpu.memory_space<vmem>>, vector<1x1000x128xf32>
    %get3A_35 = vector.shape_cast %get3A_34 : vector<1x1000x128xf32> to vector<1000x128xf32>
    %add3A_36 = arith.addf %get3A_30, %get3A_35 : vector<1000x128xf32>
    %mul3A_37 = vector.broadcast %get3A_1 : vector<1000x1xf32> to vector<1000x128xf32>
    %mul3A_38 = arith.mulf %mul3A_37, %add3A_36 : vector<1000x128xf32>
    %get3A_39 = arith.constant 1 : index
    %get3A_40 = arith.constant 0 : index
    %get3A_41 = arith.constant 0 : index
    %get3A_42 = vector.load %arg4[%get3A_39, %get3A_40, %get3A_41] : memref<2x1x128xf32, #tpu.memory_space<vmem>>, vector<1x1x128xf32>
    %get3A_43 = vector.shape_cast %get3A_42 : vector<1x1x128xf32> to vector<1x128xf32>
    %add3A_44 = vector.broadcast %get3A_43 : vector<1x128xf32> to vector<1000x128xf32>
    %add3A_45 = arith.addf %mul3A_38, %add3A_44 : vector<1000x128xf32>
    %max3A_46 = arith.constant 0.000000e+00 : f32
    %max3A_47 = vector.broadcast %max3A_46 : f32 to vector<1000x128xf32>
    %max3A_48 = arith.maximumf %add3A_45, %max3A_47 : vector<1000x128xf32>
    %slice3A_49 = vector.extract_strided_slice %get3A_4 {offsets = [0, 128], sizes = [256, 128], strides = [1, 1]} : vector<256x256xf32> to vector<256x128xf32>
    %dot_general3A_50 = arith.constant dense<0.000000e+00> : vector<1000x256xf32>
    %dot_general3A_51 = tpu.matmul %max3A_48, %slice3A_49, %dot_general3A_50 {dimension_numbers = #tpu.dot_dimension_numbers<[1], [1], [0], [0], [0, 0, 1, 0], [], []>, transpose_lhs_hint = false} : vector<1000x128xf32>, vector<256x128xf32>, vector<1000x256xf32> -> vector<1000x256xf32>
    %add3A_52 = arith.addf %dot_general3A_25, %dot_general3A_51 : vector<1000x256xf32>
    %mul3A_53 = vector.broadcast %get3A_1 : vector<1000x1xf32> to vector<1000x256xf32>
    %mul3A_54 = arith.mulf %add3A_52, %mul3A_53 : vector<1000x256xf32>
    %slice3A_55 = vector.extract_strided_slice %mul3A_54 {offsets = [0, 0], sizes = [1000, 128], strides = [1, 1]} : vector<1000x256xf32> to vector<1000x128xf32>
    %swap3A = arith.constant 0 : index
    %swap3A_56 = arith.constant 0 : index
    %swap3A_57 = arith.constant 0 : index
    %swap3A_58 = vector.load %arg6[%swap3A, %swap3A_56, %swap3A_57] : memref<2x1000x128xf32, #tpu.memory_space<vmem>>, vector<1x1000x128xf32>
    %swap3A_59 = vector.shape_cast %swap3A_58 : vector<1x1000x128xf32> to vector<1000x128xf32>
    %swap3A_60 = vector.shape_cast %slice3A_55 : vector<1000x128xf32> to vector<1x1000x128xf32>
    tpu.vector_store %arg6[%swap3A, %swap3A_56, %swap3A_57], %swap3A_60 {strides = array<i32>} : memref<2x1000x128xf32, #tpu.memory_space<vmem>>, vector<1x1000x128xf32>,
    %slice3A_61 = vector.extract_strided_slice %mul3A_54 {offsets = [0, 128], sizes = [1000, 128], strides = [1, 1]} : vector<1000x256xf32> to vector<1000x128xf32>
    %swap3A_62 = arith.constant 1 : index
    %swap3A_63 = arith.constant 0 : index
    %swap3A_64 = arith.constant 0 : index
    %swap3A_65 = vector.load %arg6[%swap3A_62, %swap3A_63, %swap3A_64] : memref<2x1000x128xf32, #tpu.memory_space<vmem>>, vector<1x1000x128xf32>
    %swap3A_66 = vector.shape_cast %swap3A_65 : vector<1x1000x128xf32> to vector<1000x128xf32>
    %swap3A_67 = vector.shape_cast %slice3A_61 : vector<1000x128xf32> to vector<1x1000x128xf32>
    tpu.vector_store %arg6[%swap3A_62, %swap3A_63, %swap3A_64], %swap3A_67 {strides = array<i32>} : memref<2x1000x128xf32, #tpu.memory_space<vmem>>, vector<1x1000x128xf32>,
    return
  }
  func.func @transform_0(%arg0: i32) -> (i32, i32, i32) {
    %c0_i32 = arith.constant 0 : i32
    %c0_i32_0 = arith.constant 0 : i32
    %c0_i32_1 = arith.constant 0 : i32
    return %c0_i32, %arg0, %c0_i32_0 : i32, i32, i32
  }
  func.func @transform_1(%arg0: i32) -> (i32, i32, i32) {
    %c0_i32 = arith.constant 0 : i32
    %c0_i32_0 = arith.constant 0 : i32
    %c0_i32_1 = arith.constant 0 : i32
    return %c0_i32, %arg0, %c0_i32_0 : i32, i32, i32
  }
  func.func @transform_2(%arg0: i32) -> (i32, i32) {
    %c0_i32 = arith.constant 0 : i32
    %c0_i32_0 = arith.constant 0 : i32
    return %arg0, %c0_i32 : i32, i32
  }
  func.func @transform_3(%arg0: i32) -> (i32, i32, i32) {
    %c0_i32 = arith.constant 0 : i32
    %c0_i32_0 = arith.constant 0 : i32
    %c0_i32_1 = arith.constant 0 : i32
    %c0_i32_2 = arith.constant 0 : i32
    return %c0_i32, %c0_i32_0, %c0_i32_1 : i32, i32, i32
  }
  func.func @transform_4(%arg0: i32) -> (i32, i32) {
    %c0_i32 = arith.constant 0 : i32
    %c0_i32_0 = arith.constant 0 : i32
    %c0_i32_1 = arith.constant 0 : i32
    return %c0_i32, %c0_i32_0 : i32, i32
  }
  func.func @transform_5(%arg0: i32) -> (i32, i32, i32) {
    %c0_i32 = arith.constant 0 : i32
    %c0_i32_0 = arith.constant 0 : i32
    %c0_i32_1 = arith.constant 0 : i32
    return %c0_i32, %arg0, %c0_i32_0 : i32, i32, i32
  }
}

module attributes {stable_mosaic.version = 14 : i64} {
  func.func @body(%arg0: i32, %arg1: memref<2x1000x128xf32, #tpu.memory_space<vmem>>, %arg2: memref<2x1000x128xf32, #tpu.memory_space<vmem>>, %arg3: memref<1000x1xf32, #tpu.memory_space<vmem>>, %arg4: memref<2x1x128xf32, #tpu.memory_space<vmem>>, %arg5: memref<2x128x1xf32, #tpu.memory_space<vmem>>, %arg6: memref<1x1xf32, #tpu.memory_space<vmem>>, %arg7: memref<1000x1xf32, #tpu.memory_space<vmem>>) attributes {dimension_semantics = [#tpu.dimension_semantics<arbitrary>], iteration_bounds = array<i64: 10>, scalar_prefetch = 0 : i64, scratch_operands = 0 : i64, tpu.core_type = #tpu.core_type<tc>, window_params = [{transform_indices = @transform_0, window_bounds = array<i64: 2, 1000, 128>}, {transform_indices = @transform_1, window_bounds = array<i64: 2, 1000, 128>}, {transform_indices = @transform_2, window_bounds = array<i64: 1000, 1>}, {pipeline_mode = #tpu.pipeline_mode<synchronous>, transform_indices = @transform_3, window_bounds = array<i64: 2, 1, 128>}, {pipeline_mode = #tpu.pipeline_mode<synchronous>, transform_indices = @transform_4, window_bounds = array<i64: 2, 128, 1>}, {pipeline_mode = #tpu.pipeline_mode<synchronous>, transform_indices = @transform_5, window_bounds = array<i64: 1, 1>}, {transform_indices = @transform_6, window_bounds = array<i64: 1000, 1>}]} {
    %get3A = arith.constant 0 : index
    %get3A_0 = arith.constant 0 : index
    %get3A_1 = vector.load %arg3[%get3A, %get3A_0] : memref<1000x1xf32, #tpu.memory_space<vmem>>, vector<1000x1xf32>
    %get3A_2 = arith.constant 0 : index
    %get3A_3 = arith.constant 0 : index
    %get3A_4 = arith.constant 0 : index
    %get3A_5 = vector.load %arg1[%get3A_2, %get3A_3, %get3A_4] : memref<2x1000x128xf32, #tpu.memory_space<vmem>>, vector<1x1000x128xf32>
    %get3A_6 = vector.shape_cast %get3A_5 : vector<1x1000x128xf32> to vector<1000x128xf32>
    %get3A_7 = arith.constant 0 : index
    %get3A_8 = arith.constant 0 : index
    %get3A_9 = arith.constant 0 : index
    %get3A_10 = vector.load %arg2[%get3A_7, %get3A_8, %get3A_9] : memref<2x1000x128xf32, #tpu.memory_space<vmem>>, vector<1x1000x128xf32>
    %get3A_11 = vector.shape_cast %get3A_10 : vector<1x1000x128xf32> to vector<1000x128xf32>
    %add3A = arith.addf %get3A_6, %get3A_11 : vector<1000x128xf32>
    %mul3A = vector.broadcast %get3A_1 : vector<1000x1xf32> to vector<1000x128xf32>
    %mul3A_12 = arith.mulf %mul3A, %add3A : vector<1000x128xf32>
    %get3A_13 = arith.constant 0 : index
    %get3A_14 = arith.constant 0 : index
    %get3A_15 = arith.constant 0 : index
    %get3A_16 = vector.load %arg4[%get3A_13, %get3A_14, %get3A_15] : memref<2x1x128xf32, #tpu.memory_space<vmem>>, vector<1x1x128xf32>
    %get3A_17 = vector.shape_cast %get3A_16 : vector<1x1x128xf32> to vector<1x128xf32>
    %add3A_18 = vector.broadcast %get3A_17 : vector<1x128xf32> to vector<1000x128xf32>
    %add3A_19 = arith.addf %mul3A_12, %add3A_18 : vector<1000x128xf32>
    %max3A = arith.constant 0.000000e+00 : f32
    %max3A_20 = vector.broadcast %max3A : f32 to vector<1000x128xf32>
    %max3A_21 = arith.maximumf %add3A_19, %max3A_20 : vector<1000x128xf32>
    %get3A_22 = arith.constant 0 : index
    %get3A_23 = arith.constant 0 : index
    %get3A_24 = arith.constant 0 : index
    %get3A_25 = vector.load %arg5[%get3A_22, %get3A_23, %get3A_24] : memref<2x128x1xf32, #tpu.memory_space<vmem>>, vector<1x128x1xf32>
    %get3A_26 = vector.shape_cast %get3A_25 : vector<1x128x1xf32> to vector<128x1xf32>
    %dot_general3A = arith.constant dense<0.000000e+00> : vector<1000x1xf32>
    %dot_general3A_27 = tpu.matmul %max3A_21, %get3A_26, %dot_general3A {dimension_numbers = #tpu.dot_dimension_numbers<[1], [0], [0], [1], [0, 0, 1, 1], [], []>, transpose_lhs_hint = false} : vector<1000x128xf32>, vector<128x1xf32>, vector<1000x1xf32> -> vector<1000x1xf32>
    %get3A_28 = arith.constant 1 : index
    %get3A_29 = arith.constant 0 : index
    %get3A_30 = arith.constant 0 : index
    %get3A_31 = vector.load %arg1[%get3A_28, %get3A_29, %get3A_30] : memref<2x1000x128xf32, #tpu.memory_space<vmem>>, vector<1x1000x128xf32>
    %get3A_32 = vector.shape_cast %get3A_31 : vector<1x1000x128xf32> to vector<1000x128xf32>
    %get3A_33 = arith.constant 1 : index
    %get3A_34 = arith.constant 0 : index
    %get3A_35 = arith.constant 0 : index
    %get3A_36 = vector.load %arg2[%get3A_33, %get3A_34, %get3A_35] : memref<2x1000x128xf32, #tpu.memory_space<vmem>>, vector<1x1000x128xf32>
    %get3A_37 = vector.shape_cast %get3A_36 : vector<1x1000x128xf32> to vector<1000x128xf32>
    %add3A_38 = arith.addf %get3A_32, %get3A_37 : vector<1000x128xf32>
    %mul3A_39 = vector.broadcast %get3A_1 : vector<1000x1xf32> to vector<1000x128xf32>
    %mul3A_40 = arith.mulf %mul3A_39, %add3A_38 : vector<1000x128xf32>
    %get3A_41 = arith.constant 1 : index
    %get3A_42 = arith.constant 0 : index
    %get3A_43 = arith.constant 0 : index
    %get3A_44 = vector.load %arg4[%get3A_41, %get3A_42, %get3A_43] : memref<2x1x128xf32, #tpu.memory_space<vmem>>, vector<1x1x128xf32>
    %get3A_45 = vector.shape_cast %get3A_44 : vector<1x1x128xf32> to vector<1x128xf32>
    %add3A_46 = vector.broadcast %get3A_45 : vector<1x128xf32> to vector<1000x128xf32>
    %add3A_47 = arith.addf %mul3A_40, %add3A_46 : vector<1000x128xf32>
    %max3A_48 = arith.constant 0.000000e+00 : f32
    %max3A_49 = vector.broadcast %max3A_48 : f32 to vector<1000x128xf32>
    %max3A_50 = arith.maximumf %add3A_47, %max3A_49 : vector<1000x128xf32>
    %get3A_51 = arith.constant 1 : index
    %get3A_52 = arith.constant 0 : index
    %get3A_53 = arith.constant 0 : index
    %get3A_54 = vector.load %arg5[%get3A_51, %get3A_52, %get3A_53] : memref<2x128x1xf32, #tpu.memory_space<vmem>>, vector<1x128x1xf32>
    %get3A_55 = vector.shape_cast %get3A_54 : vector<1x128x1xf32> to vector<128x1xf32>
    %dot_general3A_56 = arith.constant dense<0.000000e+00> : vector<1000x1xf32>
    %dot_general3A_57 = tpu.matmul %max3A_50, %get3A_55, %dot_general3A_56 {dimension_numbers = #tpu.dot_dimension_numbers<[1], [0], [0], [1], [0, 0, 1, 1], [], []>, transpose_lhs_hint = false} : vector<1000x128xf32>, vector<128x1xf32>, vector<1000x1xf32> -> vector<1000x1xf32>
    %add3A_58 = arith.addf %dot_general3A_27, %dot_general3A_57 : vector<1000x1xf32>
    %get3A_59 = arith.constant 0 : index
    %get3A_60 = arith.constant 0 : index
    %get3A_61 = vector.load %arg6[%get3A_59, %get3A_60] : memref<1x1xf32, #tpu.memory_space<vmem>>, vector<1x1xf32>
    %get3A_62 = vector.extract %get3A_61[0, 0] : f32 from vector<1x1xf32>
    %add3A_63 = vector.broadcast %get3A_62 : f32 to vector<1000x1xf32>
    %add3A_64 = arith.addf %add3A_58, %add3A_63 : vector<1000x1xf32>
    %swap3A = arith.constant 0 : index
    %swap3A_65 = arith.constant 0 : index
    %swap3A_66 = vector.load %arg7[%swap3A, %swap3A_65] : memref<1000x1xf32, #tpu.memory_space<vmem>>, vector<1000x1xf32>
    tpu.vector_store %arg7[%swap3A, %swap3A_65], %add3A_64 {strides = array<i32>} : memref<1000x1xf32, #tpu.memory_space<vmem>>, vector<1000x1xf32>,
    return
  }
  func.func @transform_0(%arg0: i32) -> (i32, i32, i32) {
    %c0_i32 = arith.constant 0 : i32
    %c0_i32_0 = arith.constant 0 : i32
    %c0_i32_1 = arith.constant 0 : i32
    return %c0_i32, %arg0, %c0_i32_0 : i32, i32, i32
  }
  func.func @transform_1(%arg0: i32) -> (i32, i32, i32) {
    %c0_i32 = arith.constant 0 : i32
    %c0_i32_0 = arith.constant 0 : i32
    %c0_i32_1 = arith.constant 0 : i32
    return %c0_i32, %arg0, %c0_i32_0 : i32, i32, i32
  }
  func.func @transform_2(%arg0: i32) -> (i32, i32) {
    %c0_i32 = arith.constant 0 : i32
    %c0_i32_0 = arith.constant 0 : i32
    return %arg0, %c0_i32 : i32, i32
  }
  func.func @transform_3(%arg0: i32) -> (i32, i32, i32) {
    %c0_i32 = arith.constant 0 : i32
    %c0_i32_0 = arith.constant 0 : i32
    %c0_i32_1 = arith.constant 0 : i32
    %c0_i32_2 = arith.constant 0 : i32
    return %c0_i32, %c0_i32_0, %c0_i32_1 : i32, i32, i32
  }
  func.func @transform_4(%arg0: i32) -> (i32, i32, i32) {
    %c0_i32 = arith.constant 0 : i32
    %c0_i32_0 = arith.constant 0 : i32
    %c0_i32_1 = arith.constant 0 : i32
    %c0_i32_2 = arith.constant 0 : i32
    return %c0_i32, %c0_i32_0, %c0_i32_1 : i32, i32, i32
  }
  func.func @transform_5(%arg0: i32) -> (i32, i32) {
    %c0_i32 = arith.constant 0 : i32
    %c0_i32_0 = arith.constant 0 : i32
    %c0_i32_1 = arith.constant 0 : i32
    return %c0_i32, %c0_i32_0 : i32, i32
  }
  func.func @transform_6(%arg0: i32) -> (i32, i32) {
    %c0_i32 = arith.constant 0 : i32
    %c0_i32_0 = arith.constant 0 : i32
    return %arg0, %c0_i32 : i32, i32
  }
}

</mosaic_0001>

<sc_bundles>
// kernel: kernel.12.cloned.1.call-start
scs
__scs_entry_jumppad:
0x0: {  	(pc) =	sbr.rel $0x88, $3  }
0x1: {  	(tag) =	ssettag $0x0;
	lr =	simm.s32 $0x1  }
0x2: {  	[smem:$0x3F97] =	sst lr;
	_ =	strace $0xD0000000  }
0x3: {  	_ = 	snop  }
0x4: {  	_ = 	snop  }
0x5: {  	_ = 	snop  }
0x6: {  	_ = 	snop  }
0x7: {  	_ = 	snop  }
__scs_overlays_trampoline_lowered:
0x8: {  	[smem:$0x3FA6] =	sst s0  }
0x9: {  	[smem:$0x3FA7] =	sst s1  }
0xa: {  	[smem:$0x3FA8] =	sst s2  }
0xb: {  	[smem:$0x3FA9] =	sst s3  }
0xc: {  	[smem:$0x3FAA] =	sst s4  }
0xd: {  	[smem:$0x3FAB] =	sst s5  }
0xe: {  	[smem:$0x3FAC] =	sst s6  }
0xf: {  	[smem:$0x3FAD] =	sst s7  }
0x10: {  	[smem:$0x3FAE] =	sst s8  }
0x11: {  	[smem:$0x3FAF] =	sst s9;
	s0 =	simm.s32 @!p0 $0x0  }
0x12: {  	s1 =	sld [smem:$0x3F95];
	s0 =	simm.s32 @p0 $0x1  }
0x13: {  	[smem:$0x3FB0] =	sst s0;
	s0 =	simm.s32 @!p1 $0x0  }
0x14: {  	s2 =	sld [smem:$0x3F94];
	s0 =	simm.s32 @p1 $0x1  }
0x15: {  	[smem:$0x3FB1] =	sst s0;
	s0 =	simm.s32 @!p2 $0x0  }
0x16: {  	s3 =	sld [smem:$0x3FDB];
	s0 =	simm.s32 @p2 $0x1  }
0x17: {  	s4 =	simm.s32 $0x1BF5;
	[smem:$0x3FB3] =	sst s0  }
0x18: {  	s0 =	sld [smem:$0x3F96];
	_ =	swait.ge [sflag:s4], $0x0  }
0x19: {  	s7 =	sld [smem:$0x3F97]  }
0x1a: {  	s8 =	sadd.s32 $0xFFFFE003, lr  }
0x1b: {  	s9 =	sadd.s32 $0xFFFFFEF7, lr;
	s5 =	simm.s32 $0xFFFFFFFF;
	p2 =	slt.u32 s8, $0xFFFFF086  }
0x1c: {  	p1 =	slt.u32 s9, $0xF7A;
	s5 =	simm.s32 @!p2 $0x0  }
0x1d: {  	s5 =	simm.s32 @p1 $0x1;
	p0 =	seq.s32 s7, s2  }
0x1e: {  	s7 =	smul.u32 @!p0 $0xF7A, s2;
	p2 =	seq.s32 @!p0 s5, $0x0  }
0x1f: {  	s9 =	smul.u32 $0xF7A, s1;
	s8 =	simm.s32 @!p0 $0x1BF5;
	p2 =	por !p2, p0  }
0x20: {  	[sflag:s8] =	ssyncset.s32 @!p0 $0xFFFFF086;
	s6 =	sadd.s32 @!p0 s3, s7;
	s7 =	simm.s32 @!p0 $0x108  }
0x21: {  	s3 =	sadd.s32 s3, s9;
	s6 =	sadd.s32 @!p0 $0x88, s6;
	s7 =	simm.s32 @p2 $0x1082  }
0x22: {  	[simem:s7], [sflag:s8] =	dma.local @!p0 [hbm:s6], $0xF7A  }
0x23: {  	s9 =	sor.u32 $0xD0000000, s2;
	s6 =	simm.s32 $0x108;
	_ =	swait.ge @!p0 [sflag:s8], $0x0  }
0x24: {  	s3 =	sadd.s32 $0x88, s3;
	s6 =	simm.s32 @!p1 $0x1082;
	[sflag:s4] =	ssyncset.s32 $0xFFFFF086  }
0x25: {  	[simem:s6], [sflag:s4] =	dma.local [hbm:s3], $0xF7A  }
0x26: {  	[smem:$0x3F97] =	sst s1;
	(tag) =	ssettag s2;
	_ =	strace s9  }
0x27: {  	s1 =	sld [smem:$0x3FA7]  }
0x28: {  	s2 =	sld [smem:$0x3FA8]  }
0x29: {  	s4 =	sld [smem:$0x3FAA]  }
0x2a: {  	p0 =	seq.s32 s5, $0x0;
	s5 =	sld [smem:$0x3FAB]  }
0x2b: {  	s6 =	sld [smem:$0x3FAC]  }
0x2c: {  	s7 =	sld [smem:$0x3FAD]  }
0x2d: {  	s3 =	simm.s32 $0x108;
	s8 =	sld [smem:$0x3FAE]  }
0x2e: {  	s3 =	simm.s32 @!p0 $0x1082;
	s9 =	sld [smem:$0x3FAF]  }
0x2f: {  	lr =	sadd.s32 s0, s3;
	s0 =	sld [smem:$0x3FA6]  }
0x30: {  	s3 =	sld [smem:$0x3FA9]  }
0x31: {  	[smem:$0x3FB2] =	sst s10  }
0x32: {  	s10 =	sld [smem:$0x3FB0];
	_ =	sdelay $0x3  }
0x33: {  	p0 =	seq.s32 s10, $0x1;
	s10 =	sld [smem:$0x3FB2];
	_ =	sdelay $0x3  }
0x34: {  	[smem:$0x3FB2] =	sst s10  }
0x35: {  	s10 =	sld [smem:$0x3FB1];
	_ =	sdelay $0x3  }
0x36: {  	p1 =	seq.s32 s10, $0x1;
	s10 =	sld [smem:$0x3FB2];
	_ =	sdelay $0x3  }
0x37: {  	[smem:$0x3FB2] =	sst s10  }
0x38: {  	s10 =	sld [smem:$0x3FB3]  }
0x39: {  	_ = 	snop;
	(pc) =	sbr.ind lr, $3  }
0x3a: {  	_ = 	snop  }
0x3b: {  	_ = 	snop  }
0x3c: {  	p2 =	seq.s32 s10, $0x1;
	s10 =	sld [smem:$0x3FB2]  }
0x3d: {  	_ =	shalt  }
0x3e: {  	_ =	shalt  }
0x3f: {  	_ =	shalt  }
0x40: {  	_ =	shalt  }
0x41: {  	_ =	shalt  }
0x42: {  	_ =	shalt  }
0x43: {  	_ =	shalt  }
0x44: {  	_ =	shalt  }
0x45: {  	_ =	shalt  }
0x46: {  	_ =	shalt  }
0x47: {  	_ =	shalt  }
0x48: {  	_ =	shalt  }
0x49: {  	_ =	shalt  }
0x4a: {  	_ =	shalt  }
0x4b: {  	_ =	shalt  }
0x4c: {  	_ =	shalt  }
0x4d: {  	_ =	shalt  }
0x4e: {  	_ =	shalt  }
0x4f: {  	_ =	shalt  }
0x50: {  	_ =	shalt  }
0x51: {  	_ =	shalt  }
0x52: {  	_ =	shalt  }
0x53: {  	_ =	shalt  }
0x54: {  	_ =	shalt  }
0x55: {  	_ =	shalt  }
0x56: {  	_ =	shalt  }
0x57: {  	_ =	shalt  }
0x58: {  	_ =	shalt  }
0x59: {  	_ =	shalt  }
0x5a: {  	_ =	shalt  }
0x5b: {  	_ =	shalt  }
0x5c: {  	_ =	shalt  }
0x5d: {  	_ =	shalt  }
0x5e: {  	_ =	shalt  }
0x5f: {  	_ =	shalt  }
0x60: {  	_ =	shalt  }
0x61: {  	_ =	shalt  }
0x62: {  	_ =	shalt  }
0x63: {  	_ =	shalt  }
0x64: {  	_ =	shalt  }
0x65: {  	_ =	shalt  }
0x66: {  	_ =	shalt  }
0x67: {  	_ =	shalt  }
0x68: {  	_ =	shalt  }
0x69: {  	_ =	shalt  }
0x6a: {  	_ =	shalt  }
0x6b: {  	_ =	shalt  }
0x6c: {  	_ =	shalt  }
0x6d: {  	_ =	shalt  }
0x6e: {  	_ =	shalt  }
0x6f: {  	_ =	shalt  }
0x70: {  	_ =	shalt  }
0x71: {  	_ =	shalt  }
0x72: {  	_ =	shalt  }
0x73: {  	_ =	shalt  }
0x74: {  	_ =	shalt  }
0x75: {  	_ =	shalt  }
0x76: {  	_ =	shalt  }
0x77: {  	_ =	shalt  }
0x78: {  	_ =	shalt  }
0x79: {  	_ =	shalt  }
0x7a: {  	_ =	shalt  }
0x7b: {  	_ =	shalt  }
0x7c: {  	_ =	shalt  }
0x7d: {  	_ =	shalt  }
0x7e: {  	_ =	shalt  }
0x7f: {  	_ =	shalt  }
0x80: {  	_ =	shalt  }
0x81: {  	_ =	shalt  }
0x82: {  	_ =	shalt  }
0x83: {  	_ =	shalt  }
0x84: {  	_ =	shalt  }
0x85: {  	_ =	shalt  }
0x86: {  	_ =	shalt  }
0x87: {  	_ =	shalt  }
.Lfunc_end0:
.L_simem_size_0:
called_computation.1_lowered:
.L_overlay_start_0:
0x88: {  	s2 =	sld [smem:$0x3FD9]  }
0x89: {  	s3 =	sld [smem:$0x3FFE];
	_ =	sdelay $0x1  }
0x8a: {  	s1 =	srdreg.scid  }
0x8b: {  	s0 =	sand.u32 $0x1, s1  }
0x8c: {  	s16 =	sshll.u32 s0, $0xA;
	s2 =	sadd.s32 s3, s2  }
0x8d: {  	s2 =	sadd.s32 s2, s16  }
0x8e: {  	[smem:$0x3FBE] =	sst s2  }
0x8f: {  	_ = 	snop  }
0x90: {  	(tm) =	ssettm $0x1  }
0x91: {  	s17 =	sld [smem:$0x3FFB];
	_ =	sdelay $0x3  }
0x92: {  	_ =	strace s17  }
0x93: {  	s2 =	sld [smem:$0x3FFC];
	_ =	sdelay $0x3  }
0x94: {  	_ =	strace s2  }
0x95: {  	s2 =	sld [smem:$0x3FFD];
	_ =	sdelay $0x3  }
0x96: {  	_ =	strace s2  }
0x97: {  	_ =	strace $0x8FFFFFFF  }
0x98: {  	s18 =	sld [smem:$0x3FDB];
	_ =	sdelay $0x1  }
0x99: {  	s19 =	simm.s32 $_scs_section_size  }
0x9a: {  	s4 =	simm.s32 $_size__tile_overlayer_lowered;
	s5 =	simm.s32 $_tile_overlayer_lowered  }
0x9b: {  	s22 =	simm.s32 $0x1BFF;
	s21 =	sshll.u32 s5, $0x1;
	s2 =	sadd.s32 s19, s18  }
0x9c: {  	s6 =	simm.s32 $0x0;
	s20 =	sshll.u32 s4, $0x1;
	s4 =	sadd.s32 s21, s2  }
0x9d: {  	[timem:s6], [sflag:s22] =	dma.local [hbm:s4], s20  }
0x9e: {  	_ =	swait.ge [sflag:s22], s20  }
0x9f: {  	s3 =	ssub.s32 $0x0, s20;
	[sflag:s22] =	ssyncset.done $0x0  }
0xa0: {  	[sflag:s22] =	ssyncadd.s32 s3;
	_ =	sdelay $0x1  }
0xa1: {  	s23 =	simm.s32 $0x1B8B  }
0xa2: {  	_ =	swait.ge [sflag:s23], $0x1  }
0xa3: {  	[sflag:s23] =	ssyncset.done $0x0  }
0xa4: {  	s25 =	simm.s32 $0x1B8E;
	s24 =	sld [smem:$0x3FFE];
	[sflag:s23] =	ssyncadd.s32 $0xFFFFFFFF  }
0xa5: {  	s26 =	simm.s32 $execute0_lowered;
	[smem:$0x3FD2] =	sst s25  }
0xa6: {  	s4 =	sshll.u32 s26, $0x1;
	_ =	strace $0x80000049;
	[dreg:$0x1] =	wrdreg $0xFFFFFFFF  }
0xa7: {  	s28 =	simm.s32 $_size_execute0_lowered;
	s2 =	sadd.s32 s2, s4;
	[dreg:$0x0] =	wrdreg $0x0  }
0xa8: {  	s4 =	sshll.u32 s28, $0x1;
	[dreg:$0x2] =	wrdreg s2  }
0xa9: {  	[dreg:$0x3] =	wrdreg s4  }
0xaa: {  	[dreg:$0x4] =	wrdreg $0xC0  }
0xab: {  	_ =	task [dreg:s6], $0x5FFFF  }
0xac: {  	[dreg:$0x1] =	wrdreg $0xFFFFFFFF  }
0xad: {  	[dreg:$0x0] =	wrdreg $0x60  }
0xae: {  	[dreg:$0x2] =	wrdreg s24  }
0xaf: {  	[dreg:$0x3] =	wrdreg $0x84000  }
0xb0: {  	[dreg:$0x4] =	wrdreg $0x9  }
0xb1: {  	_ =	task.clear_ibuf [dreg:s6], $0x5FFFF;
	_ =	strace $0x90000049  }
0xb2: {  	s29 =	simm.s32 $0x9;
	_ =	strace $0x8000004B  }
0xb3: {  	_ =	swait.ge [sflag:s29], $0x1  }
0xb4: {  	[sflag:s29] =	ssyncadd.s32 $0xFFFFFFFF  }
0xb5: {  	_ =	strace $0x9000004B  }
0xb6: {  	_ =	sfence  }
0xb7: {  	s30 =	sld [smem:$0x0];
	_ =	sdelay $0x2  }
0xb8: {  	s31 =	sshll.u32 s1, $0xD;
	s1 =	sshrl.u32 s1, $0x2  }
0xb9: {  	s3 =	sand.u32 $0x4000, s31;
	s1 =	sadd.s32 s1, s30  }
0xba: {  	s0 =	sor.u32 s3, s0;
	s1 =	sshll.u32 s1, $0x11  }
0xbb: {  	s0 =	sor.u32 s1, s0  }
0xbc: {  	s0 =	sadd.s32 $0x8F2B, s0  }
0xbd: {  	[sflag:s0] =	ssyncadd.remote.s32 $0x1  }
0xbe: {  	_ =	sfence.sel $0xFFFF  }
0xbf: {  	[dreg:$0x0] =	wrdreg $0xFFFFFFFF;
	(pc) =	sbr.abs _section_cstart, $3  }
0xc0: {  	[dreg:$0x1] =	wrdreg $0xFFFFFFFF  }
0xc1: {  	_ =	task.clear_ibuf [dreg:s6], $0x2FFFF;
	_ =	strace $0x9FFFFFFF  }
0xc2: {  	(tm) =	ssettm $0x7FFFFFFF  }
0xc3: {  	_ =	shalt  }
tec
execute0_lowered:
.L_overlay_start_1:
0x0: {  	(tag) =	ssettag $0x1  }
0x1: {  	s0 =	rddreg [dreg:$0x0]  }
0x2: {  	s2 =	rddreg [dreg:$0x1]  }
0x3: {  	s3 =	simm.s32 $0x0;
	s12 =	stileid.u32;
	s1 =	srdreg.scid  }
0x4: {  	s19 =	simm.s32 $0x400;
	s20 =	simm.s32 $0x7;
	s21 =	simm.s32 $0x200  }
0x5: {  	s22 =	simm.s32 $0x80;
	s23 =	simm.s32 $0x4400;
	s28 =	simm.s32 $0x2  }
0x6: {  	s29 =	simm.s32 $0x180;
	s30 =	simm.s32 $0x4;
	s5 =	smul.u32 $0xA80, s12  }
0x7: {  	s31 =	simm.s32 $0x5;
	[smem:$0x7FF] =	sst s3;
	s7 =	smul.u32 $0x50000, s12  }
0x8: {  	s1 =	sand.u32 $0x1, s1;
	s4 =	sadd.s32 $0x12200, s0;
	s10 =	smul.u32 $0x4E000, s12  }
0x9: {  	s13 =	sadd.s32 $0x60400, s0;
	s9 =	sadd.s32 $0x39300, s0;
	s26 =	smul.u32 $0x2700, s12  }
0xa: {  	s11 =	sadd.s32 $0x87500, s0;
	s14 =	sadd.s32 $0x138000, s2;
	p1 =	seq.s32 s12, $0xF  }
0xb: {  	p2 =	sne.s32 s12, $0xF;
	_ =	strace $0x8000004A;
	s6 =	ssub.s32 $0x2, s1  }
0xc: {  	[dreg:$0x3] =	wrdreg s13;
	p0 =	sne.s32 s1, $0x0;
	s1 =	simm.s32 $0x0  }
0xd: {  	s5 =	sadd.s32 s5, s0;
	s8 =	sshrl.u32 s6, $0x1;
	s24 =	sshrl.u32 s7, $0x2  }
0xe: {  	s25 =	sshrl.u32 s10, $0x2;
	[dreg:$0x5] =	wrdreg s26;
	s0 =	sshrl.u32 s14, $0x3  }
0xf: {  	s10 =	simm.s32 $0x3;
	s8 =	ssub.s32 s6, s8;
	s6 =	sadd.s32 s24, s2  }
0x10: {  	s7 =	sadd.s32 $0x7A00, s5;
	s5 =	sadd.s32 $0x7A40, s5;
	[dreg:$0x9] =	wrdreg s0  }
0x11: {  	s24 =	simm.s32 $0x1;
	s0 =	simm.s32 $0x6;
	[dreg:$0x4] =	wrdreg s5  }
.Ltmp0:
0x12: {  	s5 =	sadd.s32 s25, s2;
	s25 =	sadd.s32 s13, s26;
	(pc) =	sbr.rel .LBB2_1-.Ltmp0, $4  }
0x13: {  	s26 =	smax.u32 s8, $0x1;
	s15 =	sadd.s32 $0x4000, s6;
	[dreg:$0x6] =	wrdreg s5  }
0x14: {  	s16 =	sadd.s32 $0x8000, s6;
	s17 =	sadd.s32 $0xC000, s6;
	[dreg:$0x7] =	wrdreg s25  }
0x15: {  	s18 =	sadd.s32 $0x10000, s6;
	s13 =	simm.s32 $0x280;
	[dreg:$0x8] =	wrdreg s26  }
0x16: {  	v0 =	vimm.f32 $0.0e+00;
	s26 =	simm.s32 $0x100;
	s25 =	simm.s32 $0x300;
	s5 =	simm.s32 $0x380  }
.LBB2_10:
0x17: {  	s12 =	sadd.s32 $0x27000, s12;
	s14 =	rddreg [dreg:$0x9]  }
0x18: {  	[hbm:s12], [sflag:s8] =	dma.local [spmem:s14], $0x100  }
0x19: {  	_ =	swait.ge [sflag:s20], $0x100  }
0x1a: {  	[sflag:s20] =	ssyncset.done $0x0  }
0x1b: {  	[sflag:s20] =	ssyncadd.s32 $0xFFFFFF00  }
.LBB2_11:
0x1c: {  	s1 =	sadd.s32 $0x1, s1;
	s8 =	rddreg [dreg:$0x8]  }
0x1d: {  	p3 =	sne.s32 s1, s8  }
.Ltmp1:
0x1e: {  	_ = 	snop;
	(pc) =	sbr.rel @!p3 .LBB2_12-.Ltmp1, $1  }
0x1f: {  	_ =	sdelay $0x3  }
.LBB2_1:
0x20: {  	s8 =	simm.s32 $0x0;
	s12 =	simm.s32 $0x200  }
.LBB2_2:
0x21: {  	p3 =	sne.s32 s12, $0xFE00;
	[tilespmem:s8+$0x470] =	vst v0  }
0x22: {  	[tilespmem:s8+$0x400] =	vst v0  }
0x23: {  	[tilespmem:s8+$0x410] =	vst v0  }
.Ltmp2:
0x24: {  	[tilespmem:s8+$0x420] =	vst v0;
	(pc) =	sbr.rel @p3 .LBB2_2-.Ltmp2, $4  }
0x25: {  	[tilespmem:s8+$0x430] =	vst v0  }
0x26: {  	[tilespmem:s8+$0x440] =	vst v0  }
0x27: {  	[tilespmem:s8+$0x450] =	vst v0  }
0x28: {  	[tilespmem:s8+$0x460] =	vst v0;
	s8 =	sshra.s32 s12, $0x2;
	s12 =	sadd.s32 $0x200, s12  }
0x29: {  	[tilespmem:s8+$0x470] =	vst v0  }
0x2a: {  	[tilespmem:s8+$0x400] =	vst v0  }
0x2b: {  	[tilespmem:s8+$0x410] =	vst v0  }
0x2c: {  	[tilespmem:s8+$0x420] =	vst v0  }
0x2d: {  	[tilespmem:s8+$0x430] =	vst v0  }
0x2e: {  	[tilespmem:s8+$0x440] =	vst v0  }
0x2f: {  	[tilespmem:s8+$0x450] =	vst v0  }
0x30: {  	[tilespmem:s8+$0x460] =	vst v0  }
0x31: {  	[spmem:s6] =	stream.linear.scatter [tilespmem:s19], [sflag:$0x7], $0x4000, $0x38;
	[tilespmem:$0x1C400] =	vst v63  }
0x32: {  	_ =	swait.ge [sflag:s20], $0x4000  }
0x33: {  	[sflag:s20] =	ssyncset.done $0x0  }
0x34: {  	[sflag:s20] =	ssyncadd.s32 $0xFFFFC000  }
0x35: {  	[spmem:s15] =	stream.linear.scatter [tilespmem:s19], [sflag:$0x7], $0x4000, $0x38;
	[tilespmem:$0x1C400] =	vst v63  }
0x36: {  	_ =	swait.ge [sflag:s20], $0x4000  }
0x37: {  	[sflag:s20] =	ssyncset.done $0x0  }
0x38: {  	[sflag:s20] =	ssyncadd.s32 $0xFFFFC000  }
0x39: {  	[spmem:s16] =	stream.linear.scatter [tilespmem:s19], [sflag:$0x7], $0x4000, $0x38;
	[tilespmem:$0x1C400] =	vst v63  }
0x3a: {  	_ =	swait.ge [sflag:s20], $0x4000  }
0x3b: {  	[sflag:s20] =	ssyncset.done $0x0  }
0x3c: {  	[sflag:s20] =	ssyncadd.s32 $0xFFFFC000  }
0x3d: {  	[spmem:s17] =	stream.linear.scatter [tilespmem:s19], [sflag:$0x7], $0x4000, $0x38;
	[tilespmem:$0x1C400] =	vst v63  }
0x3e: {  	_ =	swait.ge [sflag:s20], $0x4000  }
0x3f: {  	[sflag:s20] =	ssyncset.done $0x0  }
0x40: {  	[sflag:s20] =	ssyncadd.s32 $0xFFFFC000  }
0x41: {  	[spmem:s18] =	stream.linear.scatter [tilespmem:s19], [sflag:$0x7], $0x4000, $0x38;
	[tilespmem:$0x1C400] =	vst v63  }
0x42: {  	_ =	swait.ge [sflag:s20], $0x4000  }
0x43: {  	[sflag:s20] =	ssyncset.done $0x0  }
0x44: {  	[sflag:s20] =	ssyncadd.s32 $0xFFFFC000  }
0x45: {  	[bflag:$0x0] =	sbarrier.arrive $0xFFFF  }
0x46: {  	[tilespmem:s3], [sflag:$0x7] =	stream.linear.gather [hbm4b:s7+s3], $0x200, $0x38;
	[tilespmem:$0x1C400] =	vst v63  }
.Ltmp3:
0x47: {  	_ = 	snop;
	(pc) =	sbr.rel @p0 .LBB2_7-.Ltmp3, $4  }
0x48: {  	_ =	swait.ge [sflag:s20], $0x200  }
0x49: {  	[sflag:s20] =	ssyncset.done $0x0  }
0x4a: {  	s14 =	rddreg [dreg:$0x4];
	[sflag:s20] =	ssyncadd.s32 $0xFFFFFE00  }
0x4b: {  	[tilespmem:s21], [sflag:$0x4] =	stream.linear.gather [hbm4b:s14+s3], $0x200, $0x38;
	[tilespmem:$0x1C400] =	vst v63  }
0x4c: {  	[tilespmem:s19], [sflag:$0x1] =	stream.indirect.gather [hbm4b:s4+s22], $0x80, s3, s22, $0xb8;
	[tilespmem:$0x1C400] =	vst v63  }
0x4d: {  	_ = 	snop  }
0x4e: {  	[tilespmem:s23], [sflag:$0x2] =	stream.indirect.gather [hbm4b:s4+s22], $0x80, s22, s22, $0xb8;
	[tilespmem:$0x1C400] =	vst v63  }
0x4f: {  	_ =	swait.ge [sflag:s24], $0x4000  }
0x50: {  	[sflag:s24] =	ssyncset.done $0x0  }
0x51: {  	[sflag:s24] =	ssyncadd.s32 $0xFFFFC000  }
0x52: {  	[spmem:s2] =	stream.indirect.scatter.add.f32 [tilespmem:s19], [sflag:$0x5], $0x80, s26, s22, $0xb8;
	[tilespmem:$0x1C400] =	vst v63  }
0x53: {  	_ =	swait.ge [sflag:s28], $0x4000  }
0x54: {  	[sflag:s28] =	ssyncset.done $0x0  }
0x55: {  	[sflag:s28] =	ssyncadd.s32 $0xFFFFC000  }
0x56: {  	[spmem:s2] =	stream.indirect.scatter.add.f32 [tilespmem:s23], [sflag:$0x6], $0x80, s29, s22, $0xb8;
	[tilespmem:$0x1C400] =	vst v63  }
0x57: {  	_ =	swait.ge [sflag:s30], $0x200  }
0x58: {  	[sflag:s30] =	ssyncset.done $0x0  }
0x59: {  	[sflag:s30] =	ssyncadd.s32 $0xFFFFFE00  }
0x5a: {  	_ =	swait.ge [sflag:s31], $0x4000  }
0x5b: {  	[sflag:s31] =	ssyncset.done $0x0  }
0x5c: {  	[sflag:s31] =	ssyncadd.s32 $0xFFFFC000  }
0x5d: {  	[tilespmem:s19], [sflag:$0x1] =	stream.indirect.gather [hbm4b:s4+s22], $0x80, s21, s22, $0xb8;
	[tilespmem:$0x1C400] =	vst v63  }
0x5e: {  	_ =	swait.ge [sflag:s0], $0x4000  }
0x5f: {  	[sflag:s0] =	ssyncset.done $0x0  }
0x60: {  	s12 =	sadd.s32 $0xFFFFF600, s7;
	[sflag:s0] =	ssyncadd.s32 $0xFFFFC000  }
0x61: {  	[tilespmem:s23], [sflag:$0x2] =	stream.indirect.gather [hbm4b:s4+s22], $0x80, s13, s22, $0xb8;
	[tilespmem:$0x1C400] =	vst v63  }
0x62: {  	s8 =	sadd.s32 $0xA80, s12  }
0x63: {  	[tilespmem:s3], [sflag:$0x3] =	stream.linear.gather [hbm4b:s8+s3], $0x200, $0x38;
	[tilespmem:$0x1C400] =	vst v63  }
0x64: {  	_ =	swait.ge [sflag:s24], $0x4000  }
0x65: {  	[sflag:s24] =	ssyncset.done $0x0  }
0x66: {  	[sflag:s24] =	ssyncadd.s32 $0xFFFFC000  }
0x67: {  	[spmem:s2] =	stream.indirect.scatter.add.f32 [tilespmem:s19], [sflag:$0x5], $0x80, s25, s22, $0xb8;
	[tilespmem:$0x1C400] =	vst v63  }
0x68: {  	_ =	swait.ge [sflag:s28], $0x4000  }
0x69: {  	[sflag:s28] =	ssyncset.done $0x0  }
0x6a: {  	[sflag:s28] =	ssyncadd.s32 $0xFFFFC000  }
0x6b: {  	[spmem:s2] =	stream.indirect.scatter.add.f32 [tilespmem:s23], [sflag:$0x6], $0x80, s5, s22, $0xb8;
	[tilespmem:$0x1C400] =	vst v63  }
0x6c: {  	_ =	swait.ge [sflag:s10], $0x200  }
0x6d: {  	[sflag:s10] =	ssyncset.done $0x0  }
0x6e: {  	[sflag:s10] =	ssyncadd.s32 $0xFFFFFE00  }
0x6f: {  	_ =	swait.ge [sflag:s31], $0x4000  }
0x70: {  	[sflag:s31] =	ssyncset.done $0x0  }
0x71: {  	[sflag:s31] =	ssyncadd.s32 $0xFFFFC000  }
0x72: {  	[tilespmem:s19], [sflag:$0x1] =	stream.indirect.gather [hbm4b:s4+s22], $0x80, s3, s22, $0xb8;
	[tilespmem:$0x1C400] =	vst v63  }
0x73: {  	_ =	swait.ge [sflag:s0], $0x4000  }
0x74: {  	[sflag:s0] =	ssyncset.done $0x0  }
0x75: {  	s12 =	sadd.s32 $0xAC0, s12;
	s8 =	simm.s32 $0xFFFFF680;
	[sflag:s0] =	ssyncadd.s32 $0xFFFFC000  }
0x76: {  	[tilespmem:s23], [sflag:$0x2] =	stream.indirect.gather [hbm4b:s4+s22], $0x80, s22, s22, $0xb8;
	[tilespmem:$0x1C400] =	vst v63  }
.LBB2_5:
0x77: {  	[tilespmem:s21], [sflag:$0x4] =	stream.linear.gather [hbm4b:s12+s3], $0x200, $0x38;
	[tilespmem:$0x1C400] =	vst v63  }
0x78: {  	s12 =	smov.u32 s8  }
0x79: {  	p3 =	sne.s32 s8, $0xFFFFFF80;
	s8 =	sadd.s32 $0x80, s8;
	_ =	swait.ge [sflag:s24], $0x4000  }
0x7a: {  	[sflag:s24] =	ssyncset.done $0x0  }
0x7b: {  	[sflag:s24] =	ssyncadd.s32 $0xFFFFC000  }
0x7c: {  	[spmem:s2] =	stream.indirect.scatter.add.f32 [tilespmem:s19], [sflag:$0x5], $0x80, s26, s22, $0xb8;
	[tilespmem:$0x1C400] =	vst v63  }
0x7d: {  	_ =	swait.ge [sflag:s28], $0x4000  }
0x7e: {  	[sflag:s28] =	ssyncset.done $0x0  }
0x7f: {  	[sflag:s28] =	ssyncadd.s32 $0xFFFFC000  }
0x80: {  	[spmem:s2] =	stream.indirect.scatter.add.f32 [tilespmem:s23], [sflag:$0x6], $0x80, s29, s22, $0xb8;
	[tilespmem:$0x1C400] =	vst v63  }
0x81: {  	_ =	swait.ge [sflag:s30], $0x200  }
0x82: {  	[sflag:s30] =	ssyncset.done $0x0  }
0x83: {  	[sflag:s30] =	ssyncadd.s32 $0xFFFFFE00  }
0x84: {  	_ =	swait.ge [sflag:s31], $0x4000  }
0x85: {  	[sflag:s31] =	ssyncset.done $0x0  }
0x86: {  	[sflag:s31] =	ssyncadd.s32 $0xFFFFC000  }
0x87: {  	[tilespmem:s19], [sflag:$0x1] =	stream.indirect.gather [hbm4b:s4+s22], $0x80, s21, s22, $0xb8;
	[tilespmem:$0x1C400] =	vst v63  }
0x88: {  	_ =	swait.ge [sflag:s0], $0x4000  }
0x89: {  	[sflag:s0] =	ssyncset.done $0x0  }
0x8a: {  	s12 =	sadd.s32 s12, s7;
	[sflag:s0] =	ssyncadd.s32 $0xFFFFC000  }
0x8b: {  	[tilespmem:s23], [sflag:$0x2] =	stream.indirect.gather [hbm4b:s4+s22], $0x80, s13, s22, $0xb8;
	[tilespmem:$0x1C400] =	vst v63  }
0x8c: {  	s14 =	sadd.s32 $0xA80, s12  }
0x8d: {  	[tilespmem:s3], [sflag:$0x3] =	stream.linear.gather [hbm4b:s14+s3], $0x200, $0x38;
	[tilespmem:$0x1C400] =	vst v63  }
0x8e: {  	_ =	swait.ge [sflag:s24], $0x4000  }
0x8f: {  	[sflag:s24] =	ssyncset.done $0x0  }
0x90: {  	[sflag:s24] =	ssyncadd.s32 $0xFFFFC000  }
0x91: {  	[spmem:s2] =	stream.indirect.scatter.add.f32 [tilespmem:s19], [sflag:$0x5], $0x80, s25, s22, $0xb8;
	[tilespmem:$0x1C400] =	vst v63  }
0x92: {  	_ =	swait.ge [sflag:s28], $0x4000  }
0x93: {  	[sflag:s28] =	ssyncset.done $0x0  }
0x94: {  	[sflag:s28] =	ssyncadd.s32 $0xFFFFC000  }
0x95: {  	[spmem:s2] =	stream.indirect.scatter.add.f32 [tilespmem:s23], [sflag:$0x6], $0x80, s5, s22, $0xb8;
	[tilespmem:$0x1C400] =	vst v63  }
0x96: {  	_ =	swait.ge [sflag:s10], $0x200  }
0x97: {  	[sflag:s10] =	ssyncset.done $0x0  }
0x98: {  	[sflag:s10] =	ssyncadd.s32 $0xFFFFFE00  }
0x99: {  	_ =	swait.ge [sflag:s31], $0x4000  }
0x9a: {  	[sflag:s31] =	ssyncset.done $0x0  }
0x9b: {  	[sflag:s31] =	ssyncadd.s32 $0xFFFFC000  }
0x9c: {  	[tilespmem:s19], [sflag:$0x1] =	stream.indirect.gather [hbm4b:s4+s22], $0x80, s3, s22, $0xb8;
	[tilespmem:$0x1C400] =	vst v63  }
.Ltmp4:
0x9d: {  	_ =	swait.ge [sflag:s0], $0x4000;
	(pc) =	sbr.rel @p3 .LBB2_5-.Ltmp4, $4  }
0x9e: {  	[sflag:s0] =	ssyncset.done $0x0  }
0x9f: {  	[sflag:s0] =	ssyncadd.s32 $0xFFFFC000  }
0xa0: {  	[tilespmem:s23], [sflag:$0x2] =	stream.indirect.gather [hbm4b:s4+s22], $0x80, s22, s22, $0xb8;
	[tilespmem:$0x1C400] =	vst v63  }
0xa1: {  	s12 =	sadd.s32 $0xAC0, s12  }
0xa2: {  	[tilespmem:s21], [sflag:$0x4] =	stream.linear.gather [hbm4b:s12+s3], $0x200, $0x38;
	[tilespmem:$0x1C400] =	vst v63  }
0xa3: {  	_ =	swait.ge [sflag:s24], $0x4000  }
0xa4: {  	[sflag:s24] =	ssyncset.done $0x0  }
0xa5: {  	[sflag:s24] =	ssyncadd.s32 $0xFFFFC000  }
0xa6: {  	_ =	swait.ge [sflag:s28], $0x4000  }
0xa7: {  	[sflag:s28] =	ssyncset.done $0x0  }
0xa8: {  	[sflag:s28] =	ssyncadd.s32 $0xFFFFC000  }
0xa9: {  	_ =	swait.ge [sflag:s30], $0x200  }
0xaa: {  	[sflag:s30] =	ssyncset.done $0x0  }
0xab: {  	[sflag:s30] =	ssyncadd.s32 $0xFFFFFE00  }
0xac: {  	s8 =	stileid.u32;
	[bflag:$0x0] =	sbarrier.arrive $0xFFFF  }
0xad: {  	s8 =	sshll.u32 s8, $0x6;
	s14 =	rddreg [dreg:$0x6]  }
0xae: {  	s8 =	sor.u32 $0x1C07, s8;
	s12 =	sshrl.u32 s14, $0x3;
	s14 =	rddreg [dreg:$0x7]  }
0xaf: {  	[hbm:s14], [sflag:s8] =	dma.local [spmem:s12], $0x2700  }
.Ltmp5:
0xb0: {  	_ = 	snop;
	(pc) =	sbr.rel @p1 .LBB2_10-.Ltmp5, $4  }
.Ltmp6:
0xb1: {  	_ = 	snop;
	(pc) =	sbr.rel @!p1 .LBB2_11-.Ltmp6, $4  }
0xb2: {  	_ =	swait.ge [sflag:s20], $0x2700  }
0xb3: {  	[sflag:s20] =	ssyncset.done $0x0  }
0xb4: {  	s12 =	rddreg [dreg:$0x3];
	[sflag:s20] =	ssyncadd.s32 $0xFFFFD900  }
0xb5: {  	_ = 	snop  }
.LBB2_7:
0xb6: {  	[tilespmem:s19], [sflag:$0x1] =	stream.indirect.gather [hbm4b:s9+s22], $0x80, s3, s22, $0xb8;
	[tilespmem:$0x1C400] =	vst v63  }
0xb7: {  	_ = 	snop  }
0xb8: {  	[tilespmem:s23], [sflag:$0x2] =	stream.indirect.gather [hbm4b:s9+s22], $0x80, s22, s22, $0xb8;
	[tilespmem:$0x1C400] =	vst v63  }
0xb9: {  	_ =	swait.ge [sflag:s24], $0x4000  }
0xba: {  	[sflag:s24] =	ssyncset.done $0x0  }
0xbb: {  	[sflag:s24] =	ssyncadd.s32 $0xFFFFC000  }
0xbc: {  	[spmem:s2] =	stream.indirect.scatter.add.f32 [tilespmem:s19], [sflag:$0x5], $0x80, s26, s22, $0xb8;
	[tilespmem:$0x1C400] =	vst v63  }
0xbd: {  	_ =	swait.ge [sflag:s28], $0x4000  }
0xbe: {  	[sflag:s28] =	ssyncset.done $0x0  }
0xbf: {  	[sflag:s28] =	ssyncadd.s32 $0xFFFFC000  }
0xc0: {  	[spmem:s2] =	stream.indirect.scatter.add.f32 [tilespmem:s23], [sflag:$0x6], $0x80, s29, s22, $0xb8;
	[tilespmem:$0x1C400] =	vst v63  }
0xc1: {  	_ =	swait.ge [sflag:s30], $0x200  }
0xc2: {  	[sflag:s30] =	ssyncset.done $0x0  }
0xc3: {  	[sflag:s30] =	ssyncadd.s32 $0xFFFFFE00  }
0xc4: {  	_ =	swait.ge [sflag:s31], $0x4000  }
0xc5: {  	[sflag:s31] =	ssyncset.done $0x0  }
0xc6: {  	[sflag:s31] =	ssyncadd.s32 $0xFFFFC000  }
0xc7: {  	[tilespmem:s19], [sflag:$0x1] =	stream.indirect.gather [hbm4b:s9+s22], $0x80, s21, s22, $0xb8;
	[tilespmem:$0x1C400] =	vst v63  }
0xc8: {  	_ =	swait.ge [sflag:s0], $0x4000  }
0xc9: {  	[sflag:s0] =	ssyncset.done $0x0  }
0xca: {  	s12 =	sadd.s32 $0xFFFFF600, s7;
	[sflag:s0] =	ssyncadd.s32 $0xFFFFC000  }
0xcb: {  	[tilespmem:s23], [sflag:$0x2] =	stream.indirect.gather [hbm4b:s9+s22], $0x80, s13, s22, $0xb8;
	[tilespmem:$0x1C400] =	vst v63  }
0xcc: {  	s8 =	sadd.s32 $0xA80, s12  }
0xcd: {  	[tilespmem:s3], [sflag:$0x3] =	stream.linear.gather [hbm4b:s8+s3], $0x200, $0x38;
	[tilespmem:$0x1C400] =	vst v63  }
0xce: {  	_ =	swait.ge [sflag:s24], $0x4000  }
0xcf: {  	[sflag:s24] =	ssyncset.done $0x0  }
0xd0: {  	[sflag:s24] =	ssyncadd.s32 $0xFFFFC000  }
0xd1: {  	[spmem:s2] =	stream.indirect.scatter.add.f32 [tilespmem:s19], [sflag:$0x5], $0x80, s25, s22, $0xb8;
	[tilespmem:$0x1C400] =	vst v63  }
0xd2: {  	_ =	swait.ge [sflag:s28], $0x4000  }
0xd3: {  	[sflag:s28] =	ssyncset.done $0x0  }
0xd4: {  	[sflag:s28] =	ssyncadd.s32 $0xFFFFC000  }
0xd5: {  	[spmem:s2] =	stream.indirect.scatter.add.f32 [tilespmem:s23], [sflag:$0x6], $0x80, s5, s22, $0xb8;
	[tilespmem:$0x1C400] =	vst v63  }
0xd6: {  	_ =	swait.ge [sflag:s10], $0x200  }
0xd7: {  	[sflag:s10] =	ssyncset.done $0x0  }
0xd8: {  	[sflag:s10] =	ssyncadd.s32 $0xFFFFFE00  }
0xd9: {  	_ =	swait.ge [sflag:s31], $0x4000  }
0xda: {  	[sflag:s31] =	ssyncset.done $0x0  }
0xdb: {  	[sflag:s31] =	ssyncadd.s32 $0xFFFFC000  }
0xdc: {  	[tilespmem:s19], [sflag:$0x1] =	stream.indirect.gather [hbm4b:s9+s22], $0x80, s3, s22, $0xb8;
	[tilespmem:$0x1C400] =	vst v63  }
0xdd: {  	_ =	swait.ge [sflag:s0], $0x4000  }
0xde: {  	[sflag:s0] =	ssyncset.done $0x0  }
0xdf: {  	s12 =	sadd.s32 $0xAC0, s12;
	s8 =	simm.s32 $0xFFFFF680;
	[sflag:s0] =	ssyncadd.s32 $0xFFFFC000  }
0xe0: {  	[tilespmem:s23], [sflag:$0x2] =	stream.indirect.gather [hbm4b:s9+s22], $0x80, s22, s22, $0xb8;
	[tilespmem:$0x1C400] =	vst v63  }
.LBB2_8:
0xe1: {  	[tilespmem:s21], [sflag:$0x4] =	stream.linear.gather [hbm4b:s12+s3], $0x200, $0x38;
	[tilespmem:$0x1C400] =	vst v63  }
0xe2: {  	s12 =	smov.u32 s8  }
0xe3: {  	p3 =	sne.s32 s8, $0xFFFFFF80;
	s8 =	sadd.s32 $0x80, s8;
	_ =	swait.ge [sflag:s24], $0x4000  }
0xe4: {  	[sflag:s24] =	ssyncset.done $0x0  }
0xe5: {  	[sflag:s24] =	ssyncadd.s32 $0xFFFFC000  }
0xe6: {  	[spmem:s2] =	stream.indirect.scatter.add.f32 [tilespmem:s19], [sflag:$0x5], $0x80, s26, s22, $0xb8;
	[tilespmem:$0x1C400] =	vst v63  }
0xe7: {  	_ =	swait.ge [sflag:s28], $0x4000  }
0xe8: {  	[sflag:s28] =	ssyncset.done $0x0  }
0xe9: {  	[sflag:s28] =	ssyncadd.s32 $0xFFFFC000  }
0xea: {  	[spmem:s2] =	stream.indirect.scatter.add.f32 [tilespmem:s23], [sflag:$0x6], $0x80, s29, s22, $0xb8;
	[tilespmem:$0x1C400] =	vst v63  }
0xeb: {  	_ =	swait.ge [sflag:s30], $0x200  }
0xec: {  	[sflag:s30] =	ssyncset.done $0x0  }
0xed: {  	[sflag:s30] =	ssyncadd.s32 $0xFFFFFE00  }
0xee: {  	_ =	swait.ge [sflag:s31], $0x4000  }
0xef: {  	[sflag:s31] =	ssyncset.done $0x0  }
0xf0: {  	[sflag:s31] =	ssyncadd.s32 $0xFFFFC000  }
0xf1: {  	[tilespmem:s19], [sflag:$0x1] =	stream.indirect.gather [hbm4b:s9+s22], $0x80, s21, s22, $0xb8;
	[tilespmem:$0x1C400] =	vst v63  }
0xf2: {  	_ =	swait.ge [sflag:s0], $0x4000  }
0xf3: {  	[sflag:s0] =	ssyncset.done $0x0  }
0xf4: {  	s12 =	sadd.s32 s12, s7;
	[sflag:s0] =	ssyncadd.s32 $0xFFFFC000  }
0xf5: {  	[tilespmem:s23], [sflag:$0x2] =	stream.indirect.gather [hbm4b:s9+s22], $0x80, s13, s22, $0xb8;
	[tilespmem:$0x1C400] =	vst v63  }
0xf6: {  	s14 =	sadd.s32 $0xA80, s12  }
0xf7: {  	[tilespmem:s3], [sflag:$0x3] =	stream.linear.gather [hbm4b:s14+s3], $0x200, $0x38;
	[tilespmem:$0x1C400] =	vst v63  }
0xf8: {  	_ =	swait.ge [sflag:s24], $0x4000  }
0xf9: {  	[sflag:s24] =	ssyncset.done $0x0  }
0xfa: {  	[sflag:s24] =	ssyncadd.s32 $0xFFFFC000  }
0xfb: {  	[spmem:s2] =	stream.indirect.scatter.add.f32 [tilespmem:s19], [sflag:$0x5], $0x80, s25, s22, $0xb8;
	[tilespmem:$0x1C400] =	vst v63  }
0xfc: {  	_ =	swait.ge [sflag:s28], $0x4000  }
0xfd: {  	[sflag:s28] =	ssyncset.done $0x0  }
0xfe: {  	[sflag:s28] =	ssyncadd.s32 $0xFFFFC000  }
0xff: {  	[spmem:s2] =	stream.indirect.scatter.add.f32 [tilespmem:s23], [sflag:$0x6], $0x80, s5, s22, $0xb8;
	[tilespmem:$0x1C400] =	vst v63  }
0x100: {  	_ =	swait.ge [sflag:s10], $0x200  }
0x101: {  	[sflag:s10] =	ssyncset.done $0x0  }
0x102: {  	[sflag:s10] =	ssyncadd.s32 $0xFFFFFE00  }
0x103: {  	_ =	swait.ge [sflag:s31], $0x4000  }
0x104: {  	[sflag:s31] =	ssyncset.done $0x0  }
0x105: {  	[sflag:s31] =	ssyncadd.s32 $0xFFFFC000  }
0x106: {  	[tilespmem:s19], [sflag:$0x1] =	stream.indirect.gather [hbm4b:s9+s22], $0x80, s3, s22, $0xb8;
	[tilespmem:$0x1C400] =	vst v63  }
.Ltmp7:
0x107: {  	_ =	swait.ge [sflag:s0], $0x4000;
	(pc) =	sbr.rel @p3 .LBB2_8-.Ltmp7, $4  }
0x108: {  	[sflag:s0] =	ssyncset.done $0x0  }
0x109: {  	[sflag:s0] =	ssyncadd.s32 $0xFFFFC000  }
0x10a: {  	[tilespmem:s23], [sflag:$0x2] =	stream.indirect.gather [hbm4b:s9+s22], $0x80, s22, s22, $0xb8;
	[tilespmem:$0x1C400] =	vst v63  }
0x10b: {  	s12 =	sadd.s32 $0xAC0, s12  }
0x10c: {  	[tilespmem:s21], [sflag:$0x4] =	stream.linear.gather [hbm4b:s12+s3], $0x200, $0x38;
	[tilespmem:$0x1C400] =	vst v63  }
0x10d: {  	_ =	swait.ge [sflag:s24], $0x4000  }
0x10e: {  	[sflag:s24] =	ssyncset.done $0x0  }
0x10f: {  	[sflag:s24] =	ssyncadd.s32 $0xFFFFC000  }
0x110: {  	_ =	swait.ge [sflag:s28], $0x4000  }
0x111: {  	[sflag:s28] =	ssyncset.done $0x0  }
0x112: {  	[sflag:s28] =	ssyncadd.s32 $0xFFFFC000  }
0x113: {  	_ =	swait.ge [sflag:s30], $0x200  }
0x114: {  	[sflag:s30] =	ssyncset.done $0x0  }
0x115: {  	[sflag:s30] =	ssyncadd.s32 $0xFFFFFE00  }
0x116: {  	[bflag:$0x0] =	sbarrier.arrive $0xFFFF  }
0x117: {  	s8 =	stileid.u32;
	s14 =	rddreg [dreg:$0x5]  }
0x118: {  	s8 =	sshll.u32 s8, $0x6;
	s12 =	sadd.s32 s14, s11;
	s14 =	rddreg [dreg:$0x6]  }
0x119: {  	s8 =	sor.u32 $0x1C07, s8;
	s14 =	sshrl.u32 s14, $0x3  }
0x11a: {  	[hbm:s12], [sflag:s8] =	dma.local [spmem:s14], $0x2700  }
.Ltmp8:
0x11b: {  	_ = 	snop;
	(pc) =	sbr.rel @p2 .LBB2_11-.Ltmp8, $4  }
.Ltmp9:
0x11c: {  	_ = 	snop;
	(pc) =	sbr.rel @!p2 .LBB2_10-.Ltmp9, $4  }
0x11d: {  	_ =	swait.ge [sflag:s20], $0x2700  }
0x11e: {  	[sflag:s20] =	ssyncset.done $0x0  }
0x11f: {  	s12 =	smov.u32 s11;
	[sflag:s20] =	ssyncadd.s32 $0xFFFFD900  }
0x120: {  	_ = 	snop  }
.LBB2_12:
0x121: {  	_ =	sfence.sel $0x180000  }
0x122: {  	[bflag:$0x0] =	sbarrier.arrive $0xFFFF  }
0x123: {  	_ =	strace $0x9000004A  }
0x124: {  	s0 =	stileid.u32;
	[bflag:$0x2] =	sbarrier.arrive $0xFFFF  }
0x125: {  	p0 =	sne.s32 s0, $0x0;
	s0 =	rddreg [dreg:$0x2]  }
0x126: {  	s0 =	sadd.s32 @!p0 $0x100000, s0  }
0x127: {  	[sflag:s0] =	ssyncadd.tile.s32 @!p0 $0x1;
	_ =	shalt  }
.Lfunc_end2:
_tile_overlayer_lowered:
.L_overlay_start_2:
0x128: {  	(tag) =	ssettag $0x2  }
0x129: {  	s0 =	rddreg [dreg:$0x0];
	s2 =	stileid.u32  }
0x12a: {  	s1 =	rddreg [dreg:$0x1];
	p0 =	sne.s32 s2, $0x0  }
0x12b: {  	s3 =	rddreg [dreg:$0x2];
	[bflag:$0x3] =	sbarrier.arrive $0xFFFF;
	s2 =	simm.s32 @!p0 $0x1C07  }
0x12c: {  	[timem:s3], [sflag:s2] =	dma.local @!p0 [hbm:s0], s1  }
0x12d: {  	s0 =	simm.s32 @!p0 $0x7  }
0x12e: {  	_ =	swait.ge @!p0 [sflag:s0], s1  }
0x12f: {  	s1 =	ssub.s32 @!p0 $0x0, s1;
	[sflag:s0] =	ssyncset.done @!p0 $0x0  }
0x130: {  	[sflag:s0] =	ssyncadd.s32 @!p0 s1  }
0x131: {  	[bflag:$0x3] =	sbarrier.arrive $0xFFFF  }
0x132: {  	_ =	shalt  }

// kernel: kernel.15.cloned.1.call-start
scs
__scs_entry_jumppad:
0x0: {  	(pc) =	sbr.rel $0x88, $3  }
0x1: {  	(tag) =	ssettag $0x0;
	lr =	simm.s32 $0x1  }
0x2: {  	[smem:$0x3F97] =	sst lr;
	_ =	strace $0xD0000000  }
0x3: {  	_ = 	snop  }
0x4: {  	_ = 	snop  }
0x5: {  	_ = 	snop  }
0x6: {  	_ = 	snop  }
0x7: {  	_ = 	snop  }
__scs_overlays_trampoline_lowered:
0x8: {  	[smem:$0x3FA6] =	sst s0  }
0x9: {  	[smem:$0x3FA7] =	sst s1  }
0xa: {  	[smem:$0x3FA8] =	sst s2  }
0xb: {  	[smem:$0x3FA9] =	sst s3  }
0xc: {  	[smem:$0x3FAA] =	sst s4  }
0xd: {  	[smem:$0x3FAB] =	sst s5  }
0xe: {  	[smem:$0x3FAC] =	sst s6  }
0xf: {  	[smem:$0x3FAD] =	sst s7  }
0x10: {  	[smem:$0x3FAE] =	sst s8  }
0x11: {  	[smem:$0x3FAF] =	sst s9;
	s0 =	simm.s32 @!p0 $0x0  }
0x12: {  	s1 =	sld [smem:$0x3F95];
	s0 =	simm.s32 @p0 $0x1  }
0x13: {  	[smem:$0x3FB0] =	sst s0;
	s0 =	simm.s32 @!p1 $0x0  }
0x14: {  	s2 =	sld [smem:$0x3F94];
	s0 =	simm.s32 @p1 $0x1  }
0x15: {  	[smem:$0x3FB1] =	sst s0;
	s0 =	simm.s32 @!p2 $0x0  }
0x16: {  	s3 =	sld [smem:$0x3FDB];
	s0 =	simm.s32 @p2 $0x1  }
0x17: {  	s4 =	simm.s32 $0x1BF5;
	[smem:$0x3FB3] =	sst s0  }
0x18: {  	s0 =	sld [smem:$0x3F96];
	_ =	swait.ge [sflag:s4], $0x0  }
0x19: {  	s7 =	sld [smem:$0x3F97]  }
0x1a: {  	s8 =	sadd.s32 $0xFFFFE003, lr  }
0x1b: {  	s9 =	sadd.s32 $0xFFFFFEF7, lr;
	s5 =	simm.s32 $0xFFFFFFFF;
	p2 =	slt.u32 s8, $0xFFFFF086  }
0x1c: {  	p1 =	slt.u32 s9, $0xF7A;
	s5 =	simm.s32 @!p2 $0x0  }
0x1d: {  	s5 =	simm.s32 @p1 $0x1;
	p0 =	seq.s32 s7, s2  }
0x1e: {  	s7 =	smul.u32 @!p0 $0xF7A, s2;
	p2 =	seq.s32 @!p0 s5, $0x0  }
0x1f: {  	s9 =	smul.u32 $0xF7A, s1;
	s8 =	simm.s32 @!p0 $0x1BF5;
	p2 =	por !p2, p0  }
0x20: {  	[sflag:s8] =	ssyncset.s32 @!p0 $0xFFFFF086;
	s6 =	sadd.s32 @!p0 s3, s7;
	s7 =	simm.s32 @!p0 $0x108  }
0x21: {  	s3 =	sadd.s32 s3, s9;
	s6 =	sadd.s32 @!p0 $0x88, s6;
	s7 =	simm.s32 @p2 $0x1082  }
0x22: {  	[simem:s7], [sflag:s8] =	dma.local @!p0 [hbm:s6], $0xF7A  }
0x23: {  	s9 =	sor.u32 $0xD0000000, s2;
	s6 =	simm.s32 $0x108;
	_ =	swait.ge @!p0 [sflag:s8], $0x0  }
0x24: {  	s3 =	sadd.s32 $0x88, s3;
	s6 =	simm.s32 @!p1 $0x1082;
	[sflag:s4] =	ssyncset.s32 $0xFFFFF086  }
0x25: {  	[simem:s6], [sflag:s4] =	dma.local [hbm:s3], $0xF7A  }
0x26: {  	[smem:$0x3F97] =	sst s1;
	(tag) =	ssettag s2;
	_ =	strace s9  }
0x27: {  	s1 =	sld [smem:$0x3FA7]  }
0x28: {  	s2 =	sld [smem:$0x3FA8]  }
0x29: {  	s4 =	sld [smem:$0x3FAA]  }
0x2a: {  	p0 =	seq.s32 s5, $0x0;
	s5 =	sld [smem:$0x3FAB]  }
0x2b: {  	s6 =	sld [smem:$0x3FAC]  }
0x2c: {  	s7 =	sld [smem:$0x3FAD]  }
0x2d: {  	s3 =	simm.s32 $0x108;
	s8 =	sld [smem:$0x3FAE]  }
0x2e: {  	s3 =	simm.s32 @!p0 $0x1082;
	s9 =	sld [smem:$0x3FAF]  }
0x2f: {  	lr =	sadd.s32 s0, s3;
	s0 =	sld [smem:$0x3FA6]  }
0x30: {  	s3 =	sld [smem:$0x3FA9]  }
0x31: {  	[smem:$0x3FB2] =	sst s10  }
0x32: {  	s10 =	sld [smem:$0x3FB0];
	_ =	sdelay $0x3  }
0x33: {  	p0 =	seq.s32 s10, $0x1;
	s10 =	sld [smem:$0x3FB2];
	_ =	sdelay $0x3  }
0x34: {  	[smem:$0x3FB2] =	sst s10  }
0x35: {  	s10 =	sld [smem:$0x3FB1];
	_ =	sdelay $0x3  }
0x36: {  	p1 =	seq.s32 s10, $0x1;
	s10 =	sld [smem:$0x3FB2];
	_ =	sdelay $0x3  }
0x37: {  	[smem:$0x3FB2] =	sst s10  }
0x38: {  	s10 =	sld [smem:$0x3FB3]  }
0x39: {  	_ = 	snop;
	(pc) =	sbr.ind lr, $3  }
0x3a: {  	_ = 	snop  }
0x3b: {  	_ = 	snop  }
0x3c: {  	p2 =	seq.s32 s10, $0x1;
	s10 =	sld [smem:$0x3FB2]  }
0x3d: {  	_ =	shalt  }
0x3e: {  	_ =	shalt  }
0x3f: {  	_ =	shalt  }
0x40: {  	_ =	shalt  }
0x41: {  	_ =	shalt  }
0x42: {  	_ =	shalt  }
0x43: {  	_ =	shalt  }
0x44: {  	_ =	shalt  }
0x45: {  	_ =	shalt  }
0x46: {  	_ =	shalt  }
0x47: {  	_ =	shalt  }
0x48: {  	_ =	shalt  }
0x49: {  	_ =	shalt  }
0x4a: {  	_ =	shalt  }
0x4b: {  	_ =	shalt  }
0x4c: {  	_ =	shalt  }
0x4d: {  	_ =	shalt  }
0x4e: {  	_ =	shalt  }
0x4f: {  	_ =	shalt  }
0x50: {  	_ =	shalt  }
0x51: {  	_ =	shalt  }
0x52: {  	_ =	shalt  }
0x53: {  	_ =	shalt  }
0x54: {  	_ =	shalt  }
0x55: {  	_ =	shalt  }
0x56: {  	_ =	shalt  }
0x57: {  	_ =	shalt  }
0x58: {  	_ =	shalt  }
0x59: {  	_ =	shalt  }
0x5a: {  	_ =	shalt  }
0x5b: {  	_ =	shalt  }
0x5c: {  	_ =	shalt  }
0x5d: {  	_ =	shalt  }
0x5e: {  	_ =	shalt  }
0x5f: {  	_ =	shalt  }
0x60: {  	_ =	shalt  }
0x61: {  	_ =	shalt  }
0x62: {  	_ =	shalt  }
0x63: {  	_ =	shalt  }
0x64: {  	_ =	shalt  }
0x65: {  	_ =	shalt  }
0x66: {  	_ =	shalt  }
0x67: {  	_ =	shalt  }
0x68: {  	_ =	shalt  }
0x69: {  	_ =	shalt  }
0x6a: {  	_ =	shalt  }
0x6b: {  	_ =	shalt  }
0x6c: {  	_ =	shalt  }
0x6d: {  	_ =	shalt  }
0x6e: {  	_ =	shalt  }
0x6f: {  	_ =	shalt  }
0x70: {  	_ =	shalt  }
0x71: {  	_ =	shalt  }
0x72: {  	_ =	shalt  }
0x73: {  	_ =	shalt  }
0x74: {  	_ =	shalt  }
0x75: {  	_ =	shalt  }
0x76: {  	_ =	shalt  }
0x77: {  	_ =	shalt  }
0x78: {  	_ =	shalt  }
0x79: {  	_ =	shalt  }
0x7a: {  	_ =	shalt  }
0x7b: {  	_ =	shalt  }
0x7c: {  	_ =	shalt  }
0x7d: {  	_ =	shalt  }
0x7e: {  	_ =	shalt  }
0x7f: {  	_ =	shalt  }
0x80: {  	_ =	shalt  }
0x81: {  	_ =	shalt  }
0x82: {  	_ =	shalt  }
0x83: {  	_ =	shalt  }
0x84: {  	_ =	shalt  }
0x85: {  	_ =	shalt  }
0x86: {  	_ =	shalt  }
0x87: {  	_ =	shalt  }
.Lfunc_end0:
.L_simem_size_0:
called_computation.2_lowered:
.L_overlay_start_0:
0x88: {  	s2 =	sld [smem:$0x3FD9]  }
0x89: {  	s3 =	sld [smem:$0x3FFE];
	_ =	sdelay $0x1  }
0x8a: {  	s1 =	srdreg.scid  }
0x8b: {  	s0 =	sand.u32 $0x1, s1  }
0x8c: {  	s16 =	sshll.u32 s0, $0xA;
	s2 =	sadd.s32 s3, s2  }
0x8d: {  	s2 =	sadd.s32 s2, s16  }
0x8e: {  	[smem:$0x3FBE] =	sst s2  }
0x8f: {  	_ = 	snop  }
0x90: {  	(tm) =	ssettm $0x1  }
0x91: {  	s17 =	sld [smem:$0x3FFB];
	_ =	sdelay $0x3  }
0x92: {  	_ =	strace s17  }
0x93: {  	s2 =	sld [smem:$0x3FFC];
	_ =	sdelay $0x3  }
0x94: {  	_ =	strace s2  }
0x95: {  	s2 =	sld [smem:$0x3FFD];
	_ =	sdelay $0x3  }
0x96: {  	_ =	strace s2  }
0x97: {  	_ =	strace $0x8FFFFFFF  }
0x98: {  	s18 =	sld [smem:$0x3FDB];
	_ =	sdelay $0x1  }
0x99: {  	s19 =	simm.s32 $_scs_section_size  }
0x9a: {  	s4 =	simm.s32 $_size__tile_overlayer_lowered;
	s5 =	simm.s32 $_tile_overlayer_lowered  }
0x9b: {  	s22 =	simm.s32 $0x1BFF;
	s21 =	sshll.u32 s5, $0x1;
	s2 =	sadd.s32 s19, s18  }
0x9c: {  	s6 =	simm.s32 $0x0;
	s20 =	sshll.u32 s4, $0x1;
	s4 =	sadd.s32 s21, s2  }
0x9d: {  	[timem:s6], [sflag:s22] =	dma.local [hbm:s4], s20  }
0x9e: {  	_ =	swait.ge [sflag:s22], s20  }
0x9f: {  	s3 =	ssub.s32 $0x0, s20;
	[sflag:s22] =	ssyncset.done $0x0  }
0xa0: {  	[sflag:s22] =	ssyncadd.s32 s3;
	_ =	sdelay $0x1  }
0xa1: {  	s23 =	simm.s32 $0x1B8B  }
0xa2: {  	_ =	swait.ge [sflag:s23], $0x1  }
0xa3: {  	[sflag:s23] =	ssyncset.done $0x0  }
0xa4: {  	s25 =	simm.s32 $0x1B8E;
	s24 =	sld [smem:$0x3FFE];
	[sflag:s23] =	ssyncadd.s32 $0xFFFFFFFF  }
0xa5: {  	s26 =	simm.s32 $execute0_lowered;
	[smem:$0x3FD2] =	sst s25  }
0xa6: {  	s4 =	sshll.u32 s26, $0x1;
	_ =	strace $0x8000004C;
	[dreg:$0x1] =	wrdreg $0xFFFFFFFF  }
0xa7: {  	s28 =	simm.s32 $_size_execute0_lowered;
	s2 =	sadd.s32 s2, s4;
	[dreg:$0x0] =	wrdreg $0x0  }
0xa8: {  	s4 =	sshll.u32 s28, $0x1;
	[dreg:$0x2] =	wrdreg s2  }
0xa9: {  	[dreg:$0x3] =	wrdreg s4  }
0xaa: {  	[dreg:$0x4] =	wrdreg $0xC0  }
0xab: {  	_ =	task [dreg:s6], $0x5FFFF  }
0xac: {  	[dreg:$0x1] =	wrdreg $0xFFFFFFFF  }
0xad: {  	[dreg:$0x0] =	wrdreg $0x60  }
0xae: {  	[dreg:$0x2] =	wrdreg s24  }
0xaf: {  	[dreg:$0x3] =	wrdreg $0x84000  }
0xb0: {  	[dreg:$0x4] =	wrdreg $0x9  }
0xb1: {  	_ =	task.clear_ibuf [dreg:s6], $0x5FFFF;
	_ =	strace $0x9000004C  }
0xb2: {  	s29 =	simm.s32 $0x9;
	_ =	strace $0x8000004E  }
0xb3: {  	_ =	swait.ge [sflag:s29], $0x1  }
0xb4: {  	[sflag:s29] =	ssyncadd.s32 $0xFFFFFFFF  }
0xb5: {  	_ =	strace $0x9000004E  }
0xb6: {  	_ =	sfence  }
0xb7: {  	s30 =	sld [smem:$0x0];
	_ =	sdelay $0x2  }
0xb8: {  	s31 =	sshll.u32 s1, $0xD;
	s1 =	sshrl.u32 s1, $0x2  }
0xb9: {  	s3 =	sand.u32 $0x4000, s31;
	s1 =	sadd.s32 s1, s30  }
0xba: {  	s0 =	sor.u32 s3, s0;
	s1 =	sshll.u32 s1, $0x11  }
0xbb: {  	s0 =	sor.u32 s1, s0  }
0xbc: {  	s0 =	sadd.s32 $0x8F2B, s0  }
0xbd: {  	[sflag:s0] =	ssyncadd.remote.s32 $0x1  }
0xbe: {  	_ =	sfence.sel $0xFFFF  }
0xbf: {  	[dreg:$0x0] =	wrdreg $0xFFFFFFFF;
	(pc) =	sbr.abs _section_cstart, $3  }
0xc0: {  	[dreg:$0x1] =	wrdreg $0xFFFFFFFF  }
0xc1: {  	_ =	task.clear_ibuf [dreg:s6], $0x2FFFF;
	_ =	strace $0x9FFFFFFF  }
0xc2: {  	(tm) =	ssettm $0x7FFFFFFF  }
0xc3: {  	_ =	shalt  }
tec
execute0_lowered:
.L_overlay_start_1:
0x0: {  	(tag) =	ssettag $0x1  }
0x1: {  	s0 =	rddreg [dreg:$0x0]  }
0x2: {  	s2 =	rddreg [dreg:$0x1]  }
0x3: {  	s3 =	simm.s32 $0x0;
	s12 =	stileid.u32;
	s1 =	srdreg.scid  }
0x4: {  	s19 =	simm.s32 $0x400;
	s20 =	simm.s32 $0x7;
	s21 =	simm.s32 $0x200  }
0x5: {  	s22 =	simm.s32 $0x80;
	s23 =	simm.s32 $0x4400;
	s28 =	simm.s32 $0x2  }
0x6: {  	s29 =	simm.s32 $0x180;
	s30 =	simm.s32 $0x4;
	s5 =	smul.u32 $0xA80, s12  }
0x7: {  	s31 =	simm.s32 $0x5;
	[smem:$0x7FF] =	sst s3;
	s7 =	smul.u32 $0x50000, s12  }
0x8: {  	s1 =	sand.u32 $0x1, s1;
	s4 =	sadd.s32 $0x12200, s0;
	s10 =	smul.u32 $0x4E000, s12  }
0x9: {  	s13 =	sadd.s32 $0x60400, s0;
	s9 =	sadd.s32 $0x39300, s0;
	s26 =	smul.u32 $0x2700, s12  }
0xa: {  	s11 =	sadd.s32 $0x87500, s0;
	s14 =	sadd.s32 $0x138000, s2;
	p1 =	seq.s32 s12, $0xF  }
0xb: {  	p2 =	sne.s32 s12, $0xF;
	_ =	strace $0x8000004D;
	s6 =	ssub.s32 $0x2, s1  }
0xc: {  	[dreg:$0x3] =	wrdreg s13;
	p0 =	sne.s32 s1, $0x0;
	s1 =	simm.s32 $0x0  }
0xd: {  	s5 =	sadd.s32 s5, s0;
	s8 =	sshrl.u32 s6, $0x1;
	s24 =	sshrl.u32 s7, $0x2  }
0xe: {  	s25 =	sshrl.u32 s10, $0x2;
	[dreg:$0x5] =	wrdreg s26;
	s0 =	sshrl.u32 s14, $0x3  }
0xf: {  	s10 =	simm.s32 $0x3;
	s8 =	ssub.s32 s6, s8;
	s6 =	sadd.s32 s24, s2  }
0x10: {  	s7 =	sadd.s32 $0x7A00, s5;
	s5 =	sadd.s32 $0x7A40, s5;
	[dreg:$0x9] =	wrdreg s0  }
0x11: {  	s24 =	simm.s32 $0x1;
	s0 =	simm.s32 $0x6;
	[dreg:$0x4] =	wrdreg s5  }
.Ltmp0:
0x12: {  	s5 =	sadd.s32 s25, s2;
	s25 =	sadd.s32 s13, s26;
	(pc) =	sbr.rel .LBB2_1-.Ltmp0, $4  }
0x13: {  	s26 =	smax.u32 s8, $0x1;
	s15 =	sadd.s32 $0x4000, s6;
	[dreg:$0x6] =	wrdreg s5  }
0x14: {  	s16 =	sadd.s32 $0x8000, s6;
	s17 =	sadd.s32 $0xC000, s6;
	[dreg:$0x7] =	wrdreg s25  }
0x15: {  	s18 =	sadd.s32 $0x10000, s6;
	s13 =	simm.s32 $0x280;
	[dreg:$0x8] =	wrdreg s26  }
0x16: {  	v0 =	vimm.f32 $0.0e+00;
	s26 =	simm.s32 $0x100;
	s25 =	simm.s32 $0x300;
	s5 =	simm.s32 $0x380  }
.LBB2_10:
0x17: {  	s12 =	sadd.s32 $0x27000, s12;
	s14 =	rddreg [dreg:$0x9]  }
0x18: {  	[hbm:s12], [sflag:s8] =	dma.local [spmem:s14], $0x100  }
0x19: {  	_ =	swait.ge [sflag:s20], $0x100  }
0x1a: {  	[sflag:s20] =	ssyncset.done $0x0  }
0x1b: {  	[sflag:s20] =	ssyncadd.s32 $0xFFFFFF00  }
.LBB2_11:
0x1c: {  	s1 =	sadd.s32 $0x1, s1;
	s8 =	rddreg [dreg:$0x8]  }
0x1d: {  	p3 =	sne.s32 s1, s8  }
.Ltmp1:
0x1e: {  	_ = 	snop;
	(pc) =	sbr.rel @!p3 .LBB2_12-.Ltmp1, $1  }
0x1f: {  	_ =	sdelay $0x3  }
.LBB2_1:
0x20: {  	s8 =	simm.s32 $0x0;
	s12 =	simm.s32 $0x200  }
.LBB2_2:
0x21: {  	p3 =	sne.s32 s12, $0xFE00;
	[tilespmem:s8+$0x470] =	vst v0  }
0x22: {  	[tilespmem:s8+$0x400] =	vst v0  }
0x23: {  	[tilespmem:s8+$0x410] =	vst v0  }
.Ltmp2:
0x24: {  	[tilespmem:s8+$0x420] =	vst v0;
	(pc) =	sbr.rel @p3 .LBB2_2-.Ltmp2, $4  }
0x25: {  	[tilespmem:s8+$0x430] =	vst v0  }
0x26: {  	[tilespmem:s8+$0x440] =	vst v0  }
0x27: {  	[tilespmem:s8+$0x450] =	vst v0  }
0x28: {  	[tilespmem:s8+$0x460] =	vst v0;
	s8 =	sshra.s32 s12, $0x2;
	s12 =	sadd.s32 $0x200, s12  }
0x29: {  	[tilespmem:s8+$0x470] =	vst v0  }
0x2a: {  	[tilespmem:s8+$0x400] =	vst v0  }
0x2b: {  	[tilespmem:s8+$0x410] =	vst v0  }
0x2c: {  	[tilespmem:s8+$0x420] =	vst v0  }
0x2d: {  	[tilespmem:s8+$0x430] =	vst v0  }
0x2e: {  	[tilespmem:s8+$0x440] =	vst v0  }
0x2f: {  	[tilespmem:s8+$0x450] =	vst v0  }
0x30: {  	[tilespmem:s8+$0x460] =	vst v0  }
0x31: {  	[spmem:s6] =	stream.linear.scatter [tilespmem:s19], [sflag:$0x7], $0x4000, $0x38;
	[tilespmem:$0x1C400] =	vst v63  }
0x32: {  	_ =	swait.ge [sflag:s20], $0x4000  }
0x33: {  	[sflag:s20] =	ssyncset.done $0x0  }
0x34: {  	[sflag:s20] =	ssyncadd.s32 $0xFFFFC000  }
0x35: {  	[spmem:s15] =	stream.linear.scatter [tilespmem:s19], [sflag:$0x7], $0x4000, $0x38;
	[tilespmem:$0x1C400] =	vst v63  }
0x36: {  	_ =	swait.ge [sflag:s20], $0x4000  }
0x37: {  	[sflag:s20] =	ssyncset.done $0x0  }
0x38: {  	[sflag:s20] =	ssyncadd.s32 $0xFFFFC000  }
0x39: {  	[spmem:s16] =	stream.linear.scatter [tilespmem:s19], [sflag:$0x7], $0x4000, $0x38;
	[tilespmem:$0x1C400] =	vst v63  }
0x3a: {  	_ =	swait.ge [sflag:s20], $0x4000  }
0x3b: {  	[sflag:s20] =	ssyncset.done $0x0  }
0x3c: {  	[sflag:s20] =	ssyncadd.s32 $0xFFFFC000  }
0x3d: {  	[spmem:s17] =	stream.linear.scatter [tilespmem:s19], [sflag:$0x7], $0x4000, $0x38;
	[tilespmem:$0x1C400] =	vst v63  }
0x3e: {  	_ =	swait.ge [sflag:s20], $0x4000  }
0x3f: {  	[sflag:s20] =	ssyncset.done $0x0  }
0x40: {  	[sflag:s20] =	ssyncadd.s32 $0xFFFFC000  }
0x41: {  	[spmem:s18] =	stream.linear.scatter [tilespmem:s19], [sflag:$0x7], $0x4000, $0x38;
	[tilespmem:$0x1C400] =	vst v63  }
0x42: {  	_ =	swait.ge [sflag:s20], $0x4000  }
0x43: {  	[sflag:s20] =	ssyncset.done $0x0  }
0x44: {  	[sflag:s20] =	ssyncadd.s32 $0xFFFFC000  }
0x45: {  	[bflag:$0x0] =	sbarrier.arrive $0xFFFF  }
0x46: {  	[tilespmem:s3], [sflag:$0x7] =	stream.linear.gather [hbm4b:s7+s3], $0x200, $0x38;
	[tilespmem:$0x1C400] =	vst v63  }
.Ltmp3:
0x47: {  	_ = 	snop;
	(pc) =	sbr.rel @p0 .LBB2_7-.Ltmp3, $4  }
0x48: {  	_ =	swait.ge [sflag:s20], $0x200  }
0x49: {  	[sflag:s20] =	ssyncset.done $0x0  }
0x4a: {  	s14 =	rddreg [dreg:$0x4];
	[sflag:s20] =	ssyncadd.s32 $0xFFFFFE00  }
0x4b: {  	[tilespmem:s21], [sflag:$0x4] =	stream.linear.gather [hbm4b:s14+s3], $0x200, $0x38;
	[tilespmem:$0x1C400] =	vst v63  }
0x4c: {  	[tilespmem:s19], [sflag:$0x1] =	stream.indirect.gather [hbm4b:s4+s22], $0x80, s3, s22, $0xb8;
	[tilespmem:$0x1C400] =	vst v63  }
0x4d: {  	_ = 	snop  }
0x4e: {  	[tilespmem:s23], [sflag:$0x2] =	stream.indirect.gather [hbm4b:s4+s22], $0x80, s22, s22, $0xb8;
	[tilespmem:$0x1C400] =	vst v63  }
0x4f: {  	_ =	swait.ge [sflag:s24], $0x4000  }
0x50: {  	[sflag:s24] =	ssyncset.done $0x0  }
0x51: {  	[sflag:s24] =	ssyncadd.s32 $0xFFFFC000  }
0x52: {  	[spmem:s2] =	stream.indirect.scatter.add.f32 [tilespmem:s19], [sflag:$0x5], $0x80, s26, s22, $0xb8;
	[tilespmem:$0x1C400] =	vst v63  }
0x53: {  	_ =	swait.ge [sflag:s28], $0x4000  }
0x54: {  	[sflag:s28] =	ssyncset.done $0x0  }
0x55: {  	[sflag:s28] =	ssyncadd.s32 $0xFFFFC000  }
0x56: {  	[spmem:s2] =	stream.indirect.scatter.add.f32 [tilespmem:s23], [sflag:$0x6], $0x80, s29, s22, $0xb8;
	[tilespmem:$0x1C400] =	vst v63  }
0x57: {  	_ =	swait.ge [sflag:s30], $0x200  }
0x58: {  	[sflag:s30] =	ssyncset.done $0x0  }
0x59: {  	[sflag:s30] =	ssyncadd.s32 $0xFFFFFE00  }
0x5a: {  	_ =	swait.ge [sflag:s31], $0x4000  }
0x5b: {  	[sflag:s31] =	ssyncset.done $0x0  }
0x5c: {  	[sflag:s31] =	ssyncadd.s32 $0xFFFFC000  }
0x5d: {  	[tilespmem:s19], [sflag:$0x1] =	stream.indirect.gather [hbm4b:s4+s22], $0x80, s21, s22, $0xb8;
	[tilespmem:$0x1C400] =	vst v63  }
0x5e: {  	_ =	swait.ge [sflag:s0], $0x4000  }
0x5f: {  	[sflag:s0] =	ssyncset.done $0x0  }
0x60: {  	s12 =	sadd.s32 $0xFFFFF600, s7;
	[sflag:s0] =	ssyncadd.s32 $0xFFFFC000  }
0x61: {  	[tilespmem:s23], [sflag:$0x2] =	stream.indirect.gather [hbm4b:s4+s22], $0x80, s13, s22, $0xb8;
	[tilespmem:$0x1C400] =	vst v63  }
0x62: {  	s8 =	sadd.s32 $0xA80, s12  }
0x63: {  	[tilespmem:s3], [sflag:$0x3] =	stream.linear.gather [hbm4b:s8+s3], $0x200, $0x38;
	[tilespmem:$0x1C400] =	vst v63  }
0x64: {  	_ =	swait.ge [sflag:s24], $0x4000  }
0x65: {  	[sflag:s24] =	ssyncset.done $0x0  }
0x66: {  	[sflag:s24] =	ssyncadd.s32 $0xFFFFC000  }
0x67: {  	[spmem:s2] =	stream.indirect.scatter.add.f32 [tilespmem:s19], [sflag:$0x5], $0x80, s25, s22, $0xb8;
	[tilespmem:$0x1C400] =	vst v63  }
0x68: {  	_ =	swait.ge [sflag:s28], $0x4000  }
0x69: {  	[sflag:s28] =	ssyncset.done $0x0  }
0x6a: {  	[sflag:s28] =	ssyncadd.s32 $0xFFFFC000  }
0x6b: {  	[spmem:s2] =	stream.indirect.scatter.add.f32 [tilespmem:s23], [sflag:$0x6], $0x80, s5, s22, $0xb8;
	[tilespmem:$0x1C400] =	vst v63  }
0x6c: {  	_ =	swait.ge [sflag:s10], $0x200  }
0x6d: {  	[sflag:s10] =	ssyncset.done $0x0  }
0x6e: {  	[sflag:s10] =	ssyncadd.s32 $0xFFFFFE00  }
0x6f: {  	_ =	swait.ge [sflag:s31], $0x4000  }
0x70: {  	[sflag:s31] =	ssyncset.done $0x0  }
0x71: {  	[sflag:s31] =	ssyncadd.s32 $0xFFFFC000  }
0x72: {  	[tilespmem:s19], [sflag:$0x1] =	stream.indirect.gather [hbm4b:s4+s22], $0x80, s3, s22, $0xb8;
	[tilespmem:$0x1C400] =	vst v63  }
0x73: {  	_ =	swait.ge [sflag:s0], $0x4000  }
0x74: {  	[sflag:s0] =	ssyncset.done $0x0  }
0x75: {  	s12 =	sadd.s32 $0xAC0, s12;
	s8 =	simm.s32 $0xFFFFF680;
	[sflag:s0] =	ssyncadd.s32 $0xFFFFC000  }
0x76: {  	[tilespmem:s23], [sflag:$0x2] =	stream.indirect.gather [hbm4b:s4+s22], $0x80, s22, s22, $0xb8;
	[tilespmem:$0x1C400] =	vst v63  }
.LBB2_5:
0x77: {  	[tilespmem:s21], [sflag:$0x4] =	stream.linear.gather [hbm4b:s12+s3], $0x200, $0x38;
	[tilespmem:$0x1C400] =	vst v63  }
0x78: {  	s12 =	smov.u32 s8  }
0x79: {  	p3 =	sne.s32 s8, $0xFFFFFF80;
	s8 =	sadd.s32 $0x80, s8;
	_ =	swait.ge [sflag:s24], $0x4000  }
0x7a: {  	[sflag:s24] =	ssyncset.done $0x0  }
0x7b: {  	[sflag:s24] =	ssyncadd.s32 $0xFFFFC000  }
0x7c: {  	[spmem:s2] =	stream.indirect.scatter.add.f32 [tilespmem:s19], [sflag:$0x5], $0x80, s26, s22, $0xb8;
	[tilespmem:$0x1C400] =	vst v63  }
0x7d: {  	_ =	swait.ge [sflag:s28], $0x4000  }
0x7e: {  	[sflag:s28] =	ssyncset.done $0x0  }
0x7f: {  	[sflag:s28] =	ssyncadd.s32 $0xFFFFC000  }
0x80: {  	[spmem:s2] =	stream.indirect.scatter.add.f32 [tilespmem:s23], [sflag:$0x6], $0x80, s29, s22, $0xb8;
	[tilespmem:$0x1C400] =	vst v63  }
0x81: {  	_ =	swait.ge [sflag:s30], $0x200  }
0x82: {  	[sflag:s30] =	ssyncset.done $0x0  }
0x83: {  	[sflag:s30] =	ssyncadd.s32 $0xFFFFFE00  }
0x84: {  	_ =	swait.ge [sflag:s31], $0x4000  }
0x85: {  	[sflag:s31] =	ssyncset.done $0x0  }
0x86: {  	[sflag:s31] =	ssyncadd.s32 $0xFFFFC000  }
0x87: {  	[tilespmem:s19], [sflag:$0x1] =	stream.indirect.gather [hbm4b:s4+s22], $0x80, s21, s22, $0xb8;
	[tilespmem:$0x1C400] =	vst v63  }
0x88: {  	_ =	swait.ge [sflag:s0], $0x4000  }
0x89: {  	[sflag:s0] =	ssyncset.done $0x0  }
0x8a: {  	s12 =	sadd.s32 s12, s7;
	[sflag:s0] =	ssyncadd.s32 $0xFFFFC000  }
0x8b: {  	[tilespmem:s23], [sflag:$0x2] =	stream.indirect.gather [hbm4b:s4+s22], $0x80, s13, s22, $0xb8;
	[tilespmem:$0x1C400] =	vst v63  }
0x8c: {  	s14 =	sadd.s32 $0xA80, s12  }
0x8d: {  	[tilespmem:s3], [sflag:$0x3] =	stream.linear.gather [hbm4b:s14+s3], $0x200, $0x38;
	[tilespmem:$0x1C400] =	vst v63  }
0x8e: {  	_ =	swait.ge [sflag:s24], $0x4000  }
0x8f: {  	[sflag:s24] =	ssyncset.done $0x0  }
0x90: {  	[sflag:s24] =	ssyncadd.s32 $0xFFFFC000  }
0x91: {  	[spmem:s2] =	stream.indirect.scatter.add.f32 [tilespmem:s19], [sflag:$0x5], $0x80, s25, s22, $0xb8;
	[tilespmem:$0x1C400] =	vst v63  }
0x92: {  	_ =	swait.ge [sflag:s28], $0x4000  }
0x93: {  	[sflag:s28] =	ssyncset.done $0x0  }
0x94: {  	[sflag:s28] =	ssyncadd.s32 $0xFFFFC000  }
0x95: {  	[spmem:s2] =	stream.indirect.scatter.add.f32 [tilespmem:s23], [sflag:$0x6], $0x80, s5, s22, $0xb8;
	[tilespmem:$0x1C400] =	vst v63  }
0x96: {  	_ =	swait.ge [sflag:s10], $0x200  }
0x97: {  	[sflag:s10] =	ssyncset.done $0x0  }
0x98: {  	[sflag:s10] =	ssyncadd.s32 $0xFFFFFE00  }
0x99: {  	_ =	swait.ge [sflag:s31], $0x4000  }
0x9a: {  	[sflag:s31] =	ssyncset.done $0x0  }
0x9b: {  	[sflag:s31] =	ssyncadd.s32 $0xFFFFC000  }
0x9c: {  	[tilespmem:s19], [sflag:$0x1] =	stream.indirect.gather [hbm4b:s4+s22], $0x80, s3, s22, $0xb8;
	[tilespmem:$0x1C400] =	vst v63  }
.Ltmp4:
0x9d: {  	_ =	swait.ge [sflag:s0], $0x4000;
	(pc) =	sbr.rel @p3 .LBB2_5-.Ltmp4, $4  }
0x9e: {  	[sflag:s0] =	ssyncset.done $0x0  }
0x9f: {  	[sflag:s0] =	ssyncadd.s32 $0xFFFFC000  }
0xa0: {  	[tilespmem:s23], [sflag:$0x2] =	stream.indirect.gather [hbm4b:s4+s22], $0x80, s22, s22, $0xb8;
	[tilespmem:$0x1C400] =	vst v63  }
0xa1: {  	s12 =	sadd.s32 $0xAC0, s12  }
0xa2: {  	[tilespmem:s21], [sflag:$0x4] =	stream.linear.gather [hbm4b:s12+s3], $0x200, $0x38;
	[tilespmem:$0x1C400] =	vst v63  }
0xa3: {  	_ =	swait.ge [sflag:s24], $0x4000  }
0xa4: {  	[sflag:s24] =	ssyncset.done $0x0  }
0xa5: {  	[sflag:s24] =	ssyncadd.s32 $0xFFFFC000  }
0xa6: {  	_ =	swait.ge [sflag:s28], $0x4000  }
0xa7: {  	[sflag:s28] =	ssyncset.done $0x0  }
0xa8: {  	[sflag:s28] =	ssyncadd.s32 $0xFFFFC000  }
0xa9: {  	_ =	swait.ge [sflag:s30], $0x200  }
0xaa: {  	[sflag:s30] =	ssyncset.done $0x0  }
0xab: {  	[sflag:s30] =	ssyncadd.s32 $0xFFFFFE00  }
0xac: {  	s8 =	stileid.u32;
	[bflag:$0x0] =	sbarrier.arrive $0xFFFF  }
0xad: {  	s8 =	sshll.u32 s8, $0x6;
	s14 =	rddreg [dreg:$0x6]  }
0xae: {  	s8 =	sor.u32 $0x1C07, s8;
	s12 =	sshrl.u32 s14, $0x3;
	s14 =	rddreg [dreg:$0x7]  }
0xaf: {  	[hbm:s14], [sflag:s8] =	dma.local [spmem:s12], $0x2700  }
.Ltmp5:
0xb0: {  	_ = 	snop;
	(pc) =	sbr.rel @p1 .LBB2_10-.Ltmp5, $4  }
.Ltmp6:
0xb1: {  	_ = 	snop;
	(pc) =	sbr.rel @!p1 .LBB2_11-.Ltmp6, $4  }
0xb2: {  	_ =	swait.ge [sflag:s20], $0x2700  }
0xb3: {  	[sflag:s20] =	ssyncset.done $0x0  }
0xb4: {  	s12 =	rddreg [dreg:$0x3];
	[sflag:s20] =	ssyncadd.s32 $0xFFFFD900  }
0xb5: {  	_ = 	snop  }
.LBB2_7:
0xb6: {  	[tilespmem:s19], [sflag:$0x1] =	stream.indirect.gather [hbm4b:s9+s22], $0x80, s3, s22, $0xb8;
	[tilespmem:$0x1C400] =	vst v63  }
0xb7: {  	_ = 	snop  }
0xb8: {  	[tilespmem:s23], [sflag:$0x2] =	stream.indirect.gather [hbm4b:s9+s22], $0x80, s22, s22, $0xb8;
	[tilespmem:$0x1C400] =	vst v63  }
0xb9: {  	_ =	swait.ge [sflag:s24], $0x4000  }
0xba: {  	[sflag:s24] =	ssyncset.done $0x0  }
0xbb: {  	[sflag:s24] =	ssyncadd.s32 $0xFFFFC000  }
0xbc: {  	[spmem:s2] =	stream.indirect.scatter.add.f32 [tilespmem:s19], [sflag:$0x5], $0x80, s26, s22, $0xb8;
	[tilespmem:$0x1C400] =	vst v63  }
0xbd: {  	_ =	swait.ge [sflag:s28], $0x4000  }
0xbe: {  	[sflag:s28] =	ssyncset.done $0x0  }
0xbf: {  	[sflag:s28] =	ssyncadd.s32 $0xFFFFC000  }
0xc0: {  	[spmem:s2] =	stream.indirect.scatter.add.f32 [tilespmem:s23], [sflag:$0x6], $0x80, s29, s22, $0xb8;
	[tilespmem:$0x1C400] =	vst v63  }
0xc1: {  	_ =	swait.ge [sflag:s30], $0x200  }
0xc2: {  	[sflag:s30] =	ssyncset.done $0x0  }
0xc3: {  	[sflag:s30] =	ssyncadd.s32 $0xFFFFFE00  }
0xc4: {  	_ =	swait.ge [sflag:s31], $0x4000  }
0xc5: {  	[sflag:s31] =	ssyncset.done $0x0  }
0xc6: {  	[sflag:s31] =	ssyncadd.s32 $0xFFFFC000  }
0xc7: {  	[tilespmem:s19], [sflag:$0x1] =	stream.indirect.gather [hbm4b:s9+s22], $0x80, s21, s22, $0xb8;
	[tilespmem:$0x1C400] =	vst v63  }
0xc8: {  	_ =	swait.ge [sflag:s0], $0x4000  }
0xc9: {  	[sflag:s0] =	ssyncset.done $0x0  }
0xca: {  	s12 =	sadd.s32 $0xFFFFF600, s7;
	[sflag:s0] =	ssyncadd.s32 $0xFFFFC000  }
0xcb: {  	[tilespmem:s23], [sflag:$0x2] =	stream.indirect.gather [hbm4b:s9+s22], $0x80, s13, s22, $0xb8;
	[tilespmem:$0x1C400] =	vst v63  }
0xcc: {  	s8 =	sadd.s32 $0xA80, s12  }
0xcd: {  	[tilespmem:s3], [sflag:$0x3] =	stream.linear.gather [hbm4b:s8+s3], $0x200, $0x38;
	[tilespmem:$0x1C400] =	vst v63  }
0xce: {  	_ =	swait.ge [sflag:s24], $0x4000  }
0xcf: {  	[sflag:s24] =	ssyncset.done $0x0  }
0xd0: {  	[sflag:s24] =	ssyncadd.s32 $0xFFFFC000  }
0xd1: {  	[spmem:s2] =	stream.indirect.scatter.add.f32 [tilespmem:s19], [sflag:$0x5], $0x80, s25, s22, $0xb8;
	[tilespmem:$0x1C400] =	vst v63  }
0xd2: {  	_ =	swait.ge [sflag:s28], $0x4000  }
0xd3: {  	[sflag:s28] =	ssyncset.done $0x0  }
0xd4: {  	[sflag:s28] =	ssyncadd.s32 $0xFFFFC000  }
0xd5: {  	[spmem:s2] =	stream.indirect.scatter.add.f32 [tilespmem:s23], [sflag:$0x6], $0x80, s5, s22, $0xb8;
	[tilespmem:$0x1C400] =	vst v63  }
0xd6: {  	_ =	swait.ge [sflag:s10], $0x200  }
0xd7: {  	[sflag:s10] =	ssyncset.done $0x0  }
0xd8: {  	[sflag:s10] =	ssyncadd.s32 $0xFFFFFE00  }
0xd9: {  	_ =	swait.ge [sflag:s31], $0x4000  }
0xda: {  	[sflag:s31] =	ssyncset.done $0x0  }
0xdb: {  	[sflag:s31] =	ssyncadd.s32 $0xFFFFC000  }
0xdc: {  	[tilespmem:s19], [sflag:$0x1] =	stream.indirect.gather [hbm4b:s9+s22], $0x80, s3, s22, $0xb8;
	[tilespmem:$0x1C400] =	vst v63  }
0xdd: {  	_ =	swait.ge [sflag:s0], $0x4000  }
0xde: {  	[sflag:s0] =	ssyncset.done $0x0  }
0xdf: {  	s12 =	sadd.s32 $0xAC0, s12;
	s8 =	simm.s32 $0xFFFFF680;
	[sflag:s0] =	ssyncadd.s32 $0xFFFFC000  }
0xe0: {  	[tilespmem:s23], [sflag:$0x2] =	stream.indirect.gather [hbm4b:s9+s22], $0x80, s22, s22, $0xb8;
	[tilespmem:$0x1C400] =	vst v63  }
.LBB2_8:
0xe1: {  	[tilespmem:s21], [sflag:$0x4] =	stream.linear.gather [hbm4b:s12+s3], $0x200, $0x38;
	[tilespmem:$0x1C400] =	vst v63  }
0xe2: {  	s12 =	smov.u32 s8  }
0xe3: {  	p3 =	sne.s32 s8, $0xFFFFFF80;
	s8 =	sadd.s32 $0x80, s8;
	_ =	swait.ge [sflag:s24], $0x4000  }
0xe4: {  	[sflag:s24] =	ssyncset.done $0x0  }
0xe5: {  	[sflag:s24] =	ssyncadd.s32 $0xFFFFC000  }
0xe6: {  	[spmem:s2] =	stream.indirect.scatter.add.f32 [tilespmem:s19], [sflag:$0x5], $0x80, s26, s22, $0xb8;
	[tilespmem:$0x1C400] =	vst v63  }
0xe7: {  	_ =	swait.ge [sflag:s28], $0x4000  }
0xe8: {  	[sflag:s28] =	ssyncset.done $0x0  }
0xe9: {  	[sflag:s28] =	ssyncadd.s32 $0xFFFFC000  }
0xea: {  	[spmem:s2] =	stream.indirect.scatter.add.f32 [tilespmem:s23], [sflag:$0x6], $0x80, s29, s22, $0xb8;
	[tilespmem:$0x1C400] =	vst v63  }
0xeb: {  	_ =	swait.ge [sflag:s30], $0x200  }
0xec: {  	[sflag:s30] =	ssyncset.done $0x0  }
0xed: {  	[sflag:s30] =	ssyncadd.s32 $0xFFFFFE00  }
0xee: {  	_ =	swait.ge [sflag:s31], $0x4000  }
0xef: {  	[sflag:s31] =	ssyncset.done $0x0  }
0xf0: {  	[sflag:s31] =	ssyncadd.s32 $0xFFFFC000  }
0xf1: {  	[tilespmem:s19], [sflag:$0x1] =	stream.indirect.gather [hbm4b:s9+s22], $0x80, s21, s22, $0xb8;
	[tilespmem:$0x1C400] =	vst v63  }
0xf2: {  	_ =	swait.ge [sflag:s0], $0x4000  }
0xf3: {  	[sflag:s0] =	ssyncset.done $0x0  }
0xf4: {  	s12 =	sadd.s32 s12, s7;
	[sflag:s0] =	ssyncadd.s32 $0xFFFFC000  }
0xf5: {  	[tilespmem:s23], [sflag:$0x2] =	stream.indirect.gather [hbm4b:s9+s22], $0x80, s13, s22, $0xb8;
	[tilespmem:$0x1C400] =	vst v63  }
0xf6: {  	s14 =	sadd.s32 $0xA80, s12  }
0xf7: {  	[tilespmem:s3], [sflag:$0x3] =	stream.linear.gather [hbm4b:s14+s3], $0x200, $0x38;
	[tilespmem:$0x1C400] =	vst v63  }
0xf8: {  	_ =	swait.ge [sflag:s24], $0x4000  }
0xf9: {  	[sflag:s24] =	ssyncset.done $0x0  }
0xfa: {  	[sflag:s24] =	ssyncadd.s32 $0xFFFFC000  }
0xfb: {  	[spmem:s2] =	stream.indirect.scatter.add.f32 [tilespmem:s19], [sflag:$0x5], $0x80, s25, s22, $0xb8;
	[tilespmem:$0x1C400] =	vst v63  }
0xfc: {  	_ =	swait.ge [sflag:s28], $0x4000  }
0xfd: {  	[sflag:s28] =	ssyncset.done $0x0  }
0xfe: {  	[sflag:s28] =	ssyncadd.s32 $0xFFFFC000  }
0xff: {  	[spmem:s2] =	stream.indirect.scatter.add.f32 [tilespmem:s23], [sflag:$0x6], $0x80, s5, s22, $0xb8;
	[tilespmem:$0x1C400] =	vst v63  }
0x100: {  	_ =	swait.ge [sflag:s10], $0x200  }
0x101: {  	[sflag:s10] =	ssyncset.done $0x0  }
0x102: {  	[sflag:s10] =	ssyncadd.s32 $0xFFFFFE00  }
0x103: {  	_ =	swait.ge [sflag:s31], $0x4000  }
0x104: {  	[sflag:s31] =	ssyncset.done $0x0  }
0x105: {  	[sflag:s31] =	ssyncadd.s32 $0xFFFFC000  }
0x106: {  	[tilespmem:s19], [sflag:$0x1] =	stream.indirect.gather [hbm4b:s9+s22], $0x80, s3, s22, $0xb8;
	[tilespmem:$0x1C400] =	vst v63  }
.Ltmp7:
0x107: {  	_ =	swait.ge [sflag:s0], $0x4000;
	(pc) =	sbr.rel @p3 .LBB2_8-.Ltmp7, $4  }
0x108: {  	[sflag:s0] =	ssyncset.done $0x0  }
0x109: {  	[sflag:s0] =	ssyncadd.s32 $0xFFFFC000  }
0x10a: {  	[tilespmem:s23], [sflag:$0x2] =	stream.indirect.gather [hbm4b:s9+s22], $0x80, s22, s22, $0xb8;
	[tilespmem:$0x1C400] =	vst v63  }
0x10b: {  	s12 =	sadd.s32 $0xAC0, s12  }
0x10c: {  	[tilespmem:s21], [sflag:$0x4] =	stream.linear.gather [hbm4b:s12+s3], $0x200, $0x38;
	[tilespmem:$0x1C400] =	vst v63  }
0x10d: {  	_ =	swait.ge [sflag:s24], $0x4000  }
0x10e: {  	[sflag:s24] =	ssyncset.done $0x0  }
0x10f: {  	[sflag:s24] =	ssyncadd.s32 $0xFFFFC000  }
0x110: {  	_ =	swait.ge [sflag:s28], $0x4000  }
0x111: {  	[sflag:s28] =	ssyncset.done $0x0  }
0x112: {  	[sflag:s28] =	ssyncadd.s32 $0xFFFFC000  }
0x113: {  	_ =	swait.ge [sflag:s30], $0x200  }
0x114: {  	[sflag:s30] =	ssyncset.done $0x0  }
0x115: {  	[sflag:s30] =	ssyncadd.s32 $0xFFFFFE00  }
0x116: {  	[bflag:$0x0] =	sbarrier.arrive $0xFFFF  }
0x117: {  	s8 =	stileid.u32;
	s14 =	rddreg [dreg:$0x5]  }
0x118: {  	s8 =	sshll.u32 s8, $0x6;
	s12 =	sadd.s32 s14, s11;
	s14 =	rddreg [dreg:$0x6]  }
0x119: {  	s8 =	sor.u32 $0x1C07, s8;
	s14 =	sshrl.u32 s14, $0x3  }
0x11a: {  	[hbm:s12], [sflag:s8] =	dma.local [spmem:s14], $0x2700  }
.Ltmp8:
0x11b: {  	_ = 	snop;
	(pc) =	sbr.rel @p2 .LBB2_11-.Ltmp8, $4  }
.Ltmp9:
0x11c: {  	_ = 	snop;
	(pc) =	sbr.rel @!p2 .LBB2_10-.Ltmp9, $4  }
0x11d: {  	_ =	swait.ge [sflag:s20], $0x2700  }
0x11e: {  	[sflag:s20] =	ssyncset.done $0x0  }
0x11f: {  	s12 =	smov.u32 s11;
	[sflag:s20] =	ssyncadd.s32 $0xFFFFD900  }
0x120: {  	_ = 	snop  }
.LBB2_12:
0x121: {  	_ =	sfence.sel $0x180000  }
0x122: {  	[bflag:$0x0] =	sbarrier.arrive $0xFFFF  }
0x123: {  	_ =	strace $0x9000004D  }
0x124: {  	s0 =	stileid.u32;
	[bflag:$0x2] =	sbarrier.arrive $0xFFFF  }
0x125: {  	p0 =	sne.s32 s0, $0x0;
	s0 =	rddreg [dreg:$0x2]  }
0x126: {  	s0 =	sadd.s32 @!p0 $0x100000, s0  }
0x127: {  	[sflag:s0] =	ssyncadd.tile.s32 @!p0 $0x1;
	_ =	shalt  }
.Lfunc_end2:
_tile_overlayer_lowered:
.L_overlay_start_2:
0x128: {  	(tag) =	ssettag $0x2  }
0x129: {  	s0 =	rddreg [dreg:$0x0];
	s2 =	stileid.u32  }
0x12a: {  	s1 =	rddreg [dreg:$0x1];
	p0 =	sne.s32 s2, $0x0  }
0x12b: {  	s3 =	rddreg [dreg:$0x2];
	[bflag:$0x3] =	sbarrier.arrive $0xFFFF;
	s2 =	simm.s32 @!p0 $0x1C07  }
0x12c: {  	[timem:s3], [sflag:s2] =	dma.local @!p0 [hbm:s0], s1  }
0x12d: {  	s0 =	simm.s32 @!p0 $0x7  }
0x12e: {  	_ =	swait.ge @!p0 [sflag:s0], s1  }
0x12f: {  	s1 =	ssub.s32 @!p0 $0x0, s1;
	[sflag:s0] =	ssyncset.done @!p0 $0x0  }
0x130: {  	[sflag:s0] =	ssyncadd.s32 @!p0 s1  }
0x131: {  	[bflag:$0x3] =	sbarrier.arrive $0xFFFF  }
0x132: {  	_ =	shalt  }

// kernel: kernel.9.cloned.1.call-start
scs
__scs_entry_jumppad:
0x0: {  	(pc) =	sbr.rel $0x88, $3  }
0x1: {  	(tag) =	ssettag $0x0;
	lr =	simm.s32 $0x1  }
0x2: {  	[smem:$0x3F97] =	sst lr;
	_ =	strace $0xD0000000  }
0x3: {  	_ = 	snop  }
0x4: {  	_ = 	snop  }
0x5: {  	_ = 	snop  }
0x6: {  	_ = 	snop  }
0x7: {  	_ = 	snop  }
__scs_overlays_trampoline_lowered:
0x8: {  	[smem:$0x3FA6] =	sst s0  }
0x9: {  	[smem:$0x3FA7] =	sst s1  }
0xa: {  	[smem:$0x3FA8] =	sst s2  }
0xb: {  	[smem:$0x3FA9] =	sst s3  }
0xc: {  	[smem:$0x3FAA] =	sst s4  }
0xd: {  	[smem:$0x3FAB] =	sst s5  }
0xe: {  	[smem:$0x3FAC] =	sst s6  }
0xf: {  	[smem:$0x3FAD] =	sst s7  }
0x10: {  	[smem:$0x3FAE] =	sst s8  }
0x11: {  	[smem:$0x3FAF] =	sst s9;
	s0 =	simm.s32 @!p0 $0x0  }
0x12: {  	s1 =	sld [smem:$0x3F95];
	s0 =	simm.s32 @p0 $0x1  }
0x13: {  	[smem:$0x3FB0] =	sst s0;
	s0 =	simm.s32 @!p1 $0x0  }
0x14: {  	s2 =	sld [smem:$0x3F94];
	s0 =	simm.s32 @p1 $0x1  }
0x15: {  	[smem:$0x3FB1] =	sst s0;
	s0 =	simm.s32 @!p2 $0x0  }
0x16: {  	s3 =	sld [smem:$0x3FDB];
	s0 =	simm.s32 @p2 $0x1  }
0x17: {  	s4 =	simm.s32 $0x1BF5;
	[smem:$0x3FB3] =	sst s0  }
0x18: {  	s0 =	sld [smem:$0x3F96];
	_ =	swait.ge [sflag:s4], $0x0  }
0x19: {  	s7 =	sld [smem:$0x3F97]  }
0x1a: {  	s8 =	sadd.s32 $0xFFFFE003, lr  }
0x1b: {  	s9 =	sadd.s32 $0xFFFFFEF7, lr;
	s5 =	simm.s32 $0xFFFFFFFF;
	p2 =	slt.u32 s8, $0xFFFFF086  }
0x1c: {  	p1 =	slt.u32 s9, $0xF7A;
	s5 =	simm.s32 @!p2 $0x0  }
0x1d: {  	s5 =	simm.s32 @p1 $0x1;
	p0 =	seq.s32 s7, s2  }
0x1e: {  	s7 =	smul.u32 @!p0 $0xF7A, s2;
	p2 =	seq.s32 @!p0 s5, $0x0  }
0x1f: {  	s9 =	smul.u32 $0xF7A, s1;
	s8 =	simm.s32 @!p0 $0x1BF5;
	p2 =	por !p2, p0  }
0x20: {  	[sflag:s8] =	ssyncset.s32 @!p0 $0xFFFFF086;
	s6 =	sadd.s32 @!p0 s3, s7;
	s7 =	simm.s32 @!p0 $0x108  }
0x21: {  	s3 =	sadd.s32 s3, s9;
	s6 =	sadd.s32 @!p0 $0x88, s6;
	s7 =	simm.s32 @p2 $0x1082  }
0x22: {  	[simem:s7], [sflag:s8] =	dma.local @!p0 [hbm:s6], $0xF7A  }
0x23: {  	s9 =	sor.u32 $0xD0000000, s2;
	s6 =	simm.s32 $0x108;
	_ =	swait.ge @!p0 [sflag:s8], $0x0  }
0x24: {  	s3 =	sadd.s32 $0x88, s3;
	s6 =	simm.s32 @!p1 $0x1082;
	[sflag:s4] =	ssyncset.s32 $0xFFFFF086  }
0x25: {  	[simem:s6], [sflag:s4] =	dma.local [hbm:s3], $0xF7A  }
0x26: {  	[smem:$0x3F97] =	sst s1;
	(tag) =	ssettag s2;
	_ =	strace s9  }
0x27: {  	s1 =	sld [smem:$0x3FA7]  }
0x28: {  	s2 =	sld [smem:$0x3FA8]  }
0x29: {  	s4 =	sld [smem:$0x3FAA]  }
0x2a: {  	p0 =	seq.s32 s5, $0x0;
	s5 =	sld [smem:$0x3FAB]  }
0x2b: {  	s6 =	sld [smem:$0x3FAC]  }
0x2c: {  	s7 =	sld [smem:$0x3FAD]  }
0x2d: {  	s3 =	simm.s32 $0x108;
	s8 =	sld [smem:$0x3FAE]  }
0x2e: {  	s3 =	simm.s32 @!p0 $0x1082;
	s9 =	sld [smem:$0x3FAF]  }
0x2f: {  	lr =	sadd.s32 s0, s3;
	s0 =	sld [smem:$0x3FA6]  }
0x30: {  	s3 =	sld [smem:$0x3FA9]  }
0x31: {  	[smem:$0x3FB2] =	sst s10  }
0x32: {  	s10 =	sld [smem:$0x3FB0];
	_ =	sdelay $0x3  }
0x33: {  	p0 =	seq.s32 s10, $0x1;
	s10 =	sld [smem:$0x3FB2];
	_ =	sdelay $0x3  }
0x34: {  	[smem:$0x3FB2] =	sst s10  }
0x35: {  	s10 =	sld [smem:$0x3FB1];
	_ =	sdelay $0x3  }
0x36: {  	p1 =	seq.s32 s10, $0x1;
	s10 =	sld [smem:$0x3FB2];
	_ =	sdelay $0x3  }
0x37: {  	[smem:$0x3FB2] =	sst s10  }
0x38: {  	s10 =	sld [smem:$0x3FB3]  }
0x39: {  	_ = 	snop;
	(pc) =	sbr.ind lr, $3  }
0x3a: {  	_ = 	snop  }
0x3b: {  	_ = 	snop  }
0x3c: {  	p2 =	seq.s32 s10, $0x1;
	s10 =	sld [smem:$0x3FB2]  }
0x3d: {  	_ =	shalt  }
0x3e: {  	_ =	shalt  }
0x3f: {  	_ =	shalt  }
0x40: {  	_ =	shalt  }
0x41: {  	_ =	shalt  }
0x42: {  	_ =	shalt  }
0x43: {  	_ =	shalt  }
0x44: {  	_ =	shalt  }
0x45: {  	_ =	shalt  }
0x46: {  	_ =	shalt  }
0x47: {  	_ =	shalt  }
0x48: {  	_ =	shalt  }
0x49: {  	_ =	shalt  }
0x4a: {  	_ =	shalt  }
0x4b: {  	_ =	shalt  }
0x4c: {  	_ =	shalt  }
0x4d: {  	_ =	shalt  }
0x4e: {  	_ =	shalt  }
0x4f: {  	_ =	shalt  }
0x50: {  	_ =	shalt  }
0x51: {  	_ =	shalt  }
0x52: {  	_ =	shalt  }
0x53: {  	_ =	shalt  }
0x54: {  	_ =	shalt  }
0x55: {  	_ =	shalt  }
0x56: {  	_ =	shalt  }
0x57: {  	_ =	shalt  }
0x58: {  	_ =	shalt  }
0x59: {  	_ =	shalt  }
0x5a: {  	_ =	shalt  }
0x5b: {  	_ =	shalt  }
0x5c: {  	_ =	shalt  }
0x5d: {  	_ =	shalt  }
0x5e: {  	_ =	shalt  }
0x5f: {  	_ =	shalt  }
0x60: {  	_ =	shalt  }
0x61: {  	_ =	shalt  }
0x62: {  	_ =	shalt  }
0x63: {  	_ =	shalt  }
0x64: {  	_ =	shalt  }
0x65: {  	_ =	shalt  }
0x66: {  	_ =	shalt  }
0x67: {  	_ =	shalt  }
0x68: {  	_ =	shalt  }
0x69: {  	_ =	shalt  }
0x6a: {  	_ =	shalt  }
0x6b: {  	_ =	shalt  }
0x6c: {  	_ =	shalt  }
0x6d: {  	_ =	shalt  }
0x6e: {  	_ =	shalt  }
0x6f: {  	_ =	shalt  }
0x70: {  	_ =	shalt  }
0x71: {  	_ =	shalt  }
0x72: {  	_ =	shalt  }
0x73: {  	_ =	shalt  }
0x74: {  	_ =	shalt  }
0x75: {  	_ =	shalt  }
0x76: {  	_ =	shalt  }
0x77: {  	_ =	shalt  }
0x78: {  	_ =	shalt  }
0x79: {  	_ =	shalt  }
0x7a: {  	_ =	shalt  }
0x7b: {  	_ =	shalt  }
0x7c: {  	_ =	shalt  }
0x7d: {  	_ =	shalt  }
0x7e: {  	_ =	shalt  }
0x7f: {  	_ =	shalt  }
0x80: {  	_ =	shalt  }
0x81: {  	_ =	shalt  }
0x82: {  	_ =	shalt  }
0x83: {  	_ =	shalt  }
0x84: {  	_ =	shalt  }
0x85: {  	_ =	shalt  }
0x86: {  	_ =	shalt  }
0x87: {  	_ =	shalt  }
.Lfunc_end0:
.L_simem_size_0:
called_computation_lowered:
.L_overlay_start_0:
0x88: {  	s2 =	sld [smem:$0x3FD9]  }
0x89: {  	s3 =	sld [smem:$0x3FFE];
	_ =	sdelay $0x1  }
0x8a: {  	s1 =	srdreg.scid  }
0x8b: {  	s0 =	sand.u32 $0x1, s1  }
0x8c: {  	s16 =	sshll.u32 s0, $0xA;
	s2 =	sadd.s32 s3, s2  }
0x8d: {  	s2 =	sadd.s32 s2, s16  }
0x8e: {  	[smem:$0x3FBE] =	sst s2  }
0x8f: {  	_ = 	snop  }
0x90: {  	(tm) =	ssettm $0x1  }
0x91: {  	s17 =	sld [smem:$0x3FFB];
	_ =	sdelay $0x3  }
0x92: {  	_ =	strace s17  }
0x93: {  	s2 =	sld [smem:$0x3FFC];
	_ =	sdelay $0x3  }
0x94: {  	_ =	strace s2  }
0x95: {  	s2 =	sld [smem:$0x3FFD];
	_ =	sdelay $0x3  }
0x96: {  	_ =	strace s2  }
0x97: {  	_ =	strace $0x8FFFFFFF  }
0x98: {  	s18 =	sld [smem:$0x3FDB];
	_ =	sdelay $0x1  }
0x99: {  	s19 =	simm.s32 $_scs_section_size  }
0x9a: {  	s4 =	simm.s32 $_size__tile_overlayer_lowered;
	s5 =	simm.s32 $_tile_overlayer_lowered  }
0x9b: {  	s22 =	simm.s32 $0x1BFF;
	s21 =	sshll.u32 s5, $0x1;
	s2 =	sadd.s32 s19, s18  }
0x9c: {  	s6 =	simm.s32 $0x0;
	s20 =	sshll.u32 s4, $0x1;
	s4 =	sadd.s32 s21, s2  }
0x9d: {  	[timem:s6], [sflag:s22] =	dma.local [hbm:s4], s20  }
0x9e: {  	_ =	swait.ge [sflag:s22], s20  }
0x9f: {  	s3 =	ssub.s32 $0x0, s20;
	[sflag:s22] =	ssyncset.done $0x0  }
0xa0: {  	[sflag:s22] =	ssyncadd.s32 s3;
	_ =	sdelay $0x1  }
0xa1: {  	s23 =	simm.s32 $0x1B8B  }
0xa2: {  	_ =	swait.ge [sflag:s23], $0x1  }
0xa3: {  	[sflag:s23] =	ssyncset.done $0x0  }
0xa4: {  	s25 =	simm.s32 $0x1B8E;
	s24 =	sld [smem:$0x3FFE];
	[sflag:s23] =	ssyncadd.s32 $0xFFFFFFFF  }
0xa5: {  	s26 =	simm.s32 $execute0_lowered;
	[smem:$0x3FD2] =	sst s25  }
0xa6: {  	s4 =	sshll.u32 s26, $0x1;
	_ =	strace $0x80000046;
	[dreg:$0x1] =	wrdreg $0xFFFFFFFF  }
0xa7: {  	s28 =	simm.s32 $_size_execute0_lowered;
	s2 =	sadd.s32 s2, s4;
	[dreg:$0x0] =	wrdreg $0x0  }
0xa8: {  	s4 =	sshll.u32 s28, $0x1;
	[dreg:$0x2] =	wrdreg s2  }
0xa9: {  	[dreg:$0x3] =	wrdreg s4  }
0xaa: {  	[dreg:$0x4] =	wrdreg $0xC0  }
0xab: {  	_ =	task [dreg:s6], $0x5FFFF  }
0xac: {  	[dreg:$0x1] =	wrdreg $0xFFFFFFFF  }
0xad: {  	[dreg:$0x0] =	wrdreg $0x60  }
0xae: {  	[dreg:$0x2] =	wrdreg s24  }
0xaf: {  	[dreg:$0x3] =	wrdreg $0x17000  }
0xb0: {  	[dreg:$0x4] =	wrdreg $0x9  }
0xb1: {  	_ =	task.clear_ibuf [dreg:s6], $0x5FFFF;
	_ =	strace $0x90000046  }
0xb2: {  	s29 =	simm.s32 $0x9;
	_ =	strace $0x80000048  }
0xb3: {  	_ =	swait.ge [sflag:s29], $0x1  }
0xb4: {  	[sflag:s29] =	ssyncadd.s32 $0xFFFFFFFF  }
0xb5: {  	_ =	strace $0x90000048  }
0xb6: {  	_ =	sfence  }
0xb7: {  	s30 =	sld [smem:$0x0];
	_ =	sdelay $0x2  }
0xb8: {  	s31 =	sshll.u32 s1, $0xD;
	s1 =	sshrl.u32 s1, $0x2  }
0xb9: {  	s3 =	sand.u32 $0x4000, s31;
	s1 =	sadd.s32 s1, s30  }
0xba: {  	s0 =	sor.u32 s3, s0;
	s1 =	sshll.u32 s1, $0x11  }
0xbb: {  	s0 =	sor.u32 s1, s0  }
0xbc: {  	s0 =	sadd.s32 $0x8F2B, s0  }
0xbd: {  	[sflag:s0] =	ssyncadd.remote.s32 $0x1  }
0xbe: {  	_ =	sfence.sel $0xFFFF  }
0xbf: {  	[dreg:$0x0] =	wrdreg $0xFFFFFFFF;
	(pc) =	sbr.abs _section_cstart, $3  }
0xc0: {  	[dreg:$0x1] =	wrdreg $0xFFFFFFFF  }
0xc1: {  	_ =	task.clear_ibuf [dreg:s6], $0x2FFFF;
	_ =	strace $0x9FFFFFFF  }
0xc2: {  	(tm) =	ssettm $0x7FFFFFFF  }
0xc3: {  	_ =	shalt  }
tec
execute0_lowered:
.L_overlay_start_1:
0x0: {  	(tag) =	ssettag $0x1  }
0x1: {  	s0 =	srdreg.scid;
	s5 =	rddreg [dreg:$0x0]  }
0x2: {  	s2 =	rddreg [dreg:$0x1];
	s3 =	simm.s32 $0x0;
	s10 =	simm.s32 $0x80  }
0x3: {  	s11 =	simm.s32 $0x1400;
	s14 =	simm.s32 $0x0;
	s4 =	sand.u32 $0x1, s0  }
0x4: {  	s0 =	stileid.u32;
	[smem:$0x7FF] =	sst s3;
	s1 =	sshll.u32 s4, $0x4  }
0x5: {  	s4 =	ssub.s32 $0x2, s4;
	s8 =	smul.u32 $0xA00, s0;
	s6 =	sor.u32 s0, s1  }
0x6: {  	s12 =	sshll.u32 s0, $0x6;
	s1 =	rddreg [dreg:$0x2];
	s7 =	smul.u32 $0x280, s6  }
0x7: {  	_ =	strace $0x80000047;
	s9 =	sshrl.u32 s4, $0x1;
	s6 =	smul.u32 $0x50, s6  }
0x8: {  	s12 =	sor.u32 $0x1C01, s12;
	s9 =	ssub.s32 s4, s9;
	s31 =	sshrl.u32 s8, $0x2  }
0x9: {  	s8 =	simm.s32 $0x1;
	s7 =	sadd.s32 s7, s5;
	s6 =	sadd.s32 s6, s5  }
0xa: {  	s5 =	sadd.s32 s31, s2;
	s4 =	sadd.s32 $0x2000, s7;
	s6 =	sadd.s32 $0x7000, s6  }
0xb: {  	v0 =	vimm.f32 $1.000000000e+00;
	v1 =	vimm.f32 $0.0e+00;
	s7 =	smax.u32 s9, $0x1;
	s9 =	simm.s32 $0x1480;
	s13 =	sshrl.u32 s5, $0x3  }
.LBB2_1:
0xc: {  	[tilespmem:s3], [sflag:$0x1] =	stream.linear.gather [hbm4b:s4+s3], $0x1400, $0x38;
	[tilespmem:$0x1980] =	vst v63  }
0xd: {  	_ =	swait.ge [sflag:s8], $0x1400  }
0xe: {  	[sflag:s8] =	ssyncset.done $0x0  }
0xf: {  	[sflag:s8] =	ssyncadd.s32 $0xFFFFEC00  }
0x10: {  	[tilespmem:$0x1400] =	vst v0  }
0x11: {  	[tilespmem:$0x1410] =	vst v0  }
0x12: {  	[tilespmem:$0x1420] =	vst v0  }
0x13: {  	[tilespmem:$0x1430] =	vst v0  }
0x14: {  	[tilespmem:$0x1440] =	vst v0  }
0x15: {  	[tilespmem:$0x1450] =	vst v0  }
0x16: {  	[tilespmem:$0x1460] =	vst v0  }
0x17: {  	[tilespmem:$0x1470] =	vst v0  }
0x18: {  	[tilespmem:$0x1480] =	vst v1  }
0x19: {  	[tilespmem:$0x1490] =	vst v1  }
0x1a: {  	[tilespmem:$0x14A0] =	vst v1  }
0x1b: {  	[tilespmem:$0x14B0] =	vst v1  }
0x1c: {  	[tilespmem:$0x14C0] =	vst v1  }
0x1d: {  	[tilespmem:$0x14D0] =	vst v1  }
0x1e: {  	[tilespmem:$0x14E0] =	vst v1  }
0x1f: {  	[tilespmem:$0x14F0] =	vst v1  }
0x20: {  	[tilespmem:$0x1500] =	vst v1  }
0x21: {  	[tilespmem:$0x1510] =	vst v1  }
0x22: {  	[tilespmem:$0x1520] =	vst v1  }
0x23: {  	[tilespmem:$0x1530] =	vst v1  }
0x24: {  	[tilespmem:$0x1540] =	vst v1  }
0x25: {  	[tilespmem:$0x1550] =	vst v1  }
0x26: {  	[tilespmem:$0x1560] =	vst v1  }
0x27: {  	[tilespmem:$0x1570] =	vst v1  }
0x28: {  	[tilespmem:$0x1580] =	vst v1  }
0x29: {  	[tilespmem:$0x1590] =	vst v1  }
0x2a: {  	[tilespmem:$0x15A0] =	vst v1  }
0x2b: {  	[tilespmem:$0x15B0] =	vst v1  }
0x2c: {  	[tilespmem:$0x15C0] =	vst v1  }
0x2d: {  	[tilespmem:$0x15D0] =	vst v1  }
0x2e: {  	[tilespmem:$0x15E0] =	vst v1  }
0x2f: {  	[tilespmem:$0x15F0] =	vst v1  }
0x30: {  	[tilespmem:$0x1600] =	vst v1  }
0x31: {  	[tilespmem:$0x1610] =	vst v1  }
0x32: {  	[tilespmem:$0x1620] =	vst v1  }
0x33: {  	[tilespmem:$0x1630] =	vst v1  }
0x34: {  	[tilespmem:$0x1640] =	vst v1  }
0x35: {  	[tilespmem:$0x1650] =	vst v1  }
0x36: {  	[tilespmem:$0x1660] =	vst v1  }
0x37: {  	[tilespmem:$0x1670] =	vst v1  }
0x38: {  	[tilespmem:$0x1680] =	vst v1  }
0x39: {  	[tilespmem:$0x1690] =	vst v1  }
0x3a: {  	[tilespmem:$0x16A0] =	vst v1  }
0x3b: {  	[tilespmem:$0x16B0] =	vst v1  }
0x3c: {  	[tilespmem:$0x16C0] =	vst v1  }
0x3d: {  	[tilespmem:$0x16D0] =	vst v1  }
0x3e: {  	[tilespmem:$0x16E0] =	vst v1  }
0x3f: {  	[tilespmem:$0x16F0] =	vst v1  }
0x40: {  	[spmem:s5] =	stream.linear.scatter [tilespmem:s9], [sflag:$0x1], $0x280, $0x38;
	[tilespmem:$0x1980] =	vst v63  }
0x41: {  	_ =	swait.ge [sflag:s8], $0x280  }
0x42: {  	[sflag:s8] =	ssyncset.done $0x0  }
0x43: {  	[sflag:s8] =	ssyncadd.s32 $0xFFFFFD80  }
0x44: {  	s15 =	simm.s32 $0x0;
	[bflag:$0x0] =	sbarrier.arrive $0xFFFF  }
0x45: {  	[spmem:s2] =	stream.indirect.scatter.add.f32 [tilespmem:s11], [sflag:$0x1], $0x1, s15, s10, $0xb8;
	[tilespmem:$0x1980] =	vst v63  }
0x46: {  	_ =	swait.ge [sflag:s8], $0x80  }
0x47: {  	s15 =	simm.s32 $0x200;
	[sflag:s8] =	ssyncset.done $0x0  }
.LBB2_2:
0x48: {  	s16 =	sshra.s32 s15, $0x2;
	[sflag:s8] =	ssyncadd.s32 $0xFFFFFF80;
	p0 =	sne.s32 s15, $0x4E00  }
0x49: {  	[spmem:s2] =	stream.indirect.scatter.add.f32 [tilespmem:s11], [sflag:$0x1], $0x1, s16, s10, $0xb8;
	[tilespmem:$0x1980] =	vst v63  }
.Ltmp0:
0x4a: {  	_ = 	snop;
	(pc) =	sbr.rel @p0 .LBB2_2-.Ltmp0, $4  }
0x4b: {  	_ = 	snop  }
0x4c: {  	s15 =	sadd.s32 $0x200, s15  }
0x4d: {  	_ =	swait.ge [sflag:s8], $0x80  }
0x4e: {  	[sflag:s8] =	ssyncset.done $0x0  }
0x4f: {  	s14 =	sadd.s32 $0x1, s14  }
0x50: {  	[sflag:s8] =	ssyncadd.s32 $0xFFFFFF80;
	p0 =	sne.s32 s14, s7  }
.Ltmp1:
0x51: {  	[bflag:$0x0] =	sbarrier.arrive $0xFFFF;
	(pc) =	sbr.rel @p0 .LBB2_1-.Ltmp1, $4  }
0x52: {  	[hbm:s6], [sflag:s12] =	dma.local [spmem:s13], $0x50  }
0x53: {  	_ =	swait.ge [sflag:s8], $0x50  }
0x54: {  	[sflag:s8] =	ssyncset.done $0x0  }
0x55: {  	[sflag:s8] =	ssyncadd.s32 $0xFFFFFFB0  }
0x56: {  	_ =	sfence.sel $0x180000  }
0x57: {  	[bflag:$0x0] =	sbarrier.arrive $0xFFFF  }
0x58: {  	p0 =	sne.s32 s0, $0x0;
	_ =	strace $0x90000047  }
0x59: {  	s0 =	sadd.s32 @!p0 $0x100000, s1;
	[bflag:$0x2] =	sbarrier.arrive $0xFFFF  }
0x5a: {  	[sflag:s0] =	ssyncadd.tile.s32 @!p0 $0x1;
	_ =	shalt  }
.Lfunc_end2:
_tile_overlayer_lowered:
.L_overlay_start_2:
0x5b: {  	(tag) =	ssettag $0x2  }
0x5c: {  	s0 =	rddreg [dreg:$0x0];
	s2 =	stileid.u32  }
0x5d: {  	s1 =	rddreg [dreg:$0x1];
	p0 =	sne.s32 s2, $0x0  }
0x5e: {  	s3 =	rddreg [dreg:$0x2];
	[bflag:$0x3] =	sbarrier.arrive $0xFFFF;
	s2 =	simm.s32 @!p0 $0x1C01  }
0x5f: {  	[timem:s3], [sflag:s2] =	dma.local @!p0 [hbm:s0], s1  }
0x60: {  	s0 =	simm.s32 @!p0 $0x1  }
0x61: {  	_ =	swait.ge @!p0 [sflag:s0], s1  }
0x62: {  	s1 =	ssub.s32 @!p0 $0x0, s1;
	[sflag:s0] =	ssyncset.done @!p0 $0x0  }
0x63: {  	[sflag:s0] =	ssyncadd.s32 @!p0 s1  }
0x64: {  	[bflag:$0x3] =	sbarrier.arrive $0xFFFF  }
0x65: {  	_ =	shalt  }

</sc_bundles>
